<compile_context>
chip_gen: v7x
topology: tpu7x:2x2x1
jax: 0.10.2.dev20260603
libtpu: 0.0.44.dev20260713+nightly
codegen_flags: <defaults>
</compile_context>

<pallas_src>
import functools

import jax
import jax.numpy as jnp
from jax import lax
from jax.experimental import pallas as pl
from jax.experimental.pallas import tpu as pltpu
from jax.experimental.pallas import tpu_sc as plsc

_VOCAB = 100000
_EMB_DIM = 64
_DEFAULT_IDX = 0
_LANES = 16
_BATCH = 4096
_HIST = 50
_NC = 2
_NS = 16
_BW = _BATCH // (_NC * _NS)


def _sc_gather(table2, idx_t):
    mesh = plsc.VectorSubcoreMesh(core_axis_name="c", subcore_axis_name="s")

    nbuf = 6

    @functools.partial(
        pl.kernel,
        out_type=jax.ShapeDtypeStruct((_HIST, _BATCH, 2 * _EMB_DIM),
                                      jnp.float32),
        mesh=mesh,
        scratch_types=[
            pltpu.VMEM((_HIST, _BW), jnp.int32),
            pltpu.VMEM((_BW, 2 * _EMB_DIM), jnp.float32),
            pltpu.VMEM((_BW, 2 * _EMB_DIM), jnp.float32),
            pltpu.VMEM((_BW, 2 * _EMB_DIM), jnp.float32),
            pltpu.VMEM((_BW, 2 * _EMB_DIM), jnp.float32),
            pltpu.VMEM((_BW, 2 * _EMB_DIM), jnp.float32),
            pltpu.VMEM((_BW, 2 * _EMB_DIM), jnp.float32),
            pltpu.SemaphoreType.DMA,
            pltpu.SemaphoreType.DMA,
        ],
        compiler_params=pltpu.CompilerParams(use_tc_tiling_on_sc=False),
    )
    def k(table_hbm, idx_hbm, x_hbm, idx_v, s0, s1, s2, s3, s4, s5, sem, isem):
        wid = lax.axis_index("c") * _NS + lax.axis_index("s")
        b0 = wid * _BW
        bufs = [s0, s1, s2, s3, s4, s5]

        ld = [pltpu.async_copy(idx_hbm.at[pl.ds(h * _BATCH + b0, _BW)],
                               idx_v.at[h], isem)
              for h in range(_HIST)]
        for c in ld:
            c.wait()

        def clamp_body(h, carry):
            for l in range(_BW // _LANES):
                sl = pl.ds(l * _LANES, _LANES)
                v = idx_v[h, sl]
                ok = (v >= 0) & (v < _VOCAB)
                idx_v[h, sl] = jnp.where(ok, v, _DEFAULT_IDX)
            return carry

        lax.fori_loop(0, _HIST, clamp_body, 0)

        for b in range(nbuf):
            pltpu.async_copy(table_hbm.at[idx_v.at[b]], bufs[b], sem)

        def pipe_body(j, carry):
            for b in range(nbuf):
                h = nbuf * j + b
                pltpu.make_async_copy(
                    table_hbm.at[idx_v.at[0]], bufs[b], sem).wait()
                pltpu.sync_copy(bufs[b], x_hbm.at[h, pl.ds(b0, _BW)])

                @pl.when(h + nbuf < _HIST)
                def _():
                    pltpu.async_copy(
                        table_hbm.at[idx_v.at[h + nbuf]], bufs[b], sem)
            return carry

        lax.fori_loop(0, _HIST // nbuf, pipe_body, 0)
        for b in range(_HIST % nbuf):
            h = _HIST - _HIST % nbuf + b
            pltpu.make_async_copy(
                table_hbm.at[idx_v.at[0]], bufs[b], sem).wait()
            pltpu.sync_copy(bufs[b], x_hbm.at[h, pl.ds(b0, _BW)])

    return k(table2, idx_t)


def _tc_transpose(x):
    def body(x_ref, y_ref):
        xb = x_ref[0]
        y_ref[0] = jnp.transpose(xb[:, :_EMB_DIM], (1, 0))

    return pl.pallas_call(
        body,
        grid=(_HIST,),
        in_specs=[pl.BlockSpec((1, _BATCH, 2 * _EMB_DIM),
                               lambda i: (i, 0, 0))],
        out_specs=pl.BlockSpec((1, _EMB_DIM, _BATCH), lambda i: (i, 0, 0)),
        out_shape=jax.ShapeDtypeStruct((_HIST, _EMB_DIM, _BATCH),
                                       jnp.float32),
    )(x)


def kernel(inputs, embeddings):
    table2 = jnp.pad(
        embeddings, ((0, 0), (0, 2 * _EMB_DIM - embeddings.shape[1])))
    idx_t = inputs.T.reshape(-1)
    x = _sc_gather(table2, idx_t)
    y = _tc_transpose(x)
    return jnp.transpose(y, (2, 0, 1))

# --- scband reference (transcript-rebuilt; emitter-appended) ---
"""Pipeline reference for scband-get-emb-val-7739531067767 (READ-ONLY COPY).

The authoritative reference and input builder live on the scoring server;
editing this copy changes nothing except your own understanding.
"""

import jax, jax.numpy as jnp
import numpy as np

VOCAB = 100000
EMB_DIM = 64
BATCH = 4096
HIST = 50
DEFAULT_IDX = 0  # index of the '-1' OOV key in the vocab/table


def setup_inputs(seed: int = 0) -> dict:
    key = jax.random.key(seed)
    k1, k2 = jax.random.split(key)
    inputs = jax.random.randint(k1, (BATCH, HIST), 0, VOCAB, dtype=jnp.int32)
    embeddings = jax.random.normal(k2, (VOCAB, EMB_DIM), dtype=jnp.float32)
    return {"inputs": inputs, "embeddings": embeddings}


def reference(inputs, embeddings):
    # Faithful translation of GetEmbVal.call:
    #   1. StaticHashTable.lookup: maps each input key to its row index in the
    #      embedding table; out-of-vocab keys map to the index of '-1'
    #      (here modeled as identity mapping over [0, VOCAB) with OOV -> DEFAULT_IDX).
    #   2. embedding_ops.embedding_lookup: gather rows from the embedding table.
    valid = (inputs >= 0) & (inputs < VOCAB)
    idx = jnp.where(valid, inputs, DEFAULT_IDX)
    out = jnp.take(embeddings, idx, axis=0)
    return out

if __name__ == "__main__":
    import jax
    _d = setup_inputs()
    print(jax.jit(kernel)(*tuple(_d.values())))

</pallas_src>

<mosaic_0001>
#map = affine_map<(d0, d1) -> (0, 0)>
#map1 = affine_map<(d0, d1) -> (0)>
#map2 = affine_map<(d0, d1) -> (0, 0, 0)>
module attributes {stable_mosaic.version = 14 : i64} {
  func.func @k(%arg0: i32, %arg1: i32, %arg2: memref<100000x128xf32, #tpu.memory_space<hbm>>, %arg3: memref<204800xi32, #tpu.memory_space<hbm>>, %arg4: memref<50x4096x128xf32, #tpu.memory_space<hbm>>, %arg5: memref<50x128xi32, #tpu.memory_space<vmem>>, %arg6: memref<128x128xf32, #tpu.memory_space<vmem>>, %arg7: memref<128x128xf32, #tpu.memory_space<vmem>>, %arg8: memref<128x128xf32, #tpu.memory_space<vmem>>, %arg9: memref<128x128xf32, #tpu.memory_space<vmem>>, %arg10: memref<128x128xf32, #tpu.memory_space<vmem>>, %arg11: memref<128x128xf32, #tpu.memory_space<vmem>>, %arg12: memref<!tpu.dma_semaphore, #tpu.memory_space<semaphore_mem>>, %arg13: memref<!tpu.dma_semaphore, #tpu.memory_space<semaphore_mem>>) attributes {dimension_semantics = [#tpu.dimension_semantics<core_parallel>, #tpu.dimension_semantics<subcore_parallel>], iteration_bounds = array<i64: 2, 16>, scalar_prefetch = 0 : i64, scratch_operands = 9 : i64, tpu.core_type = #tpu.core_type<sc_vector_subcore>, window_params = [{transform_indices = #map}, {transform_indices = #map1}, {transform_indices = #map2}]} {
    %mul3A = arith.constant 16 : i32
    %mul3A_0 = arith.muli %arg0, %mul3A : i32
    %add3A = arith.addi %mul3A_0, %arg1 : i32
    %mul3A_1 = arith.constant 128 : i32
    %mul3A_2 = arith.muli %add3A, %mul3A_1 : i32
    %add3A_3 = arith.constant 0 : i32
    %add3A_4 = arith.addi %add3A_3, %mul3A_2 : i32
    %dma_start3A = arith.constant 0 : i32
    %dma_start3A_5 = arith.constant 0 : i32
    %dma_start3A_6 = tpu.memref_slice %arg5[%dma_start3A, %dma_start3A_5] : memref<50x128xi32, #tpu.memory_space<vmem>> -> memref<1x128xi32, #tpu.memory_space<vmem>>
    %dma_start3A_7 = tpu.memref_squeeze %dma_start3A_6 : memref<1x128xi32, #tpu.memory_space<vmem>> -> memref<128xi32, #tpu.memory_space<vmem>>
    %dma_start3A_8 = tpu.memref_slice %arg3[%add3A_4] : memref<204800xi32, #tpu.memory_space<hbm>> -> memref<128xi32, #tpu.memory_space<hbm>>
    %dma_start3A_9 = arith.constant 0 : i32
    %dma_start3A_10 = tpu.memref_slice %arg5[%dma_start3A, %dma_start3A_9] : memref<50x128xi32, #tpu.memory_space<vmem>> -> memref<1x128xi32, #tpu.memory_space<vmem>>
    %dma_start3A_11 = tpu.memref_squeeze %dma_start3A_10 : memref<1x128xi32, #tpu.memory_space<vmem>> -> memref<128xi32, #tpu.memory_space<vmem>>
    %dma_start3A_12 = tpu.memref_slice %arg3[%add3A_4] : memref<204800xi32, #tpu.memory_space<hbm>> -> memref<128xi32, #tpu.memory_space<hbm>>
    tpu.enqueue_dma source(%dma_start3A_12 : memref<128xi32, #tpu.memory_space<hbm>>) target(%dma_start3A_11 : memref<128xi32, #tpu.memory_space<vmem>>) target_semaphore(%arg13 : memref<!tpu.dma_semaphore, #tpu.memory_space<semaphore_mem>>)
    %add3A_13 = arith.constant 4096 : i32
    %add3A_14 = arith.addi %add3A_13, %mul3A_2 : i32
    %dma_start3A_15 = arith.constant 1 : i32
    %dma_start3A_16 = arith.constant 0 : i32
    %dma_start3A_17 = tpu.memref_slice %arg5[%dma_start3A_15, %dma_start3A_16] : memref<50x128xi32, #tpu.memory_space<vmem>> -> memref<1x128xi32, #tpu.memory_space<vmem>>
    %dma_start3A_18 = tpu.memref_squeeze %dma_start3A_17 : memref<1x128xi32, #tpu.memory_space<vmem>> -> memref<128xi32, #tpu.memory_space<vmem>>
    %dma_start3A_19 = tpu.memref_slice %arg3[%add3A_14] : memref<204800xi32, #tpu.memory_space<hbm>> -> memref<128xi32, #tpu.memory_space<hbm>>
    %dma_start3A_20 = arith.constant 0 : i32
    %dma_start3A_21 = tpu.memref_slice %arg5[%dma_start3A_15, %dma_start3A_20] : memref<50x128xi32, #tpu.memory_space<vmem>> -> memref<1x128xi32, #tpu.memory_space<vmem>>
    %dma_start3A_22 = tpu.memref_squeeze %dma_start3A_21 : memref<1x128xi32, #tpu.memory_space<vmem>> -> memref<128xi32, #tpu.memory_space<vmem>>
    %dma_start3A_23 = tpu.memref_slice %arg3[%add3A_14] : memref<204800xi32, #tpu.memory_space<hbm>> -> memref<128xi32, #tpu.memory_space<hbm>>
    tpu.enqueue_dma source(%dma_start3A_23 : memref<128xi32, #tpu.memory_space<hbm>>) target(%dma_start3A_22 : memref<128xi32, #tpu.memory_space<vmem>>) target_semaphore(%arg13 : memref<!tpu.dma_semaphore, #tpu.memory_space<semaphore_mem>>)
    %add3A_24 = arith.constant 8192 : i32
    %add3A_25 = arith.addi %add3A_24, %mul3A_2 : i32
    %dma_start3A_26 = arith.constant 2 : i32
    %dma_start3A_27 = arith.constant 0 : i32
    %dma_start3A_28 = tpu.memref_slice %arg5[%dma_start3A_26, %dma_start3A_27] : memref<50x128xi32, #tpu.memory_space<vmem>> -> memref<1x128xi32, #tpu.memory_space<vmem>>
    %dma_start3A_29 = tpu.memref_squeeze %dma_start3A_28 : memref<1x128xi32, #tpu.memory_space<vmem>> -> memref<128xi32, #tpu.memory_space<vmem>>
    %dma_start3A_30 = tpu.memref_slice %arg3[%add3A_25] : memref<204800xi32, #tpu.memory_space<hbm>> -> memref<128xi32, #tpu.memory_space<hbm>>
    %dma_start3A_31 = arith.constant 0 : i32
    %dma_start3A_32 = tpu.memref_slice %arg5[%dma_start3A_26, %dma_start3A_31] : memref<50x128xi32, #tpu.memory_space<vmem>> -> memref<1x128xi32, #tpu.memory_space<vmem>>
    %dma_start3A_33 = tpu.memref_squeeze %dma_start3A_32 : memref<1x128xi32, #tpu.memory_space<vmem>> -> memref<128xi32, #tpu.memory_space<vmem>>
    %dma_start3A_34 = tpu.memref_slice %arg3[%add3A_25] : memref<204800xi32, #tpu.memory_space<hbm>> -> memref<128xi32, #tpu.memory_space<hbm>>
    tpu.enqueue_dma source(%dma_start3A_34 : memref<128xi32, #tpu.memory_space<hbm>>) target(%dma_start3A_33 : memref<128xi32, #tpu.memory_space<vmem>>) target_semaphore(%arg13 : memref<!tpu.dma_semaphore, #tpu.memory_space<semaphore_mem>>)
    %add3A_35 = arith.constant 12288 : i32
    %add3A_36 = arith.addi %add3A_35, %mul3A_2 : i32
    %dma_start3A_37 = arith.constant 3 : i32
    %dma_start3A_38 = arith.constant 0 : i32
    %dma_start3A_39 = tpu.memref_slice %arg5[%dma_start3A_37, %dma_start3A_38] : memref<50x128xi32, #tpu.memory_space<vmem>> -> memref<1x128xi32, #tpu.memory_space<vmem>>
    %dma_start3A_40 = tpu.memref_squeeze %dma_start3A_39 : memref<1x128xi32, #tpu.memory_space<vmem>> -> memref<128xi32, #tpu.memory_space<vmem>>
    %dma_start3A_41 = tpu.memref_slice %arg3[%add3A_36] : memref<204800xi32, #tpu.memory_space<hbm>> -> memref<128xi32, #tpu.memory_space<hbm>>
    %dma_start3A_42 = arith.constant 0 : i32
    %dma_start3A_43 = tpu.memref_slice %arg5[%dma_start3A_37, %dma_start3A_42] : memref<50x128xi32, #tpu.memory_space<vmem>> -> memref<1x128xi32, #tpu.memory_space<vmem>>
    %dma_start3A_44 = tpu.memref_squeeze %dma_start3A_43 : memref<1x128xi32, #tpu.memory_space<vmem>> -> memref<128xi32, #tpu.memory_space<vmem>>
    %dma_start3A_45 = tpu.memref_slice %arg3[%add3A_36] : memref<204800xi32, #tpu.memory_space<hbm>> -> memref<128xi32, #tpu.memory_space<hbm>>
    tpu.enqueue_dma source(%dma_start3A_45 : memref<128xi32, #tpu.memory_space<hbm>>) target(%dma_start3A_44 : memref<128xi32, #tpu.memory_space<vmem>>) target_semaphore(%arg13 : memref<!tpu.dma_semaphore, #tpu.memory_space<semaphore_mem>>)
    %add3A_46 = arith.constant 16384 : i32
    %add3A_47 = arith.addi %add3A_46, %mul3A_2 : i32
    %dma_start3A_48 = arith.constant 4 : i32
    %dma_start3A_49 = arith.constant 0 : i32
    %dma_start3A_50 = tpu.memref_slice %arg5[%dma_start3A_48, %dma_start3A_49] : memref<50x128xi32, #tpu.memory_space<vmem>> -> memref<1x128xi32, #tpu.memory_space<vmem>>
    %dma_start3A_51 = tpu.memref_squeeze %dma_start3A_50 : memref<1x128xi32, #tpu.memory_space<vmem>> -> memref<128xi32, #tpu.memory_space<vmem>>
    %dma_start3A_52 = tpu.memref_slice %arg3[%add3A_47] : memref<204800xi32, #tpu.memory_space<hbm>> -> memref<128xi32, #tpu.memory_space<hbm>>
    %dma_start3A_53 = arith.constant 0 : i32
    %dma_start3A_54 = tpu.memref_slice %arg5[%dma_start3A_48, %dma_start3A_53] : memref<50x128xi32, #tpu.memory_space<vmem>> -> memref<1x128xi32, #tpu.memory_space<vmem>>
    %dma_start3A_55 = tpu.memref_squeeze %dma_start3A_54 : memref<1x128xi32, #tpu.memory_space<vmem>> -> memref<128xi32, #tpu.memory_space<vmem>>
    %dma_start3A_56 = tpu.memref_slice %arg3[%add3A_47] : memref<204800xi32, #tpu.memory_space<hbm>> -> memref<128xi32, #tpu.memory_space<hbm>>
    tpu.enqueue_dma source(%dma_start3A_56 : memref<128xi32, #tpu.memory_space<hbm>>) target(%dma_start3A_55 : memref<128xi32, #tpu.memory_space<vmem>>) target_semaphore(%arg13 : memref<!tpu.dma_semaphore, #tpu.memory_space<semaphore_mem>>)
    %add3A_57 = arith.constant 20480 : i32
    %add3A_58 = arith.addi %add3A_57, %mul3A_2 : i32
    %dma_start3A_59 = arith.constant 5 : i32
    %dma_start3A_60 = arith.constant 0 : i32
    %dma_start3A_61 = tpu.memref_slice %arg5[%dma_start3A_59, %dma_start3A_60] : memref<50x128xi32, #tpu.memory_space<vmem>> -> memref<1x128xi32, #tpu.memory_space<vmem>>
    %dma_start3A_62 = tpu.memref_squeeze %dma_start3A_61 : memref<1x128xi32, #tpu.memory_space<vmem>> -> memref<128xi32, #tpu.memory_space<vmem>>
    %dma_start3A_63 = tpu.memref_slice %arg3[%add3A_58] : memref<204800xi32, #tpu.memory_space<hbm>> -> memref<128xi32, #tpu.memory_space<hbm>>
    %dma_start3A_64 = arith.constant 0 : i32
    %dma_start3A_65 = tpu.memref_slice %arg5[%dma_start3A_59, %dma_start3A_64] : memref<50x128xi32, #tpu.memory_space<vmem>> -> memref<1x128xi32, #tpu.memory_space<vmem>>
    %dma_start3A_66 = tpu.memref_squeeze %dma_start3A_65 : memref<1x128xi32, #tpu.memory_space<vmem>> -> memref<128xi32, #tpu.memory_space<vmem>>
    %dma_start3A_67 = tpu.memref_slice %arg3[%add3A_58] : memref<204800xi32, #tpu.memory_space<hbm>> -> memref<128xi32, #tpu.memory_space<hbm>>
    tpu.enqueue_dma source(%dma_start3A_67 : memref<128xi32, #tpu.memory_space<hbm>>) target(%dma_start3A_66 : memref<128xi32, #tpu.memory_space<vmem>>) target_semaphore(%arg13 : memref<!tpu.dma_semaphore, #tpu.memory_space<semaphore_mem>>)
    %add3A_68 = arith.constant 24576 : i32
    %add3A_69 = arith.addi %add3A_68, %mul3A_2 : i32
    %dma_start3A_70 = arith.constant 6 : i32
    %dma_start3A_71 = arith.constant 0 : i32
    %dma_start3A_72 = tpu.memref_slice %arg5[%dma_start3A_70, %dma_start3A_71] : memref<50x128xi32, #tpu.memory_space<vmem>> -> memref<1x128xi32, #tpu.memory_space<vmem>>
    %dma_start3A_73 = tpu.memref_squeeze %dma_start3A_72 : memref<1x128xi32, #tpu.memory_space<vmem>> -> memref<128xi32, #tpu.memory_space<vmem>>
    %dma_start3A_74 = tpu.memref_slice %arg3[%add3A_69] : memref<204800xi32, #tpu.memory_space<hbm>> -> memref<128xi32, #tpu.memory_space<hbm>>
    %dma_start3A_75 = arith.constant 0 : i32
    %dma_start3A_76 = tpu.memref_slice %arg5[%dma_start3A_70, %dma_start3A_75] : memref<50x128xi32, #tpu.memory_space<vmem>> -> memref<1x128xi32, #tpu.memory_space<vmem>>
    %dma_start3A_77 = tpu.memref_squeeze %dma_start3A_76 : memref<1x128xi32, #tpu.memory_space<vmem>> -> memref<128xi32, #tpu.memory_space<vmem>>
    %dma_start3A_78 = tpu.memref_slice %arg3[%add3A_69] : memref<204800xi32, #tpu.memory_space<hbm>> -> memref<128xi32, #tpu.memory_space<hbm>>
    tpu.enqueue_dma source(%dma_start3A_78 : memref<128xi32, #tpu.memory_space<hbm>>) target(%dma_start3A_77 : memref<128xi32, #tpu.memory_space<vmem>>) target_semaphore(%arg13 : memref<!tpu.dma_semaphore, #tpu.memory_space<semaphore_mem>>)
    %add3A_79 = arith.constant 28672 : i32
    %add3A_80 = arith.addi %add3A_79, %mul3A_2 : i32
    %dma_start3A_81 = arith.constant 7 : i32
    %dma_start3A_82 = arith.constant 0 : i32
    %dma_start3A_83 = tpu.memref_slice %arg5[%dma_start3A_81, %dma_start3A_82] : memref<50x128xi32, #tpu.memory_space<vmem>> -> memref<1x128xi32, #tpu.memory_space<vmem>>
    %dma_start3A_84 = tpu.memref_squeeze %dma_start3A_83 : memref<1x128xi32, #tpu.memory_space<vmem>> -> memref<128xi32, #tpu.memory_space<vmem>>
    %dma_start3A_85 = tpu.memref_slice %arg3[%add3A_80] : memref<204800xi32, #tpu.memory_space<hbm>> -> memref<128xi32, #tpu.memory_space<hbm>>
    %dma_start3A_86 = arith.constant 0 : i32
    %dma_start3A_87 = tpu.memref_slice %arg5[%dma_start3A_81, %dma_start3A_86] : memref<50x128xi32, #tpu.memory_space<vmem>> -> memref<1x128xi32, #tpu.memory_space<vmem>>
    %dma_start3A_88 = tpu.memref_squeeze %dma_start3A_87 : memref<1x128xi32, #tpu.memory_space<vmem>> -> memref<128xi32, #tpu.memory_space<vmem>>
    %dma_start3A_89 = tpu.memref_slice %arg3[%add3A_80] : memref<204800xi32, #tpu.memory_space<hbm>> -> memref<128xi32, #tpu.memory_space<hbm>>
    tpu.enqueue_dma source(%dma_start3A_89 : memref<128xi32, #tpu.memory_space<hbm>>) target(%dma_start3A_88 : memref<128xi32, #tpu.memory_space<vmem>>) target_semaphore(%arg13 : memref<!tpu.dma_semaphore, #tpu.memory_space<semaphore_mem>>)
    %add3A_90 = arith.constant 32768 : i32
    %add3A_91 = arith.addi %add3A_90, %mul3A_2 : i32
    %dma_start3A_92 = arith.constant 8 : i32
    %dma_start3A_93 = arith.constant 0 : i32
    %dma_start3A_94 = tpu.memref_slice %arg5[%dma_start3A_92, %dma_start3A_93] : memref<50x128xi32, #tpu.memory_space<vmem>> -> memref<1x128xi32, #tpu.memory_space<vmem>>
    %dma_start3A_95 = tpu.memref_squeeze %dma_start3A_94 : memref<1x128xi32, #tpu.memory_space<vmem>> -> memref<128xi32, #tpu.memory_space<vmem>>
    %dma_start3A_96 = tpu.memref_slice %arg3[%add3A_91] : memref<204800xi32, #tpu.memory_space<hbm>> -> memref<128xi32, #tpu.memory_space<hbm>>
    %dma_start3A_97 = arith.constant 0 : i32
    %dma_start3A_98 = tpu.memref_slice %arg5[%dma_start3A_92, %dma_start3A_97] : memref<50x128xi32, #tpu.memory_space<vmem>> -> memref<1x128xi32, #tpu.memory_space<vmem>>
    %dma_start3A_99 = tpu.memref_squeeze %dma_start3A_98 : memref<1x128xi32, #tpu.memory_space<vmem>> -> memref<128xi32, #tpu.memory_space<vmem>>
    %dma_start3A_100 = tpu.memref_slice %arg3[%add3A_91] : memref<204800xi32, #tpu.memory_space<hbm>> -> memref<128xi32, #tpu.memory_space<hbm>>
    tpu.enqueue_dma source(%dma_start3A_100 : memref<128xi32, #tpu.memory_space<hbm>>) target(%dma_start3A_99 : memref<128xi32, #tpu.memory_space<vmem>>) target_semaphore(%arg13 : memref<!tpu.dma_semaphore, #tpu.memory_space<semaphore_mem>>)
    %add3A_101 = arith.constant 36864 : i32
    %add3A_102 = arith.addi %add3A_101, %mul3A_2 : i32
    %dma_start3A_103 = arith.constant 9 : i32
    %dma_start3A_104 = arith.constant 0 : i32
    %dma_start3A_105 = tpu.memref_slice %arg5[%dma_start3A_103, %dma_start3A_104] : memref<50x128xi32, #tpu.memory_space<vmem>> -> memref<1x128xi32, #tpu.memory_space<vmem>>
    %dma_start3A_106 = tpu.memref_squeeze %dma_start3A_105 : memref<1x128xi32, #tpu.memory_space<vmem>> -> memref<128xi32, #tpu.memory_space<vmem>>
    %dma_start3A_107 = tpu.memref_slice %arg3[%add3A_102] : memref<204800xi32, #tpu.memory_space<hbm>> -> memref<128xi32, #tpu.memory_space<hbm>>
    %dma_start3A_108 = arith.constant 0 : i32
    %dma_start3A_109 = tpu.memref_slice %arg5[%dma_start3A_103, %dma_start3A_108] : memref<50x128xi32, #tpu.memory_space<vmem>> -> memref<1x128xi32, #tpu.memory_space<vmem>>
    %dma_start3A_110 = tpu.memref_squeeze %dma_start3A_109 : memref<1x128xi32, #tpu.memory_space<vmem>> -> memref<128xi32, #tpu.memory_space<vmem>>
    %dma_start3A_111 = tpu.memref_slice %arg3[%add3A_102] : memref<204800xi32, #tpu.memory_space<hbm>> -> memref<128xi32, #tpu.memory_space<hbm>>
    tpu.enqueue_dma source(%dma_start3A_111 : memref<128xi32, #tpu.memory_space<hbm>>) target(%dma_start3A_110 : memref<128xi32, #tpu.memory_space<vmem>>) target_semaphore(%arg13 : memref<!tpu.dma_semaphore, #tpu.memory_space<semaphore_mem>>)
    %add3A_112 = arith.constant 40960 : i32
    %add3A_113 = arith.addi %add3A_112, %mul3A_2 : i32
    %dma_start3A_114 = arith.constant 10 : i32
    %dma_start3A_115 = arith.constant 0 : i32
    %dma_start3A_116 = tpu.memref_slice %arg5[%dma_start3A_114, %dma_start3A_115] : memref<50x128xi32, #tpu.memory_space<vmem>> -> memref<1x128xi32, #tpu.memory_space<vmem>>
    %dma_start3A_117 = tpu.memref_squeeze %dma_start3A_116 : memref<1x128xi32, #tpu.memory_space<vmem>> -> memref<128xi32, #tpu.memory_space<vmem>>
    %dma_start3A_118 = tpu.memref_slice %arg3[%add3A_113] : memref<204800xi32, #tpu.memory_space<hbm>> -> memref<128xi32, #tpu.memory_space<hbm>>
    %dma_start3A_119 = arith.constant 0 : i32
    %dma_start3A_120 = tpu.memref_slice %arg5[%dma_start3A_114, %dma_start3A_119] : memref<50x128xi32, #tpu.memory_space<vmem>> -> memref<1x128xi32, #tpu.memory_space<vmem>>
    %dma_start3A_121 = tpu.memref_squeeze %dma_start3A_120 : memref<1x128xi32, #tpu.memory_space<vmem>> -> memref<128xi32, #tpu.memory_space<vmem>>
    %dma_start3A_122 = tpu.memref_slice %arg3[%add3A_113] : memref<204800xi32, #tpu.memory_space<hbm>> -> memref<128xi32, #tpu.memory_space<hbm>>
    tpu.enqueue_dma source(%dma_start3A_122 : memref<128xi32, #tpu.memory_space<hbm>>) target(%dma_start3A_121 : memref<128xi32, #tpu.memory_space<vmem>>) target_semaphore(%arg13 : memref<!tpu.dma_semaphore, #tpu.memory_space<semaphore_mem>>)
    %add3A_123 = arith.constant 45056 : i32
    %add3A_124 = arith.addi %add3A_123, %mul3A_2 : i32
    %dma_start3A_125 = arith.constant 11 : i32
    %dma_start3A_126 = arith.constant 0 : i32
    %dma_start3A_127 = tpu.memref_slice %arg5[%dma_start3A_125, %dma_start3A_126] : memref<50x128xi32, #tpu.memory_space<vmem>> -> memref<1x128xi32, #tpu.memory_space<vmem>>
    %dma_start3A_128 = tpu.memref_squeeze %dma_start3A_127 : memref<1x128xi32, #tpu.memory_space<vmem>> -> memref<128xi32, #tpu.memory_space<vmem>>
    %dma_start3A_129 = tpu.memref_slice %arg3[%add3A_124] : memref<204800xi32, #tpu.memory_space<hbm>> -> memref<128xi32, #tpu.memory_space<hbm>>
    %dma_start3A_130 = arith.constant 0 : i32
    %dma_start3A_131 = tpu.memref_slice %arg5[%dma_start3A_125, %dma_start3A_130] : memref<50x128xi32, #tpu.memory_space<vmem>> -> memref<1x128xi32, #tpu.memory_space<vmem>>
    %dma_start3A_132 = tpu.memref_squeeze %dma_start3A_131 : memref<1x128xi32, #tpu.memory_space<vmem>> -> memref<128xi32, #tpu.memory_space<vmem>>
    %dma_start3A_133 = tpu.memref_slice %arg3[%add3A_124] : memref<204800xi32, #tpu.memory_space<hbm>> -> memref<128xi32, #tpu.memory_space<hbm>>
    tpu.enqueue_dma source(%dma_start3A_133 : memref<128xi32, #tpu.memory_space<hbm>>) target(%dma_start3A_132 : memref<128xi32, #tpu.memory_space<vmem>>) target_semaphore(%arg13 : memref<!tpu.dma_semaphore, #tpu.memory_space<semaphore_mem>>)
    %add3A_134 = arith.constant 49152 : i32
    %add3A_135 = arith.addi %add3A_134, %mul3A_2 : i32
    %dma_start3A_136 = arith.constant 12 : i32
    %dma_start3A_137 = arith.constant 0 : i32
    %dma_start3A_138 = tpu.memref_slice %arg5[%dma_start3A_136, %dma_start3A_137] : memref<50x128xi32, #tpu.memory_space<vmem>> -> memref<1x128xi32, #tpu.memory_space<vmem>>
    %dma_start3A_139 = tpu.memref_squeeze %dma_start3A_138 : memref<1x128xi32, #tpu.memory_space<vmem>> -> memref<128xi32, #tpu.memory_space<vmem>>
    %dma_start3A_140 = tpu.memref_slice %arg3[%add3A_135] : memref<204800xi32, #tpu.memory_space<hbm>> -> memref<128xi32, #tpu.memory_space<hbm>>
    %dma_start3A_141 = arith.constant 0 : i32
    %dma_start3A_142 = tpu.memref_slice %arg5[%dma_start3A_136, %dma_start3A_141] : memref<50x128xi32, #tpu.memory_space<vmem>> -> memref<1x128xi32, #tpu.memory_space<vmem>>
    %dma_start3A_143 = tpu.memref_squeeze %dma_start3A_142 : memref<1x128xi32, #tpu.memory_space<vmem>> -> memref<128xi32, #tpu.memory_space<vmem>>
    %dma_start3A_144 = tpu.memref_slice %arg3[%add3A_135] : memref<204800xi32, #tpu.memory_space<hbm>> -> memref<128xi32, #tpu.memory_space<hbm>>
    tpu.enqueue_dma source(%dma_start3A_144 : memref<128xi32, #tpu.memory_space<hbm>>) target(%dma_start3A_143 : memref<128xi32, #tpu.memory_space<vmem>>) target_semaphore(%arg13 : memref<!tpu.dma_semaphore, #tpu.memory_space<semaphore_mem>>)
    %add3A_145 = arith.constant 53248 : i32
    %add3A_146 = arith.addi %add3A_145, %mul3A_2 : i32
    %dma_start3A_147 = arith.constant 13 : i32
    %dma_start3A_148 = arith.constant 0 : i32
    %dma_start3A_149 = tpu.memref_slice %arg5[%dma_start3A_147, %dma_start3A_148] : memref<50x128xi32, #tpu.memory_space<vmem>> -> memref<1x128xi32, #tpu.memory_space<vmem>>
    %dma_start3A_150 = tpu.memref_squeeze %dma_start3A_149 : memref<1x128xi32, #tpu.memory_space<vmem>> -> memref<128xi32, #tpu.memory_space<vmem>>
    %dma_start3A_151 = tpu.memref_slice %arg3[%add3A_146] : memref<204800xi32, #tpu.memory_space<hbm>> -> memref<128xi32, #tpu.memory_space<hbm>>
    %dma_start3A_152 = arith.constant 0 : i32
    %dma_start3A_153 = tpu.memref_slice %arg5[%dma_start3A_147, %dma_start3A_152] : memref<50x128xi32, #tpu.memory_space<vmem>> -> memref<1x128xi32, #tpu.memory_space<vmem>>
    %dma_start3A_154 = tpu.memref_squeeze %dma_start3A_153 : memref<1x128xi32, #tpu.memory_space<vmem>> -> memref<128xi32, #tpu.memory_space<vmem>>
    %dma_start3A_155 = tpu.memref_slice %arg3[%add3A_146] : memref<204800xi32, #tpu.memory_space<hbm>> -> memref<128xi32, #tpu.memory_space<hbm>>
    tpu.enqueue_dma source(%dma_start3A_155 : memref<128xi32, #tpu.memory_space<hbm>>) target(%dma_start3A_154 : memref<128xi32, #tpu.memory_space<vmem>>) target_semaphore(%arg13 : memref<!tpu.dma_semaphore, #tpu.memory_space<semaphore_mem>>)
    %add3A_156 = arith.constant 57344 : i32
    %add3A_157 = arith.addi %add3A_156, %mul3A_2 : i32
    %dma_start3A_158 = arith.constant 14 : i32
    %dma_start3A_159 = arith.constant 0 : i32
    %dma_start3A_160 = tpu.memref_slice %arg5[%dma_start3A_158, %dma_start3A_159] : memref<50x128xi32, #tpu.memory_space<vmem>> -> memref<1x128xi32, #tpu.memory_space<vmem>>
    %dma_start3A_161 = tpu.memref_squeeze %dma_start3A_160 : memref<1x128xi32, #tpu.memory_space<vmem>> -> memref<128xi32, #tpu.memory_space<vmem>>
    %dma_start3A_162 = tpu.memref_slice %arg3[%add3A_157] : memref<204800xi32, #tpu.memory_space<hbm>> -> memref<128xi32, #tpu.memory_space<hbm>>
    %dma_start3A_163 = arith.constant 0 : i32
    %dma_start3A_164 = tpu.memref_slice %arg5[%dma_start3A_158, %dma_start3A_163] : memref<50x128xi32, #tpu.memory_space<vmem>> -> memref<1x128xi32, #tpu.memory_space<vmem>>
    %dma_start3A_165 = tpu.memref_squeeze %dma_start3A_164 : memref<1x128xi32, #tpu.memory_space<vmem>> -> memref<128xi32, #tpu.memory_space<vmem>>
    %dma_start3A_166 = tpu.memref_slice %arg3[%add3A_157] : memref<204800xi32, #tpu.memory_space<hbm>> -> memref<128xi32, #tpu.memory_space<hbm>>
    tpu.enqueue_dma source(%dma_start3A_166 : memref<128xi32, #tpu.memory_space<hbm>>) target(%dma_start3A_165 : memref<128xi32, #tpu.memory_space<vmem>>) target_semaphore(%arg13 : memref<!tpu.dma_semaphore, #tpu.memory_space<semaphore_mem>>)
    %add3A_167 = arith.constant 61440 : i32
    %add3A_168 = arith.addi %add3A_167, %mul3A_2 : i32
    %dma_start3A_169 = arith.constant 15 : i32
    %dma_start3A_170 = arith.constant 0 : i32
    %dma_start3A_171 = tpu.memref_slice %arg5[%dma_start3A_169, %dma_start3A_170] : memref<50x128xi32, #tpu.memory_space<vmem>> -> memref<1x128xi32, #tpu.memory_space<vmem>>
    %dma_start3A_172 = tpu.memref_squeeze %dma_start3A_171 : memref<1x128xi32, #tpu.memory_space<vmem>> -> memref<128xi32, #tpu.memory_space<vmem>>
    %dma_start3A_173 = tpu.memref_slice %arg3[%add3A_168] : memref<204800xi32, #tpu.memory_space<hbm>> -> memref<128xi32, #tpu.memory_space<hbm>>
    %dma_start3A_174 = arith.constant 0 : i32
    %dma_start3A_175 = tpu.memref_slice %arg5[%dma_start3A_169, %dma_start3A_174] : memref<50x128xi32, #tpu.memory_space<vmem>> -> memref<1x128xi32, #tpu.memory_space<vmem>>
    %dma_start3A_176 = tpu.memref_squeeze %dma_start3A_175 : memref<1x128xi32, #tpu.memory_space<vmem>> -> memref<128xi32, #tpu.memory_space<vmem>>
    %dma_start3A_177 = tpu.memref_slice %arg3[%add3A_168] : memref<204800xi32, #tpu.memory_space<hbm>> -> memref<128xi32, #tpu.memory_space<hbm>>
    tpu.enqueue_dma source(%dma_start3A_177 : memref<128xi32, #tpu.memory_space<hbm>>) target(%dma_start3A_176 : memref<128xi32, #tpu.memory_space<vmem>>) target_semaphore(%arg13 : memref<!tpu.dma_semaphore, #tpu.memory_space<semaphore_mem>>)
    %add3A_178 = arith.constant 65536 : i32
    %add3A_179 = arith.addi %add3A_178, %mul3A_2 : i32
    %dma_start3A_180 = arith.constant 16 : i32
    %dma_start3A_181 = arith.constant 0 : i32
    %dma_start3A_182 = tpu.memref_slice %arg5[%dma_start3A_180, %dma_start3A_181] : memref<50x128xi32, #tpu.memory_space<vmem>> -> memref<1x128xi32, #tpu.memory_space<vmem>>
    %dma_start3A_183 = tpu.memref_squeeze %dma_start3A_182 : memref<1x128xi32, #tpu.memory_space<vmem>> -> memref<128xi32, #tpu.memory_space<vmem>>
    %dma_start3A_184 = tpu.memref_slice %arg3[%add3A_179] : memref<204800xi32, #tpu.memory_space<hbm>> -> memref<128xi32, #tpu.memory_space<hbm>>
    %dma_start3A_185 = arith.constant 0 : i32
    %dma_start3A_186 = tpu.memref_slice %arg5[%dma_start3A_180, %dma_start3A_185] : memref<50x128xi32, #tpu.memory_space<vmem>> -> memref<1x128xi32, #tpu.memory_space<vmem>>
    %dma_start3A_187 = tpu.memref_squeeze %dma_start3A_186 : memref<1x128xi32, #tpu.memory_space<vmem>> -> memref<128xi32, #tpu.memory_space<vmem>>
    %dma_start3A_188 = tpu.memref_slice %arg3[%add3A_179] : memref<204800xi32, #tpu.memory_space<hbm>> -> memref<128xi32, #tpu.memory_space<hbm>>
    tpu.enqueue_dma source(%dma_start3A_188 : memref<128xi32, #tpu.memory_space<hbm>>) target(%dma_start3A_187 : memref<128xi32, #tpu.memory_space<vmem>>) target_semaphore(%arg13 : memref<!tpu.dma_semaphore, #tpu.memory_space<semaphore_mem>>)
    %add3A_189 = arith.constant 69632 : i32
    %add3A_190 = arith.addi %add3A_189, %mul3A_2 : i32
    %dma_start3A_191 = arith.constant 17 : i32
    %dma_start3A_192 = arith.constant 0 : i32
    %dma_start3A_193 = tpu.memref_slice %arg5[%dma_start3A_191, %dma_start3A_192] : memref<50x128xi32, #tpu.memory_space<vmem>> -> memref<1x128xi32, #tpu.memory_space<vmem>>
    %dma_start3A_194 = tpu.memref_squeeze %dma_start3A_193 : memref<1x128xi32, #tpu.memory_space<vmem>> -> memref<128xi32, #tpu.memory_space<vmem>>
    %dma_start3A_195 = tpu.memref_slice %arg3[%add3A_190] : memref<204800xi32, #tpu.memory_space<hbm>> -> memref<128xi32, #tpu.memory_space<hbm>>
    %dma_start3A_196 = arith.constant 0 : i32
    %dma_start3A_197 = tpu.memref_slice %arg5[%dma_start3A_191, %dma_start3A_196] : memref<50x128xi32, #tpu.memory_space<vmem>> -> memref<1x128xi32, #tpu.memory_space<vmem>>
    %dma_start3A_198 = tpu.memref_squeeze %dma_start3A_197 : memref<1x128xi32, #tpu.memory_space<vmem>> -> memref<128xi32, #tpu.memory_space<vmem>>
    %dma_start3A_199 = tpu.memref_slice %arg3[%add3A_190] : memref<204800xi32, #tpu.memory_space<hbm>> -> memref<128xi32, #tpu.memory_space<hbm>>
    tpu.enqueue_dma source(%dma_start3A_199 : memref<128xi32, #tpu.memory_space<hbm>>) target(%dma_start3A_198 : memref<128xi32, #tpu.memory_space<vmem>>) target_semaphore(%arg13 : memref<!tpu.dma_semaphore, #tpu.memory_space<semaphore_mem>>)
    %add3A_200 = arith.constant 73728 : i32
    %add3A_201 = arith.addi %add3A_200, %mul3A_2 : i32
    %dma_start3A_202 = arith.constant 18 : i32
    %dma_start3A_203 = arith.constant 0 : i32
    %dma_start3A_204 = tpu.memref_slice %arg5[%dma_start3A_202, %dma_start3A_203] : memref<50x128xi32, #tpu.memory_space<vmem>> -> memref<1x128xi32, #tpu.memory_space<vmem>>
    %dma_start3A_205 = tpu.memref_squeeze %dma_start3A_204 : memref<1x128xi32, #tpu.memory_space<vmem>> -> memref<128xi32, #tpu.memory_space<vmem>>
    %dma_start3A_206 = tpu.memref_slice %arg3[%add3A_201] : memref<204800xi32, #tpu.memory_space<hbm>> -> memref<128xi32, #tpu.memory_space<hbm>>
    %dma_start3A_207 = arith.constant 0 : i32
    %dma_start3A_208 = tpu.memref_slice %arg5[%dma_start3A_202, %dma_start3A_207] : memref<50x128xi32, #tpu.memory_space<vmem>> -> memref<1x128xi32, #tpu.memory_space<vmem>>
    %dma_start3A_209 = tpu.memref_squeeze %dma_start3A_208 : memref<1x128xi32, #tpu.memory_space<vmem>> -> memref<128xi32, #tpu.memory_space<vmem>>
    %dma_start3A_210 = tpu.memref_slice %arg3[%add3A_201] : memref<204800xi32, #tpu.memory_space<hbm>> -> memref<128xi32, #tpu.memory_space<hbm>>
    tpu.enqueue_dma source(%dma_start3A_210 : memref<128xi32, #tpu.memory_space<hbm>>) target(%dma_start3A_209 : memref<128xi32, #tpu.memory_space<vmem>>) target_semaphore(%arg13 : memref<!tpu.dma_semaphore, #tpu.memory_space<semaphore_mem>>)
    %add3A_211 = arith.constant 77824 : i32
    %add3A_212 = arith.addi %add3A_211, %mul3A_2 : i32
    %dma_start3A_213 = arith.constant 19 : i32
    %dma_start3A_214 = arith.constant 0 : i32
    %dma_start3A_215 = tpu.memref_slice %arg5[%dma_start3A_213, %dma_start3A_214] : memref<50x128xi32, #tpu.memory_space<vmem>> -> memref<1x128xi32, #tpu.memory_space<vmem>>
    %dma_start3A_216 = tpu.memref_squeeze %dma_start3A_215 : memref<1x128xi32, #tpu.memory_space<vmem>> -> memref<128xi32, #tpu.memory_space<vmem>>
    %dma_start3A_217 = tpu.memref_slice %arg3[%add3A_212] : memref<204800xi32, #tpu.memory_space<hbm>> -> memref<128xi32, #tpu.memory_space<hbm>>
    %dma_start3A_218 = arith.constant 0 : i32
    %dma_start3A_219 = tpu.memref_slice %arg5[%dma_start3A_213, %dma_start3A_218] : memref<50x128xi32, #tpu.memory_space<vmem>> -> memref<1x128xi32, #tpu.memory_space<vmem>>
    %dma_start3A_220 = tpu.memref_squeeze %dma_start3A_219 : memref<1x128xi32, #tpu.memory_space<vmem>> -> memref<128xi32, #tpu.memory_space<vmem>>
    %dma_start3A_221 = tpu.memref_slice %arg3[%add3A_212] : memref<204800xi32, #tpu.memory_space<hbm>> -> memref<128xi32, #tpu.memory_space<hbm>>
    tpu.enqueue_dma source(%dma_start3A_221 : memref<128xi32, #tpu.memory_space<hbm>>) target(%dma_start3A_220 : memref<128xi32, #tpu.memory_space<vmem>>) target_semaphore(%arg13 : memref<!tpu.dma_semaphore, #tpu.memory_space<semaphore_mem>>)
    %add3A_222 = arith.constant 81920 : i32
    %add3A_223 = arith.addi %add3A_222, %mul3A_2 : i32
    %dma_start3A_224 = arith.constant 20 : i32
    %dma_start3A_225 = arith.constant 0 : i32
    %dma_start3A_226 = tpu.memref_slice %arg5[%dma_start3A_224, %dma_start3A_225] : memref<50x128xi32, #tpu.memory_space<vmem>> -> memref<1x128xi32, #tpu.memory_space<vmem>>
    %dma_start3A_227 = tpu.memref_squeeze %dma_start3A_226 : memref<1x128xi32, #tpu.memory_space<vmem>> -> memref<128xi32, #tpu.memory_space<vmem>>
    %dma_start3A_228 = tpu.memref_slice %arg3[%add3A_223] : memref<204800xi32, #tpu.memory_space<hbm>> -> memref<128xi32, #tpu.memory_space<hbm>>
    %dma_start3A_229 = arith.constant 0 : i32
    %dma_start3A_230 = tpu.memref_slice %arg5[%dma_start3A_224, %dma_start3A_229] : memref<50x128xi32, #tpu.memory_space<vmem>> -> memref<1x128xi32, #tpu.memory_space<vmem>>
    %dma_start3A_231 = tpu.memref_squeeze %dma_start3A_230 : memref<1x128xi32, #tpu.memory_space<vmem>> -> memref<128xi32, #tpu.memory_space<vmem>>
    %dma_start3A_232 = tpu.memref_slice %arg3[%add3A_223] : memref<204800xi32, #tpu.memory_space<hbm>> -> memref<128xi32, #tpu.memory_space<hbm>>
    tpu.enqueue_dma source(%dma_start3A_232 : memref<128xi32, #tpu.memory_space<hbm>>) target(%dma_start3A_231 : memref<128xi32, #tpu.memory_space<vmem>>) target_semaphore(%arg13 : memref<!tpu.dma_semaphore, #tpu.memory_space<semaphore_mem>>)
    %add3A_233 = arith.constant 86016 : i32
    %add3A_234 = arith.addi %add3A_233, %mul3A_2 : i32
    %dma_start3A_235 = arith.constant 21 : i32
    %dma_start3A_236 = arith.constant 0 : i32
    %dma_start3A_237 = tpu.memref_slice %arg5[%dma_start3A_235, %dma_start3A_236] : memref<50x128xi32, #tpu.memory_space<vmem>> -> memref<1x128xi32, #tpu.memory_space<vmem>>
    %dma_start3A_238 = tpu.memref_squeeze %dma_start3A_237 : memref<1x128xi32, #tpu.memory_space<vmem>> -> memref<128xi32, #tpu.memory_space<vmem>>
    %dma_start3A_239 = tpu.memref_slice %arg3[%add3A_234] : memref<204800xi32, #tpu.memory_space<hbm>> -> memref<128xi32, #tpu.memory_space<hbm>>
    %dma_start3A_240 = arith.constant 0 : i32
    %dma_start3A_241 = tpu.memref_slice %arg5[%dma_start3A_235, %dma_start3A_240] : memref<50x128xi32, #tpu.memory_space<vmem>> -> memref<1x128xi32, #tpu.memory_space<vmem>>
    %dma_start3A_242 = tpu.memref_squeeze %dma_start3A_241 : memref<1x128xi32, #tpu.memory_space<vmem>> -> memref<128xi32, #tpu.memory_space<vmem>>
    %dma_start3A_243 = tpu.memref_slice %arg3[%add3A_234] : memref<204800xi32, #tpu.memory_space<hbm>> -> memref<128xi32, #tpu.memory_space<hbm>>
    tpu.enqueue_dma source(%dma_start3A_243 : memref<128xi32, #tpu.memory_space<hbm>>) target(%dma_start3A_242 : memref<128xi32, #tpu.memory_space<vmem>>) target_semaphore(%arg13 : memref<!tpu.dma_semaphore, #tpu.memory_space<semaphore_mem>>)
    %add3A_244 = arith.constant 90112 : i32
    %add3A_245 = arith.addi %add3A_244, %mul3A_2 : i32
    %dma_start3A_246 = arith.constant 22 : i32
    %dma_start3A_247 = arith.constant 0 : i32
    %dma_start3A_248 = tpu.memref_slice %arg5[%dma_start3A_246, %dma_start3A_247] : memref<50x128xi32, #tpu.memory_space<vmem>> -> memref<1x128xi32, #tpu.memory_space<vmem>>
    %dma_start3A_249 = tpu.memref_squeeze %dma_start3A_248 : memref<1x128xi32, #tpu.memory_space<vmem>> -> memref<128xi32, #tpu.memory_space<vmem>>
    %dma_start3A_250 = tpu.memref_slice %arg3[%add3A_245] : memref<204800xi32, #tpu.memory_space<hbm>> -> memref<128xi32, #tpu.memory_space<hbm>>
    %dma_start3A_251 = arith.constant 0 : i32
    %dma_start3A_252 = tpu.memref_slice %arg5[%dma_start3A_246, %dma_start3A_251] : memref<50x128xi32, #tpu.memory_space<vmem>> -> memref<1x128xi32, #tpu.memory_space<vmem>>
    %dma_start3A_253 = tpu.memref_squeeze %dma_start3A_252 : memref<1x128xi32, #tpu.memory_space<vmem>> -> memref<128xi32, #tpu.memory_space<vmem>>
    %dma_start3A_254 = tpu.memref_slice %arg3[%add3A_245] : memref<204800xi32, #tpu.memory_space<hbm>> -> memref<128xi32, #tpu.memory_space<hbm>>
    tpu.enqueue_dma source(%dma_start3A_254 : memref<128xi32, #tpu.memory_space<hbm>>) target(%dma_start3A_253 : memref<128xi32, #tpu.memory_space<vmem>>) target_semaphore(%arg13 : memref<!tpu.dma_semaphore, #tpu.memory_space<semaphore_mem>>)
    %add3A_255 = arith.constant 94208 : i32
    %add3A_256 = arith.addi %add3A_255, %mul3A_2 : i32
    %dma_start3A_257 = arith.constant 23 : i32
    %dma_start3A_258 = arith.constant 0 : i32
    %dma_start3A_259 = tpu.memref_slice %arg5[%dma_start3A_257, %dma_start3A_258] : memref<50x128xi32, #tpu.memory_space<vmem>> -> memref<1x128xi32, #tpu.memory_space<vmem>>
    %dma_start3A_260 = tpu.memref_squeeze %dma_start3A_259 : memref<1x128xi32, #tpu.memory_space<vmem>> -> memref<128xi32, #tpu.memory_space<vmem>>
    %dma_start3A_261 = tpu.memref_slice %arg3[%add3A_256] : memref<204800xi32, #tpu.memory_space<hbm>> -> memref<128xi32, #tpu.memory_space<hbm>>
    %dma_start3A_262 = arith.constant 0 : i32
    %dma_start3A_263 = tpu.memref_slice %arg5[%dma_start3A_257, %dma_start3A_262] : memref<50x128xi32, #tpu.memory_space<vmem>> -> memref<1x128xi32, #tpu.memory_space<vmem>>
    %dma_start3A_264 = tpu.memref_squeeze %dma_start3A_263 : memref<1x128xi32, #tpu.memory_space<vmem>> -> memref<128xi32, #tpu.memory_space<vmem>>
    %dma_start3A_265 = tpu.memref_slice %arg3[%add3A_256] : memref<204800xi32, #tpu.memory_space<hbm>> -> memref<128xi32, #tpu.memory_space<hbm>>
    tpu.enqueue_dma source(%dma_start3A_265 : memref<128xi32, #tpu.memory_space<hbm>>) target(%dma_start3A_264 : memref<128xi32, #tpu.memory_space<vmem>>) target_semaphore(%arg13 : memref<!tpu.dma_semaphore, #tpu.memory_space<semaphore_mem>>)
    %add3A_266 = arith.constant 98304 : i32
    %add3A_267 = arith.addi %add3A_266, %mul3A_2 : i32
    %dma_start3A_268 = arith.constant 24 : i32
    %dma_start3A_269 = arith.constant 0 : i32
    %dma_start3A_270 = tpu.memref_slice %arg5[%dma_start3A_268, %dma_start3A_269] : memref<50x128xi32, #tpu.memory_space<vmem>> -> memref<1x128xi32, #tpu.memory_space<vmem>>
    %dma_start3A_271 = tpu.memref_squeeze %dma_start3A_270 : memref<1x128xi32, #tpu.memory_space<vmem>> -> memref<128xi32, #tpu.memory_space<vmem>>
    %dma_start3A_272 = tpu.memref_slice %arg3[%add3A_267] : memref<204800xi32, #tpu.memory_space<hbm>> -> memref<128xi32, #tpu.memory_space<hbm>>
    %dma_start3A_273 = arith.constant 0 : i32
    %dma_start3A_274 = tpu.memref_slice %arg5[%dma_start3A_268, %dma_start3A_273] : memref<50x128xi32, #tpu.memory_space<vmem>> -> memref<1x128xi32, #tpu.memory_space<vmem>>
    %dma_start3A_275 = tpu.memref_squeeze %dma_start3A_274 : memref<1x128xi32, #tpu.memory_space<vmem>> -> memref<128xi32, #tpu.memory_space<vmem>>
    %dma_start3A_276 = tpu.memref_slice %arg3[%add3A_267] : memref<204800xi32, #tpu.memory_space<hbm>> -> memref<128xi32, #tpu.memory_space<hbm>>
    tpu.enqueue_dma source(%dma_start3A_276 : memref<128xi32, #tpu.memory_space<hbm>>) target(%dma_start3A_275 : memref<128xi32, #tpu.memory_space<vmem>>) target_semaphore(%arg13 : memref<!tpu.dma_semaphore, #tpu.memory_space<semaphore_mem>>)
    %add3A_277 = arith.constant 102400 : i32
    %add3A_278 = arith.addi %add3A_277, %mul3A_2 : i32
    %dma_start3A_279 = arith.constant 25 : i32
    %dma_start3A_280 = arith.constant 0 : i32
    %dma_start3A_281 = tpu.memref_slice %arg5[%dma_start3A_279, %dma_start3A_280] : memref<50x128xi32, #tpu.memory_space<vmem>> -> memref<1x128xi32, #tpu.memory_space<vmem>>
    %dma_start3A_282 = tpu.memref_squeeze %dma_start3A_281 : memref<1x128xi32, #tpu.memory_space<vmem>> -> memref<128xi32, #tpu.memory_space<vmem>>
    %dma_start3A_283 = tpu.memref_slice %arg3[%add3A_278] : memref<204800xi32, #tpu.memory_space<hbm>> -> memref<128xi32, #tpu.memory_space<hbm>>
    %dma_start3A_284 = arith.constant 0 : i32
    %dma_start3A_285 = tpu.memref_slice %arg5[%dma_start3A_279, %dma_start3A_284] : memref<50x128xi32, #tpu.memory_space<vmem>> -> memref<1x128xi32, #tpu.memory_space<vmem>>
    %dma_start3A_286 = tpu.memref_squeeze %dma_start3A_285 : memref<1x128xi32, #tpu.memory_space<vmem>> -> memref<128xi32, #tpu.memory_space<vmem>>
    %dma_start3A_287 = tpu.memref_slice %arg3[%add3A_278] : memref<204800xi32, #tpu.memory_space<hbm>> -> memref<128xi32, #tpu.memory_space<hbm>>
    tpu.enqueue_dma source(%dma_start3A_287 : memref<128xi32, #tpu.memory_space<hbm>>) target(%dma_start3A_286 : memref<128xi32, #tpu.memory_space<vmem>>) target_semaphore(%arg13 : memref<!tpu.dma_semaphore, #tpu.memory_space<semaphore_mem>>)
    %add3A_288 = arith.constant 106496 : i32
    %add3A_289 = arith.addi %add3A_288, %mul3A_2 : i32
    %dma_start3A_290 = arith.constant 26 : i32
    %dma_start3A_291 = arith.constant 0 : i32
    %dma_start3A_292 = tpu.memref_slice %arg5[%dma_start3A_290, %dma_start3A_291] : memref<50x128xi32, #tpu.memory_space<vmem>> -> memref<1x128xi32, #tpu.memory_space<vmem>>
    %dma_start3A_293 = tpu.memref_squeeze %dma_start3A_292 : memref<1x128xi32, #tpu.memory_space<vmem>> -> memref<128xi32, #tpu.memory_space<vmem>>
    %dma_start3A_294 = tpu.memref_slice %arg3[%add3A_289] : memref<204800xi32, #tpu.memory_space<hbm>> -> memref<128xi32, #tpu.memory_space<hbm>>
    %dma_start3A_295 = arith.constant 0 : i32
    %dma_start3A_296 = tpu.memref_slice %arg5[%dma_start3A_290, %dma_start3A_295] : memref<50x128xi32, #tpu.memory_space<vmem>> -> memref<1x128xi32, #tpu.memory_space<vmem>>
    %dma_start3A_297 = tpu.memref_squeeze %dma_start3A_296 : memref<1x128xi32, #tpu.memory_space<vmem>> -> memref<128xi32, #tpu.memory_space<vmem>>
    %dma_start3A_298 = tpu.memref_slice %arg3[%add3A_289] : memref<204800xi32, #tpu.memory_space<hbm>> -> memref<128xi32, #tpu.memory_space<hbm>>
    tpu.enqueue_dma source(%dma_start3A_298 : memref<128xi32, #tpu.memory_space<hbm>>) target(%dma_start3A_297 : memref<128xi32, #tpu.memory_space<vmem>>) target_semaphore(%arg13 : memref<!tpu.dma_semaphore, #tpu.memory_space<semaphore_mem>>)
    %add3A_299 = arith.constant 110592 : i32
    %add3A_300 = arith.addi %add3A_299, %mul3A_2 : i32
    %dma_start3A_301 = arith.constant 27 : i32
    %dma_start3A_302 = arith.constant 0 : i32
    %dma_start3A_303 = tpu.memref_slice %arg5[%dma_start3A_301, %dma_start3A_302] : memref<50x128xi32, #tpu.memory_space<vmem>> -> memref<1x128xi32, #tpu.memory_space<vmem>>
    %dma_start3A_304 = tpu.memref_squeeze %dma_start3A_303 : memref<1x128xi32, #tpu.memory_space<vmem>> -> memref<128xi32, #tpu.memory_space<vmem>>
    %dma_start3A_305 = tpu.memref_slice %arg3[%add3A_300] : memref<204800xi32, #tpu.memory_space<hbm>> -> memref<128xi32, #tpu.memory_space<hbm>>
    %dma_start3A_306 = arith.constant 0 : i32
    %dma_start3A_307 = tpu.memref_slice %arg5[%dma_start3A_301, %dma_start3A_306] : memref<50x128xi32, #tpu.memory_space<vmem>> -> memref<1x128xi32, #tpu.memory_space<vmem>>
    %dma_start3A_308 = tpu.memref_squeeze %dma_start3A_307 : memref<1x128xi32, #tpu.memory_space<vmem>> -> memref<128xi32, #tpu.memory_space<vmem>>
    %dma_start3A_309 = tpu.memref_slice %arg3[%add3A_300] : memref<204800xi32, #tpu.memory_space<hbm>> -> memref<128xi32, #tpu.memory_space<hbm>>
    tpu.enqueue_dma source(%dma_start3A_309 : memref<128xi32, #tpu.memory_space<hbm>>) target(%dma_start3A_308 : memref<128xi32, #tpu.memory_space<vmem>>) target_semaphore(%arg13 : memref<!tpu.dma_semaphore, #tpu.memory_space<semaphore_mem>>)
    %add3A_310 = arith.constant 114688 : i32
    %add3A_311 = arith.addi %add3A_310, %mul3A_2 : i32
    %dma_start3A_312 = arith.constant 28 : i32
    %dma_start3A_313 = arith.constant 0 : i32
    %dma_start3A_314 = tpu.memref_slice %arg5[%dma_start3A_312, %dma_start3A_313] : memref<50x128xi32, #tpu.memory_space<vmem>> -> memref<1x128xi32, #tpu.memory_space<vmem>>
    %dma_start3A_315 = tpu.memref_squeeze %dma_start3A_314 : memref<1x128xi32, #tpu.memory_space<vmem>> -> memref<128xi32, #tpu.memory_space<vmem>>
    %dma_start3A_316 = tpu.memref_slice %arg3[%add3A_311] : memref<204800xi32, #tpu.memory_space<hbm>> -> memref<128xi32, #tpu.memory_space<hbm>>
    %dma_start3A_317 = arith.constant 0 : i32
    %dma_start3A_318 = tpu.memref_slice %arg5[%dma_start3A_312, %dma_start3A_317] : memref<50x128xi32, #tpu.memory_space<vmem>> -> memref<1x128xi32, #tpu.memory_space<vmem>>
    %dma_start3A_319 = tpu.memref_squeeze %dma_start3A_318 : memref<1x128xi32, #tpu.memory_space<vmem>> -> memref<128xi32, #tpu.memory_space<vmem>>
    %dma_start3A_320 = tpu.memref_slice %arg3[%add3A_311] : memref<204800xi32, #tpu.memory_space<hbm>> -> memref<128xi32, #tpu.memory_space<hbm>>
    tpu.enqueue_dma source(%dma_start3A_320 : memref<128xi32, #tpu.memory_space<hbm>>) target(%dma_start3A_319 : memref<128xi32, #tpu.memory_space<vmem>>) target_semaphore(%arg13 : memref<!tpu.dma_semaphore, #tpu.memory_space<semaphore_mem>>)
    %add3A_321 = arith.constant 118784 : i32
    %add3A_322 = arith.addi %add3A_321, %mul3A_2 : i32
    %dma_start3A_323 = arith.constant 29 : i32
    %dma_start3A_324 = arith.constant 0 : i32
    %dma_start3A_325 = tpu.memref_slice %arg5[%dma_start3A_323, %dma_start3A_324] : memref<50x128xi32, #tpu.memory_space<vmem>> -> memref<1x128xi32, #tpu.memory_space<vmem>>
    %dma_start3A_326 = tpu.memref_squeeze %dma_start3A_325 : memref<1x128xi32, #tpu.memory_space<vmem>> -> memref<128xi32, #tpu.memory_space<vmem>>
    %dma_start3A_327 = tpu.memref_slice %arg3[%add3A_322] : memref<204800xi32, #tpu.memory_space<hbm>> -> memref<128xi32, #tpu.memory_space<hbm>>
    %dma_start3A_328 = arith.constant 0 : i32
    %dma_start3A_329 = tpu.memref_slice %arg5[%dma_start3A_323, %dma_start3A_328] : memref<50x128xi32, #tpu.memory_space<vmem>> -> memref<1x128xi32, #tpu.memory_space<vmem>>
    %dma_start3A_330 = tpu.memref_squeeze %dma_start3A_329 : memref<1x128xi32, #tpu.memory_space<vmem>> -> memref<128xi32, #tpu.memory_space<vmem>>
    %dma_start3A_331 = tpu.memref_slice %arg3[%add3A_322] : memref<204800xi32, #tpu.memory_space<hbm>> -> memref<128xi32, #tpu.memory_space<hbm>>
    tpu.enqueue_dma source(%dma_start3A_331 : memref<128xi32, #tpu.memory_space<hbm>>) target(%dma_start3A_330 : memref<128xi32, #tpu.memory_space<vmem>>) target_semaphore(%arg13 : memref<!tpu.dma_semaphore, #tpu.memory_space<semaphore_mem>>)
    %add3A_332 = arith.constant 122880 : i32
    %add3A_333 = arith.addi %add3A_332, %mul3A_2 : i32
    %dma_start3A_334 = arith.constant 30 : i32
    %dma_start3A_335 = arith.constant 0 : i32
    %dma_start3A_336 = tpu.memref_slice %arg5[%dma_start3A_334, %dma_start3A_335] : memref<50x128xi32, #tpu.memory_space<vmem>> -> memref<1x128xi32, #tpu.memory_space<vmem>>
    %dma_start3A_337 = tpu.memref_squeeze %dma_start3A_336 : memref<1x128xi32, #tpu.memory_space<vmem>> -> memref<128xi32, #tpu.memory_space<vmem>>
    %dma_start3A_338 = tpu.memref_slice %arg3[%add3A_333] : memref<204800xi32, #tpu.memory_space<hbm>> -> memref<128xi32, #tpu.memory_space<hbm>>
    %dma_start3A_339 = arith.constant 0 : i32
    %dma_start3A_340 = tpu.memref_slice %arg5[%dma_start3A_334, %dma_start3A_339] : memref<50x128xi32, #tpu.memory_space<vmem>> -> memref<1x128xi32, #tpu.memory_space<vmem>>
    %dma_start3A_341 = tpu.memref_squeeze %dma_start3A_340 : memref<1x128xi32, #tpu.memory_space<vmem>> -> memref<128xi32, #tpu.memory_space<vmem>>
    %dma_start3A_342 = tpu.memref_slice %arg3[%add3A_333] : memref<204800xi32, #tpu.memory_space<hbm>> -> memref<128xi32, #tpu.memory_space<hbm>>
    tpu.enqueue_dma source(%dma_start3A_342 : memref<128xi32, #tpu.memory_space<hbm>>) target(%dma_start3A_341 : memref<128xi32, #tpu.memory_space<vmem>>) target_semaphore(%arg13 : memref<!tpu.dma_semaphore, #tpu.memory_space<semaphore_mem>>)
    %add3A_343 = arith.constant 126976 : i32
    %add3A_344 = arith.addi %add3A_343, %mul3A_2 : i32
    %dma_start3A_345 = arith.constant 31 : i32
    %dma_start3A_346 = arith.constant 0 : i32
    %dma_start3A_347 = tpu.memref_slice %arg5[%dma_start3A_345, %dma_start3A_346] : memref<50x128xi32, #tpu.memory_space<vmem>> -> memref<1x128xi32, #tpu.memory_space<vmem>>
    %dma_start3A_348 = tpu.memref_squeeze %dma_start3A_347 : memref<1x128xi32, #tpu.memory_space<vmem>> -> memref<128xi32, #tpu.memory_space<vmem>>
    %dma_start3A_349 = tpu.memref_slice %arg3[%add3A_344] : memref<204800xi32, #tpu.memory_space<hbm>> -> memref<128xi32, #tpu.memory_space<hbm>>
    %dma_start3A_350 = arith.constant 0 : i32
    %dma_start3A_351 = tpu.memref_slice %arg5[%dma_start3A_345, %dma_start3A_350] : memref<50x128xi32, #tpu.memory_space<vmem>> -> memref<1x128xi32, #tpu.memory_space<vmem>>
    %dma_start3A_352 = tpu.memref_squeeze %dma_start3A_351 : memref<1x128xi32, #tpu.memory_space<vmem>> -> memref<128xi32, #tpu.memory_space<vmem>>
    %dma_start3A_353 = tpu.memref_slice %arg3[%add3A_344] : memref<204800xi32, #tpu.memory_space<hbm>> -> memref<128xi32, #tpu.memory_space<hbm>>
    tpu.enqueue_dma source(%dma_start3A_353 : memref<128xi32, #tpu.memory_space<hbm>>) target(%dma_start3A_352 : memref<128xi32, #tpu.memory_space<vmem>>) target_semaphore(%arg13 : memref<!tpu.dma_semaphore, #tpu.memory_space<semaphore_mem>>)
    %add3A_354 = arith.constant 131072 : i32
    %add3A_355 = arith.addi %add3A_354, %mul3A_2 : i32
    %dma_start3A_356 = arith.constant 32 : i32
    %dma_start3A_357 = arith.constant 0 : i32
    %dma_start3A_358 = tpu.memref_slice %arg5[%dma_start3A_356, %dma_start3A_357] : memref<50x128xi32, #tpu.memory_space<vmem>> -> memref<1x128xi32, #tpu.memory_space<vmem>>
    %dma_start3A_359 = tpu.memref_squeeze %dma_start3A_358 : memref<1x128xi32, #tpu.memory_space<vmem>> -> memref<128xi32, #tpu.memory_space<vmem>>
    %dma_start3A_360 = tpu.memref_slice %arg3[%add3A_355] : memref<204800xi32, #tpu.memory_space<hbm>> -> memref<128xi32, #tpu.memory_space<hbm>>
    %dma_start3A_361 = arith.constant 0 : i32
    %dma_start3A_362 = tpu.memref_slice %arg5[%dma_start3A_356, %dma_start3A_361] : memref<50x128xi32, #tpu.memory_space<vmem>> -> memref<1x128xi32, #tpu.memory_space<vmem>>
    %dma_start3A_363 = tpu.memref_squeeze %dma_start3A_362 : memref<1x128xi32, #tpu.memory_space<vmem>> -> memref<128xi32, #tpu.memory_space<vmem>>
    %dma_start3A_364 = tpu.memref_slice %arg3[%add3A_355] : memref<204800xi32, #tpu.memory_space<hbm>> -> memref<128xi32, #tpu.memory_space<hbm>>
    tpu.enqueue_dma source(%dma_start3A_364 : memref<128xi32, #tpu.memory_space<hbm>>) target(%dma_start3A_363 : memref<128xi32, #tpu.memory_space<vmem>>) target_semaphore(%arg13 : memref<!tpu.dma_semaphore, #tpu.memory_space<semaphore_mem>>)
    %add3A_365 = arith.constant 135168 : i32
    %add3A_366 = arith.addi %add3A_365, %mul3A_2 : i32
    %dma_start3A_367 = arith.constant 33 : i32
    %dma_start3A_368 = arith.constant 0 : i32
    %dma_start3A_369 = tpu.memref_slice %arg5[%dma_start3A_367, %dma_start3A_368] : memref<50x128xi32, #tpu.memory_space<vmem>> -> memref<1x128xi32, #tpu.memory_space<vmem>>
    %dma_start3A_370 = tpu.memref_squeeze %dma_start3A_369 : memref<1x128xi32, #tpu.memory_space<vmem>> -> memref<128xi32, #tpu.memory_space<vmem>>
    %dma_start3A_371 = tpu.memref_slice %arg3[%add3A_366] : memref<204800xi32, #tpu.memory_space<hbm>> -> memref<128xi32, #tpu.memory_space<hbm>>
    %dma_start3A_372 = arith.constant 0 : i32
    %dma_start3A_373 = tpu.memref_slice %arg5[%dma_start3A_367, %dma_start3A_372] : memref<50x128xi32, #tpu.memory_space<vmem>> -> memref<1x128xi32, #tpu.memory_space<vmem>>
    %dma_start3A_374 = tpu.memref_squeeze %dma_start3A_373 : memref<1x128xi32, #tpu.memory_space<vmem>> -> memref<128xi32, #tpu.memory_space<vmem>>
    %dma_start3A_375 = tpu.memref_slice %arg3[%add3A_366] : memref<204800xi32, #tpu.memory_space<hbm>> -> memref<128xi32, #tpu.memory_space<hbm>>
    tpu.enqueue_dma source(%dma_start3A_375 : memref<128xi32, #tpu.memory_space<hbm>>) target(%dma_start3A_374 : memref<128xi32, #tpu.memory_space<vmem>>) target_semaphore(%arg13 : memref<!tpu.dma_semaphore, #tpu.memory_space<semaphore_mem>>)
    %add3A_376 = arith.constant 139264 : i32
    %add3A_377 = arith.addi %add3A_376, %mul3A_2 : i32
    %dma_start3A_378 = arith.constant 34 : i32
    %dma_start3A_379 = arith.constant 0 : i32
    %dma_start3A_380 = tpu.memref_slice %arg5[%dma_start3A_378, %dma_start3A_379] : memref<50x128xi32, #tpu.memory_space<vmem>> -> memref<1x128xi32, #tpu.memory_space<vmem>>
    %dma_start3A_381 = tpu.memref_squeeze %dma_start3A_380 : memref<1x128xi32, #tpu.memory_space<vmem>> -> memref<128xi32, #tpu.memory_space<vmem>>
    %dma_start3A_382 = tpu.memref_slice %arg3[%add3A_377] : memref<204800xi32, #tpu.memory_space<hbm>> -> memref<128xi32, #tpu.memory_space<hbm>>
    %dma_start3A_383 = arith.constant 0 : i32
    %dma_start3A_384 = tpu.memref_slice %arg5[%dma_start3A_378, %dma_start3A_383] : memref<50x128xi32, #tpu.memory_space<vmem>> -> memref<1x128xi32, #tpu.memory_space<vmem>>
    %dma_start3A_385 = tpu.memref_squeeze %dma_start3A_384 : memref<1x128xi32, #tpu.memory_space<vmem>> -> memref<128xi32, #tpu.memory_space<vmem>>
    %dma_start3A_386 = tpu.memref_slice %arg3[%add3A_377] : memref<204800xi32, #tpu.memory_space<hbm>> -> memref<128xi32, #tpu.memory_space<hbm>>
    tpu.enqueue_dma source(%dma_start3A_386 : memref<128xi32, #tpu.memory_space<hbm>>) target(%dma_start3A_385 : memref<128xi32, #tpu.memory_space<vmem>>) target_semaphore(%arg13 : memref<!tpu.dma_semaphore, #tpu.memory_space<semaphore_mem>>)
    %add3A_387 = arith.constant 143360 : i32
    %add3A_388 = arith.addi %add3A_387, %mul3A_2 : i32
    %dma_start3A_389 = arith.constant 35 : i32
    %dma_start3A_390 = arith.constant 0 : i32
    %dma_start3A_391 = tpu.memref_slice %arg5[%dma_start3A_389, %dma_start3A_390] : memref<50x128xi32, #tpu.memory_space<vmem>> -> memref<1x128xi32, #tpu.memory_space<vmem>>
    %dma_start3A_392 = tpu.memref_squeeze %dma_start3A_391 : memref<1x128xi32, #tpu.memory_space<vmem>> -> memref<128xi32, #tpu.memory_space<vmem>>
    %dma_start3A_393 = tpu.memref_slice %arg3[%add3A_388] : memref<204800xi32, #tpu.memory_space<hbm>> -> memref<128xi32, #tpu.memory_space<hbm>>
    %dma_start3A_394 = arith.constant 0 : i32
    %dma_start3A_395 = tpu.memref_slice %arg5[%dma_start3A_389, %dma_start3A_394] : memref<50x128xi32, #tpu.memory_space<vmem>> -> memref<1x128xi32, #tpu.memory_space<vmem>>
    %dma_start3A_396 = tpu.memref_squeeze %dma_start3A_395 : memref<1x128xi32, #tpu.memory_space<vmem>> -> memref<128xi32, #tpu.memory_space<vmem>>
    %dma_start3A_397 = tpu.memref_slice %arg3[%add3A_388] : memref<204800xi32, #tpu.memory_space<hbm>> -> memref<128xi32, #tpu.memory_space<hbm>>
    tpu.enqueue_dma source(%dma_start3A_397 : memref<128xi32, #tpu.memory_space<hbm>>) target(%dma_start3A_396 : memref<128xi32, #tpu.memory_space<vmem>>) target_semaphore(%arg13 : memref<!tpu.dma_semaphore, #tpu.memory_space<semaphore_mem>>)
    %add3A_398 = arith.constant 147456 : i32
    %add3A_399 = arith.addi %add3A_398, %mul3A_2 : i32
    %dma_start3A_400 = arith.constant 36 : i32
    %dma_start3A_401 = arith.constant 0 : i32
    %dma_start3A_402 = tpu.memref_slice %arg5[%dma_start3A_400, %dma_start3A_401] : memref<50x128xi32, #tpu.memory_space<vmem>> -> memref<1x128xi32, #tpu.memory_space<vmem>>
    %dma_start3A_403 = tpu.memref_squeeze %dma_start3A_402 : memref<1x128xi32, #tpu.memory_space<vmem>> -> memref<128xi32, #tpu.memory_space<vmem>>
    %dma_start3A_404 = tpu.memref_slice %arg3[%add3A_399] : memref<204800xi32, #tpu.memory_space<hbm>> -> memref<128xi32, #tpu.memory_space<hbm>>
    %dma_start3A_405 = arith.constant 0 : i32
    %dma_start3A_406 = tpu.memref_slice %arg5[%dma_start3A_400, %dma_start3A_405] : memref<50x128xi32, #tpu.memory_space<vmem>> -> memref<1x128xi32, #tpu.memory_space<vmem>>
    %dma_start3A_407 = tpu.memref_squeeze %dma_start3A_406 : memref<1x128xi32, #tpu.memory_space<vmem>> -> memref<128xi32, #tpu.memory_space<vmem>>
    %dma_start3A_408 = tpu.memref_slice %arg3[%add3A_399] : memref<204800xi32, #tpu.memory_space<hbm>> -> memref<128xi32, #tpu.memory_space<hbm>>
    tpu.enqueue_dma source(%dma_start3A_408 : memref<128xi32, #tpu.memory_space<hbm>>) target(%dma_start3A_407 : memref<128xi32, #tpu.memory_space<vmem>>) target_semaphore(%arg13 : memref<!tpu.dma_semaphore, #tpu.memory_space<semaphore_mem>>)
    %add3A_409 = arith.constant 151552 : i32
    %add3A_410 = arith.addi %add3A_409, %mul3A_2 : i32
    %dma_start3A_411 = arith.constant 37 : i32
    %dma_start3A_412 = arith.constant 0 : i32
    %dma_start3A_413 = tpu.memref_slice %arg5[%dma_start3A_411, %dma_start3A_412] : memref<50x128xi32, #tpu.memory_space<vmem>> -> memref<1x128xi32, #tpu.memory_space<vmem>>
    %dma_start3A_414 = tpu.memref_squeeze %dma_start3A_413 : memref<1x128xi32, #tpu.memory_space<vmem>> -> memref<128xi32, #tpu.memory_space<vmem>>
    %dma_start3A_415 = tpu.memref_slice %arg3[%add3A_410] : memref<204800xi32, #tpu.memory_space<hbm>> -> memref<128xi32, #tpu.memory_space<hbm>>
    %dma_start3A_416 = arith.constant 0 : i32
    %dma_start3A_417 = tpu.memref_slice %arg5[%dma_start3A_411, %dma_start3A_416] : memref<50x128xi32, #tpu.memory_space<vmem>> -> memref<1x128xi32, #tpu.memory_space<vmem>>
    %dma_start3A_418 = tpu.memref_squeeze %dma_start3A_417 : memref<1x128xi32, #tpu.memory_space<vmem>> -> memref<128xi32, #tpu.memory_space<vmem>>
    %dma_start3A_419 = tpu.memref_slice %arg3[%add3A_410] : memref<204800xi32, #tpu.memory_space<hbm>> -> memref<128xi32, #tpu.memory_space<hbm>>
    tpu.enqueue_dma source(%dma_start3A_419 : memref<128xi32, #tpu.memory_space<hbm>>) target(%dma_start3A_418 : memref<128xi32, #tpu.memory_space<vmem>>) target_semaphore(%arg13 : memref<!tpu.dma_semaphore, #tpu.memory_space<semaphore_mem>>)
    %add3A_420 = arith.constant 155648 : i32
    %add3A_421 = arith.addi %add3A_420, %mul3A_2 : i32
    %dma_start3A_422 = arith.constant 38 : i32
    %dma_start3A_423 = arith.constant 0 : i32
    %dma_start3A_424 = tpu.memref_slice %arg5[%dma_start3A_422, %dma_start3A_423] : memref<50x128xi32, #tpu.memory_space<vmem>> -> memref<1x128xi32, #tpu.memory_space<vmem>>
    %dma_start3A_425 = tpu.memref_squeeze %dma_start3A_424 : memref<1x128xi32, #tpu.memory_space<vmem>> -> memref<128xi32, #tpu.memory_space<vmem>>
    %dma_start3A_426 = tpu.memref_slice %arg3[%add3A_421] : memref<204800xi32, #tpu.memory_space<hbm>> -> memref<128xi32, #tpu.memory_space<hbm>>
    %dma_start3A_427 = arith.constant 0 : i32
    %dma_start3A_428 = tpu.memref_slice %arg5[%dma_start3A_422, %dma_start3A_427] : memref<50x128xi32, #tpu.memory_space<vmem>> -> memref<1x128xi32, #tpu.memory_space<vmem>>
    %dma_start3A_429 = tpu.memref_squeeze %dma_start3A_428 : memref<1x128xi32, #tpu.memory_space<vmem>> -> memref<128xi32, #tpu.memory_space<vmem>>
    %dma_start3A_430 = tpu.memref_slice %arg3[%add3A_421] : memref<204800xi32, #tpu.memory_space<hbm>> -> memref<128xi32, #tpu.memory_space<hbm>>
    tpu.enqueue_dma source(%dma_start3A_430 : memref<128xi32, #tpu.memory_space<hbm>>) target(%dma_start3A_429 : memref<128xi32, #tpu.memory_space<vmem>>) target_semaphore(%arg13 : memref<!tpu.dma_semaphore, #tpu.memory_space<semaphore_mem>>)
    %add3A_431 = arith.constant 159744 : i32
    %add3A_432 = arith.addi %add3A_431, %mul3A_2 : i32
    %dma_start3A_433 = arith.constant 39 : i32
    %dma_start3A_434 = arith.constant 0 : i32
    %dma_start3A_435 = tpu.memref_slice %arg5[%dma_start3A_433, %dma_start3A_434] : memref<50x128xi32, #tpu.memory_space<vmem>> -> memref<1x128xi32, #tpu.memory_space<vmem>>
    %dma_start3A_436 = tpu.memref_squeeze %dma_start3A_435 : memref<1x128xi32, #tpu.memory_space<vmem>> -> memref<128xi32, #tpu.memory_space<vmem>>
    %dma_start3A_437 = tpu.memref_slice %arg3[%add3A_432] : memref<204800xi32, #tpu.memory_space<hbm>> -> memref<128xi32, #tpu.memory_space<hbm>>
    %dma_start3A_438 = arith.constant 0 : i32
    %dma_start3A_439 = tpu.memref_slice %arg5[%dma_start3A_433, %dma_start3A_438] : memref<50x128xi32, #tpu.memory_space<vmem>> -> memref<1x128xi32, #tpu.memory_space<vmem>>
    %dma_start3A_440 = tpu.memref_squeeze %dma_start3A_439 : memref<1x128xi32, #tpu.memory_space<vmem>> -> memref<128xi32, #tpu.memory_space<vmem>>
    %dma_start3A_441 = tpu.memref_slice %arg3[%add3A_432] : memref<204800xi32, #tpu.memory_space<hbm>> -> memref<128xi32, #tpu.memory_space<hbm>>
    tpu.enqueue_dma source(%dma_start3A_441 : memref<128xi32, #tpu.memory_space<hbm>>) target(%dma_start3A_440 : memref<128xi32, #tpu.memory_space<vmem>>) target_semaphore(%arg13 : memref<!tpu.dma_semaphore, #tpu.memory_space<semaphore_mem>>)
    %add3A_442 = arith.constant 163840 : i32
    %add3A_443 = arith.addi %add3A_442, %mul3A_2 : i32
    %dma_start3A_444 = arith.constant 40 : i32
    %dma_start3A_445 = arith.constant 0 : i32
    %dma_start3A_446 = tpu.memref_slice %arg5[%dma_start3A_444, %dma_start3A_445] : memref<50x128xi32, #tpu.memory_space<vmem>> -> memref<1x128xi32, #tpu.memory_space<vmem>>
    %dma_start3A_447 = tpu.memref_squeeze %dma_start3A_446 : memref<1x128xi32, #tpu.memory_space<vmem>> -> memref<128xi32, #tpu.memory_space<vmem>>
    %dma_start3A_448 = tpu.memref_slice %arg3[%add3A_443] : memref<204800xi32, #tpu.memory_space<hbm>> -> memref<128xi32, #tpu.memory_space<hbm>>
    %dma_start3A_449 = arith.constant 0 : i32
    %dma_start3A_450 = tpu.memref_slice %arg5[%dma_start3A_444, %dma_start3A_449] : memref<50x128xi32, #tpu.memory_space<vmem>> -> memref<1x128xi32, #tpu.memory_space<vmem>>
    %dma_start3A_451 = tpu.memref_squeeze %dma_start3A_450 : memref<1x128xi32, #tpu.memory_space<vmem>> -> memref<128xi32, #tpu.memory_space<vmem>>
    %dma_start3A_452 = tpu.memref_slice %arg3[%add3A_443] : memref<204800xi32, #tpu.memory_space<hbm>> -> memref<128xi32, #tpu.memory_space<hbm>>
    tpu.enqueue_dma source(%dma_start3A_452 : memref<128xi32, #tpu.memory_space<hbm>>) target(%dma_start3A_451 : memref<128xi32, #tpu.memory_space<vmem>>) target_semaphore(%arg13 : memref<!tpu.dma_semaphore, #tpu.memory_space<semaphore_mem>>)
    %add3A_453 = arith.constant 167936 : i32
    %add3A_454 = arith.addi %add3A_453, %mul3A_2 : i32
    %dma_start3A_455 = arith.constant 41 : i32
    %dma_start3A_456 = arith.constant 0 : i32
    %dma_start3A_457 = tpu.memref_slice %arg5[%dma_start3A_455, %dma_start3A_456] : memref<50x128xi32, #tpu.memory_space<vmem>> -> memref<1x128xi32, #tpu.memory_space<vmem>>
    %dma_start3A_458 = tpu.memref_squeeze %dma_start3A_457 : memref<1x128xi32, #tpu.memory_space<vmem>> -> memref<128xi32, #tpu.memory_space<vmem>>
    %dma_start3A_459 = tpu.memref_slice %arg3[%add3A_454] : memref<204800xi32, #tpu.memory_space<hbm>> -> memref<128xi32, #tpu.memory_space<hbm>>
    %dma_start3A_460 = arith.constant 0 : i32
    %dma_start3A_461 = tpu.memref_slice %arg5[%dma_start3A_455, %dma_start3A_460] : memref<50x128xi32, #tpu.memory_space<vmem>> -> memref<1x128xi32, #tpu.memory_space<vmem>>
    %dma_start3A_462 = tpu.memref_squeeze %dma_start3A_461 : memref<1x128xi32, #tpu.memory_space<vmem>> -> memref<128xi32, #tpu.memory_space<vmem>>
    %dma_start3A_463 = tpu.memref_slice %arg3[%add3A_454] : memref<204800xi32, #tpu.memory_space<hbm>> -> memref<128xi32, #tpu.memory_space<hbm>>
    tpu.enqueue_dma source(%dma_start3A_463 : memref<128xi32, #tpu.memory_space<hbm>>) target(%dma_start3A_462 : memref<128xi32, #tpu.memory_space<vmem>>) target_semaphore(%arg13 : memref<!tpu.dma_semaphore, #tpu.memory_space<semaphore_mem>>)
    %add3A_464 = arith.constant 172032 : i32
    %add3A_465 = arith.addi %add3A_464, %mul3A_2 : i32
    %dma_start3A_466 = arith.constant 42 : i32
    %dma_start3A_467 = arith.constant 0 : i32
    %dma_start3A_468 = tpu.memref_slice %arg5[%dma_start3A_466, %dma_start3A_467] : memref<50x128xi32, #tpu.memory_space<vmem>> -> memref<1x128xi32, #tpu.memory_space<vmem>>
    %dma_start3A_469 = tpu.memref_squeeze %dma_start3A_468 : memref<1x128xi32, #tpu.memory_space<vmem>> -> memref<128xi32, #tpu.memory_space<vmem>>
    %dma_start3A_470 = tpu.memref_slice %arg3[%add3A_465] : memref<204800xi32, #tpu.memory_space<hbm>> -> memref<128xi32, #tpu.memory_space<hbm>>
    %dma_start3A_471 = arith.constant 0 : i32
    %dma_start3A_472 = tpu.memref_slice %arg5[%dma_start3A_466, %dma_start3A_471] : memref<50x128xi32, #tpu.memory_space<vmem>> -> memref<1x128xi32, #tpu.memory_space<vmem>>
    %dma_start3A_473 = tpu.memref_squeeze %dma_start3A_472 : memref<1x128xi32, #tpu.memory_space<vmem>> -> memref<128xi32, #tpu.memory_space<vmem>>
    %dma_start3A_474 = tpu.memref_slice %arg3[%add3A_465] : memref<204800xi32, #tpu.memory_space<hbm>> -> memref<128xi32, #tpu.memory_space<hbm>>
    tpu.enqueue_dma source(%dma_start3A_474 : memref<128xi32, #tpu.memory_space<hbm>>) target(%dma_start3A_473 : memref<128xi32, #tpu.memory_space<vmem>>) target_semaphore(%arg13 : memref<!tpu.dma_semaphore, #tpu.memory_space<semaphore_mem>>)
    %add3A_475 = arith.constant 176128 : i32
    %add3A_476 = arith.addi %add3A_475, %mul3A_2 : i32
    %dma_start3A_477 = arith.constant 43 : i32
    %dma_start3A_478 = arith.constant 0 : i32
    %dma_start3A_479 = tpu.memref_slice %arg5[%dma_start3A_477, %dma_start3A_478] : memref<50x128xi32, #tpu.memory_space<vmem>> -> memref<1x128xi32, #tpu.memory_space<vmem>>
    %dma_start3A_480 = tpu.memref_squeeze %dma_start3A_479 : memref<1x128xi32, #tpu.memory_space<vmem>> -> memref<128xi32, #tpu.memory_space<vmem>>
    %dma_start3A_481 = tpu.memref_slice %arg3[%add3A_476] : memref<204800xi32, #tpu.memory_space<hbm>> -> memref<128xi32, #tpu.memory_space<hbm>>
    %dma_start3A_482 = arith.constant 0 : i32
    %dma_start3A_483 = tpu.memref_slice %arg5[%dma_start3A_477, %dma_start3A_482] : memref<50x128xi32, #tpu.memory_space<vmem>> -> memref<1x128xi32, #tpu.memory_space<vmem>>
    %dma_start3A_484 = tpu.memref_squeeze %dma_start3A_483 : memref<1x128xi32, #tpu.memory_space<vmem>> -> memref<128xi32, #tpu.memory_space<vmem>>
    %dma_start3A_485 = tpu.memref_slice %arg3[%add3A_476] : memref<204800xi32, #tpu.memory_space<hbm>> -> memref<128xi32, #tpu.memory_space<hbm>>
    tpu.enqueue_dma source(%dma_start3A_485 : memref<128xi32, #tpu.memory_space<hbm>>) target(%dma_start3A_484 : memref<128xi32, #tpu.memory_space<vmem>>) target_semaphore(%arg13 : memref<!tpu.dma_semaphore, #tpu.memory_space<semaphore_mem>>)
    %add3A_486 = arith.constant 180224 : i32
    %add3A_487 = arith.addi %add3A_486, %mul3A_2 : i32
    %dma_start3A_488 = arith.constant 44 : i32
    %dma_start3A_489 = arith.constant 0 : i32
    %dma_start3A_490 = tpu.memref_slice %arg5[%dma_start3A_488, %dma_start3A_489] : memref<50x128xi32, #tpu.memory_space<vmem>> -> memref<1x128xi32, #tpu.memory_space<vmem>>
    %dma_start3A_491 = tpu.memref_squeeze %dma_start3A_490 : memref<1x128xi32, #tpu.memory_space<vmem>> -> memref<128xi32, #tpu.memory_space<vmem>>
    %dma_start3A_492 = tpu.memref_slice %arg3[%add3A_487] : memref<204800xi32, #tpu.memory_space<hbm>> -> memref<128xi32, #tpu.memory_space<hbm>>
    %dma_start3A_493 = arith.constant 0 : i32
    %dma_start3A_494 = tpu.memref_slice %arg5[%dma_start3A_488, %dma_start3A_493] : memref<50x128xi32, #tpu.memory_space<vmem>> -> memref<1x128xi32, #tpu.memory_space<vmem>>
    %dma_start3A_495 = tpu.memref_squeeze %dma_start3A_494 : memref<1x128xi32, #tpu.memory_space<vmem>> -> memref<128xi32, #tpu.memory_space<vmem>>
    %dma_start3A_496 = tpu.memref_slice %arg3[%add3A_487] : memref<204800xi32, #tpu.memory_space<hbm>> -> memref<128xi32, #tpu.memory_space<hbm>>
    tpu.enqueue_dma source(%dma_start3A_496 : memref<128xi32, #tpu.memory_space<hbm>>) target(%dma_start3A_495 : memref<128xi32, #tpu.memory_space<vmem>>) target_semaphore(%arg13 : memref<!tpu.dma_semaphore, #tpu.memory_space<semaphore_mem>>)
    %add3A_497 = arith.constant 184320 : i32
    %add3A_498 = arith.addi %add3A_497, %mul3A_2 : i32
    %dma_start3A_499 = arith.constant 45 : i32
    %dma_start3A_500 = arith.constant 0 : i32
    %dma_start3A_501 = tpu.memref_slice %arg5[%dma_start3A_499, %dma_start3A_500] : memref<50x128xi32, #tpu.memory_space<vmem>> -> memref<1x128xi32, #tpu.memory_space<vmem>>
    %dma_start3A_502 = tpu.memref_squeeze %dma_start3A_501 : memref<1x128xi32, #tpu.memory_space<vmem>> -> memref<128xi32, #tpu.memory_space<vmem>>
    %dma_start3A_503 = tpu.memref_slice %arg3[%add3A_498] : memref<204800xi32, #tpu.memory_space<hbm>> -> memref<128xi32, #tpu.memory_space<hbm>>
    %dma_start3A_504 = arith.constant 0 : i32
    %dma_start3A_505 = tpu.memref_slice %arg5[%dma_start3A_499, %dma_start3A_504] : memref<50x128xi32, #tpu.memory_space<vmem>> -> memref<1x128xi32, #tpu.memory_space<vmem>>
    %dma_start3A_506 = tpu.memref_squeeze %dma_start3A_505 : memref<1x128xi32, #tpu.memory_space<vmem>> -> memref<128xi32, #tpu.memory_space<vmem>>
    %dma_start3A_507 = tpu.memref_slice %arg3[%add3A_498] : memref<204800xi32, #tpu.memory_space<hbm>> -> memref<128xi32, #tpu.memory_space<hbm>>
    tpu.enqueue_dma source(%dma_start3A_507 : memref<128xi32, #tpu.memory_space<hbm>>) target(%dma_start3A_506 : memref<128xi32, #tpu.memory_space<vmem>>) target_semaphore(%arg13 : memref<!tpu.dma_semaphore, #tpu.memory_space<semaphore_mem>>)
    %add3A_508 = arith.constant 188416 : i32
    %add3A_509 = arith.addi %add3A_508, %mul3A_2 : i32
    %dma_start3A_510 = arith.constant 46 : i32
    %dma_start3A_511 = arith.constant 0 : i32
    %dma_start3A_512 = tpu.memref_slice %arg5[%dma_start3A_510, %dma_start3A_511] : memref<50x128xi32, #tpu.memory_space<vmem>> -> memref<1x128xi32, #tpu.memory_space<vmem>>
    %dma_start3A_513 = tpu.memref_squeeze %dma_start3A_512 : memref<1x128xi32, #tpu.memory_space<vmem>> -> memref<128xi32, #tpu.memory_space<vmem>>
    %dma_start3A_514 = tpu.memref_slice %arg3[%add3A_509] : memref<204800xi32, #tpu.memory_space<hbm>> -> memref<128xi32, #tpu.memory_space<hbm>>
    %dma_start3A_515 = arith.constant 0 : i32
    %dma_start3A_516 = tpu.memref_slice %arg5[%dma_start3A_510, %dma_start3A_515] : memref<50x128xi32, #tpu.memory_space<vmem>> -> memref<1x128xi32, #tpu.memory_space<vmem>>
    %dma_start3A_517 = tpu.memref_squeeze %dma_start3A_516 : memref<1x128xi32, #tpu.memory_space<vmem>> -> memref<128xi32, #tpu.memory_space<vmem>>
    %dma_start3A_518 = tpu.memref_slice %arg3[%add3A_509] : memref<204800xi32, #tpu.memory_space<hbm>> -> memref<128xi32, #tpu.memory_space<hbm>>
    tpu.enqueue_dma source(%dma_start3A_518 : memref<128xi32, #tpu.memory_space<hbm>>) target(%dma_start3A_517 : memref<128xi32, #tpu.memory_space<vmem>>) target_semaphore(%arg13 : memref<!tpu.dma_semaphore, #tpu.memory_space<semaphore_mem>>)
    %add3A_519 = arith.constant 192512 : i32
    %add3A_520 = arith.addi %add3A_519, %mul3A_2 : i32
    %dma_start3A_521 = arith.constant 47 : i32
    %dma_start3A_522 = arith.constant 0 : i32
    %dma_start3A_523 = tpu.memref_slice %arg5[%dma_start3A_521, %dma_start3A_522] : memref<50x128xi32, #tpu.memory_space<vmem>> -> memref<1x128xi32, #tpu.memory_space<vmem>>
    %dma_start3A_524 = tpu.memref_squeeze %dma_start3A_523 : memref<1x128xi32, #tpu.memory_space<vmem>> -> memref<128xi32, #tpu.memory_space<vmem>>
    %dma_start3A_525 = tpu.memref_slice %arg3[%add3A_520] : memref<204800xi32, #tpu.memory_space<hbm>> -> memref<128xi32, #tpu.memory_space<hbm>>
    %dma_start3A_526 = arith.constant 0 : i32
    %dma_start3A_527 = tpu.memref_slice %arg5[%dma_start3A_521, %dma_start3A_526] : memref<50x128xi32, #tpu.memory_space<vmem>> -> memref<1x128xi32, #tpu.memory_space<vmem>>
    %dma_start3A_528 = tpu.memref_squeeze %dma_start3A_527 : memref<1x128xi32, #tpu.memory_space<vmem>> -> memref<128xi32, #tpu.memory_space<vmem>>
    %dma_start3A_529 = tpu.memref_slice %arg3[%add3A_520] : memref<204800xi32, #tpu.memory_space<hbm>> -> memref<128xi32, #tpu.memory_space<hbm>>
    tpu.enqueue_dma source(%dma_start3A_529 : memref<128xi32, #tpu.memory_space<hbm>>) target(%dma_start3A_528 : memref<128xi32, #tpu.memory_space<vmem>>) target_semaphore(%arg13 : memref<!tpu.dma_semaphore, #tpu.memory_space<semaphore_mem>>)
    %add3A_530 = arith.constant 196608 : i32
    %add3A_531 = arith.addi %add3A_530, %mul3A_2 : i32
    %dma_start3A_532 = arith.constant 48 : i32
    %dma_start3A_533 = arith.constant 0 : i32
    %dma_start3A_534 = tpu.memref_slice %arg5[%dma_start3A_532, %dma_start3A_533] : memref<50x128xi32, #tpu.memory_space<vmem>> -> memref<1x128xi32, #tpu.memory_space<vmem>>
    %dma_start3A_535 = tpu.memref_squeeze %dma_start3A_534 : memref<1x128xi32, #tpu.memory_space<vmem>> -> memref<128xi32, #tpu.memory_space<vmem>>
    %dma_start3A_536 = tpu.memref_slice %arg3[%add3A_531] : memref<204800xi32, #tpu.memory_space<hbm>> -> memref<128xi32, #tpu.memory_space<hbm>>
    %dma_start3A_537 = arith.constant 0 : i32
    %dma_start3A_538 = tpu.memref_slice %arg5[%dma_start3A_532, %dma_start3A_537] : memref<50x128xi32, #tpu.memory_space<vmem>> -> memref<1x128xi32, #tpu.memory_space<vmem>>
    %dma_start3A_539 = tpu.memref_squeeze %dma_start3A_538 : memref<1x128xi32, #tpu.memory_space<vmem>> -> memref<128xi32, #tpu.memory_space<vmem>>
    %dma_start3A_540 = tpu.memref_slice %arg3[%add3A_531] : memref<204800xi32, #tpu.memory_space<hbm>> -> memref<128xi32, #tpu.memory_space<hbm>>
    tpu.enqueue_dma source(%dma_start3A_540 : memref<128xi32, #tpu.memory_space<hbm>>) target(%dma_start3A_539 : memref<128xi32, #tpu.memory_space<vmem>>) target_semaphore(%arg13 : memref<!tpu.dma_semaphore, #tpu.memory_space<semaphore_mem>>)
    %add3A_541 = arith.constant 200704 : i32
    %add3A_542 = arith.addi %add3A_541, %mul3A_2 : i32
    %dma_start3A_543 = arith.constant 49 : i32
    %dma_start3A_544 = arith.constant 0 : i32
    %dma_start3A_545 = tpu.memref_slice %arg5[%dma_start3A_543, %dma_start3A_544] : memref<50x128xi32, #tpu.memory_space<vmem>> -> memref<1x128xi32, #tpu.memory_space<vmem>>
    %dma_start3A_546 = tpu.memref_squeeze %dma_start3A_545 : memref<1x128xi32, #tpu.memory_space<vmem>> -> memref<128xi32, #tpu.memory_space<vmem>>
    %dma_start3A_547 = tpu.memref_slice %arg3[%add3A_542] : memref<204800xi32, #tpu.memory_space<hbm>> -> memref<128xi32, #tpu.memory_space<hbm>>
    %dma_start3A_548 = arith.constant 0 : i32
    %dma_start3A_549 = tpu.memref_slice %arg5[%dma_start3A_543, %dma_start3A_548] : memref<50x128xi32, #tpu.memory_space<vmem>> -> memref<1x128xi32, #tpu.memory_space<vmem>>
    %dma_start3A_550 = tpu.memref_squeeze %dma_start3A_549 : memref<1x128xi32, #tpu.memory_space<vmem>> -> memref<128xi32, #tpu.memory_space<vmem>>
    %dma_start3A_551 = tpu.memref_slice %arg3[%add3A_542] : memref<204800xi32, #tpu.memory_space<hbm>> -> memref<128xi32, #tpu.memory_space<hbm>>
    tpu.enqueue_dma source(%dma_start3A_551 : memref<128xi32, #tpu.memory_space<hbm>>) target(%dma_start3A_550 : memref<128xi32, #tpu.memory_space<vmem>>) target_semaphore(%arg13 : memref<!tpu.dma_semaphore, #tpu.memory_space<semaphore_mem>>)
    %dma_wait3A = arith.constant 0 : i32
    %dma_wait3A_552 = arith.constant 0 : i32
    %dma_wait3A_553 = tpu.memref_slice %arg5[%dma_wait3A, %dma_wait3A_552] : memref<50x128xi32, #tpu.memory_space<vmem>> -> memref<1x128xi32, #tpu.memory_space<vmem>>
    %dma_wait3A_554 = tpu.memref_squeeze %dma_wait3A_553 : memref<1x128xi32, #tpu.memory_space<vmem>> -> memref<128xi32, #tpu.memory_space<vmem>>
    %dma_wait3A_555 = tpu.memref_slice %arg3[%add3A_4] : memref<204800xi32, #tpu.memory_space<hbm>> -> memref<128xi32, #tpu.memory_space<hbm>>
    %dma_wait3A_556 = arith.constant 0 : i32
    %dma_wait3A_557 = tpu.memref_slice %arg5[%dma_wait3A, %dma_wait3A_556] : memref<50x128xi32, #tpu.memory_space<vmem>> -> memref<1x128xi32, #tpu.memory_space<vmem>>
    %dma_wait3A_558 = tpu.memref_squeeze %dma_wait3A_557 : memref<1x128xi32, #tpu.memory_space<vmem>> -> memref<128xi32, #tpu.memory_space<vmem>>
    %dma_wait3A_559 = tpu.memref_slice %arg3[%add3A_4] : memref<204800xi32, #tpu.memory_space<hbm>> -> memref<128xi32, #tpu.memory_space<hbm>>
    tpu.wait_dma2 semaphore(%arg13 : memref<!tpu.dma_semaphore, #tpu.memory_space<semaphore_mem>>) src(%dma_wait3A_559 : memref<128xi32, #tpu.memory_space<hbm>>) dst(%dma_wait3A_558 : memref<128xi32, #tpu.memory_space<vmem>>)
    %dma_wait3A_560 = arith.constant 1 : i32
    %dma_wait3A_561 = arith.constant 0 : i32
    %dma_wait3A_562 = tpu.memref_slice %arg5[%dma_wait3A_560, %dma_wait3A_561] : memref<50x128xi32, #tpu.memory_space<vmem>> -> memref<1x128xi32, #tpu.memory_space<vmem>>
    %dma_wait3A_563 = tpu.memref_squeeze %dma_wait3A_562 : memref<1x128xi32, #tpu.memory_space<vmem>> -> memref<128xi32, #tpu.memory_space<vmem>>
    %dma_wait3A_564 = tpu.memref_slice %arg3[%add3A_14] : memref<204800xi32, #tpu.memory_space<hbm>> -> memref<128xi32, #tpu.memory_space<hbm>>
    %dma_wait3A_565 = arith.constant 0 : i32
    %dma_wait3A_566 = tpu.memref_slice %arg5[%dma_wait3A_560, %dma_wait3A_565] : memref<50x128xi32, #tpu.memory_space<vmem>> -> memref<1x128xi32, #tpu.memory_space<vmem>>
    %dma_wait3A_567 = tpu.memref_squeeze %dma_wait3A_566 : memref<1x128xi32, #tpu.memory_space<vmem>> -> memref<128xi32, #tpu.memory_space<vmem>>
    %dma_wait3A_568 = tpu.memref_slice %arg3[%add3A_14] : memref<204800xi32, #tpu.memory_space<hbm>> -> memref<128xi32, #tpu.memory_space<hbm>>
    tpu.wait_dma2 semaphore(%arg13 : memref<!tpu.dma_semaphore, #tpu.memory_space<semaphore_mem>>) src(%dma_wait3A_568 : memref<128xi32, #tpu.memory_space<hbm>>) dst(%dma_wait3A_567 : memref<128xi32, #tpu.memory_space<vmem>>)
    %dma_wait3A_569 = arith.constant 2 : i32
    %dma_wait3A_570 = arith.constant 0 : i32
    %dma_wait3A_571 = tpu.memref_slice %arg5[%dma_wait3A_569, %dma_wait3A_570] : memref<50x128xi32, #tpu.memory_space<vmem>> -> memref<1x128xi32, #tpu.memory_space<vmem>>
    %dma_wait3A_572 = tpu.memref_squeeze %dma_wait3A_571 : memref<1x128xi32, #tpu.memory_space<vmem>> -> memref<128xi32, #tpu.memory_space<vmem>>
    %dma_wait3A_573 = tpu.memref_slice %arg3[%add3A_25] : memref<204800xi32, #tpu.memory_space<hbm>> -> memref<128xi32, #tpu.memory_space<hbm>>
    %dma_wait3A_574 = arith.constant 0 : i32
    %dma_wait3A_575 = tpu.memref_slice %arg5[%dma_wait3A_569, %dma_wait3A_574] : memref<50x128xi32, #tpu.memory_space<vmem>> -> memref<1x128xi32, #tpu.memory_space<vmem>>
    %dma_wait3A_576 = tpu.memref_squeeze %dma_wait3A_575 : memref<1x128xi32, #tpu.memory_space<vmem>> -> memref<128xi32, #tpu.memory_space<vmem>>
    %dma_wait3A_577 = tpu.memref_slice %arg3[%add3A_25] : memref<204800xi32, #tpu.memory_space<hbm>> -> memref<128xi32, #tpu.memory_space<hbm>>
    tpu.wait_dma2 semaphore(%arg13 : memref<!tpu.dma_semaphore, #tpu.memory_space<semaphore_mem>>) src(%dma_wait3A_577 : memref<128xi32, #tpu.memory_space<hbm>>) dst(%dma_wait3A_576 : memref<128xi32, #tpu.memory_space<vmem>>)
    %dma_wait3A_578 = arith.constant 3 : i32
    %dma_wait3A_579 = arith.constant 0 : i32
    %dma_wait3A_580 = tpu.memref_slice %arg5[%dma_wait3A_578, %dma_wait3A_579] : memref<50x128xi32, #tpu.memory_space<vmem>> -> memref<1x128xi32, #tpu.memory_space<vmem>>
    %dma_wait3A_581 = tpu.memref_squeeze %dma_wait3A_580 : memref<1x128xi32, #tpu.memory_space<vmem>> -> memref<128xi32, #tpu.memory_space<vmem>>
    %dma_wait3A_582 = tpu.memref_slice %arg3[%add3A_36] : memref<204800xi32, #tpu.memory_space<hbm>> -> memref<128xi32, #tpu.memory_space<hbm>>
    %dma_wait3A_583 = arith.constant 0 : i32
    %dma_wait3A_584 = tpu.memref_slice %arg5[%dma_wait3A_578, %dma_wait3A_583] : memref<50x128xi32, #tpu.memory_space<vmem>> -> memref<1x128xi32, #tpu.memory_space<vmem>>
    %dma_wait3A_585 = tpu.memref_squeeze %dma_wait3A_584 : memref<1x128xi32, #tpu.memory_space<vmem>> -> memref<128xi32, #tpu.memory_space<vmem>>
    %dma_wait3A_586 = tpu.memref_slice %arg3[%add3A_36] : memref<204800xi32, #tpu.memory_space<hbm>> -> memref<128xi32, #tpu.memory_space<hbm>>
    tpu.wait_dma2 semaphore(%arg13 : memref<!tpu.dma_semaphore, #tpu.memory_space<semaphore_mem>>) src(%dma_wait3A_586 : memref<128xi32, #tpu.memory_space<hbm>>) dst(%dma_wait3A_585 : memref<128xi32, #tpu.memory_space<vmem>>)
    %dma_wait3A_587 = arith.constant 4 : i32
    %dma_wait3A_588 = arith.constant 0 : i32
    %dma_wait3A_589 = tpu.memref_slice %arg5[%dma_wait3A_587, %dma_wait3A_588] : memref<50x128xi32, #tpu.memory_space<vmem>> -> memref<1x128xi32, #tpu.memory_space<vmem>>
    %dma_wait3A_590 = tpu.memref_squeeze %dma_wait3A_589 : memref<1x128xi32, #tpu.memory_space<vmem>> -> memref<128xi32, #tpu.memory_space<vmem>>
    %dma_wait3A_591 = tpu.memref_slice %arg3[%add3A_47] : memref<204800xi32, #tpu.memory_space<hbm>> -> memref<128xi32, #tpu.memory_space<hbm>>
    %dma_wait3A_592 = arith.constant 0 : i32
    %dma_wait3A_593 = tpu.memref_slice %arg5[%dma_wait3A_587, %dma_wait3A_592] : memref<50x128xi32, #tpu.memory_space<vmem>> -> memref<1x128xi32, #tpu.memory_space<vmem>>
    %dma_wait3A_594 = tpu.memref_squeeze %dma_wait3A_593 : memref<1x128xi32, #tpu.memory_space<vmem>> -> memref<128xi32, #tpu.memory_space<vmem>>
    %dma_wait3A_595 = tpu.memref_slice %arg3[%add3A_47] : memref<204800xi32, #tpu.memory_space<hbm>> -> memref<128xi32, #tpu.memory_space<hbm>>
    tpu.wait_dma2 semaphore(%arg13 : memref<!tpu.dma_semaphore, #tpu.memory_space<semaphore_mem>>) src(%dma_wait3A_595 : memref<128xi32, #tpu.memory_space<hbm>>) dst(%dma_wait3A_594 : memref<128xi32, #tpu.memory_space<vmem>>)
    %dma_wait3A_596 = arith.constant 5 : i32
    %dma_wait3A_597 = arith.constant 0 : i32
    %dma_wait3A_598 = tpu.memref_slice %arg5[%dma_wait3A_596, %dma_wait3A_597] : memref<50x128xi32, #tpu.memory_space<vmem>> -> memref<1x128xi32, #tpu.memory_space<vmem>>
    %dma_wait3A_599 = tpu.memref_squeeze %dma_wait3A_598 : memref<1x128xi32, #tpu.memory_space<vmem>> -> memref<128xi32, #tpu.memory_space<vmem>>
    %dma_wait3A_600 = tpu.memref_slice %arg3[%add3A_58] : memref<204800xi32, #tpu.memory_space<hbm>> -> memref<128xi32, #tpu.memory_space<hbm>>
    %dma_wait3A_601 = arith.constant 0 : i32
    %dma_wait3A_602 = tpu.memref_slice %arg5[%dma_wait3A_596, %dma_wait3A_601] : memref<50x128xi32, #tpu.memory_space<vmem>> -> memref<1x128xi32, #tpu.memory_space<vmem>>
    %dma_wait3A_603 = tpu.memref_squeeze %dma_wait3A_602 : memref<1x128xi32, #tpu.memory_space<vmem>> -> memref<128xi32, #tpu.memory_space<vmem>>
    %dma_wait3A_604 = tpu.memref_slice %arg3[%add3A_58] : memref<204800xi32, #tpu.memory_space<hbm>> -> memref<128xi32, #tpu.memory_space<hbm>>
    tpu.wait_dma2 semaphore(%arg13 : memref<!tpu.dma_semaphore, #tpu.memory_space<semaphore_mem>>) src(%dma_wait3A_604 : memref<128xi32, #tpu.memory_space<hbm>>) dst(%dma_wait3A_603 : memref<128xi32, #tpu.memory_space<vmem>>)
    %dma_wait3A_605 = arith.constant 6 : i32
    %dma_wait3A_606 = arith.constant 0 : i32
    %dma_wait3A_607 = tpu.memref_slice %arg5[%dma_wait3A_605, %dma_wait3A_606] : memref<50x128xi32, #tpu.memory_space<vmem>> -> memref<1x128xi32, #tpu.memory_space<vmem>>
    %dma_wait3A_608 = tpu.memref_squeeze %dma_wait3A_607 : memref<1x128xi32, #tpu.memory_space<vmem>> -> memref<128xi32, #tpu.memory_space<vmem>>
    %dma_wait3A_609 = tpu.memref_slice %arg3[%add3A_69] : memref<204800xi32, #tpu.memory_space<hbm>> -> memref<128xi32, #tpu.memory_space<hbm>>
    %dma_wait3A_610 = arith.constant 0 : i32
    %dma_wait3A_611 = tpu.memref_slice %arg5[%dma_wait3A_605, %dma_wait3A_610] : memref<50x128xi32, #tpu.memory_space<vmem>> -> memref<1x128xi32, #tpu.memory_space<vmem>>
    %dma_wait3A_612 = tpu.memref_squeeze %dma_wait3A_611 : memref<1x128xi32, #tpu.memory_space<vmem>> -> memref<128xi32, #tpu.memory_space<vmem>>
    %dma_wait3A_613 = tpu.memref_slice %arg3[%add3A_69] : memref<204800xi32, #tpu.memory_space<hbm>> -> memref<128xi32, #tpu.memory_space<hbm>>
    tpu.wait_dma2 semaphore(%arg13 : memref<!tpu.dma_semaphore, #tpu.memory_space<semaphore_mem>>) src(%dma_wait3A_613 : memref<128xi32, #tpu.memory_space<hbm>>) dst(%dma_wait3A_612 : memref<128xi32, #tpu.memory_space<vmem>>)
    %dma_wait3A_614 = arith.constant 7 : i32
    %dma_wait3A_615 = arith.constant 0 : i32
    %dma_wait3A_616 = tpu.memref_slice %arg5[%dma_wait3A_614, %dma_wait3A_615] : memref<50x128xi32, #tpu.memory_space<vmem>> -> memref<1x128xi32, #tpu.memory_space<vmem>>
    %dma_wait3A_617 = tpu.memref_squeeze %dma_wait3A_616 : memref<1x128xi32, #tpu.memory_space<vmem>> -> memref<128xi32, #tpu.memory_space<vmem>>
    %dma_wait3A_618 = tpu.memref_slice %arg3[%add3A_80] : memref<204800xi32, #tpu.memory_space<hbm>> -> memref<128xi32, #tpu.memory_space<hbm>>
    %dma_wait3A_619 = arith.constant 0 : i32
    %dma_wait3A_620 = tpu.memref_slice %arg5[%dma_wait3A_614, %dma_wait3A_619] : memref<50x128xi32, #tpu.memory_space<vmem>> -> memref<1x128xi32, #tpu.memory_space<vmem>>
    %dma_wait3A_621 = tpu.memref_squeeze %dma_wait3A_620 : memref<1x128xi32, #tpu.memory_space<vmem>> -> memref<128xi32, #tpu.memory_space<vmem>>
    %dma_wait3A_622 = tpu.memref_slice %arg3[%add3A_80] : memref<204800xi32, #tpu.memory_space<hbm>> -> memref<128xi32, #tpu.memory_space<hbm>>
    tpu.wait_dma2 semaphore(%arg13 : memref<!tpu.dma_semaphore, #tpu.memory_space<semaphore_mem>>) src(%dma_wait3A_622 : memref<128xi32, #tpu.memory_space<hbm>>) dst(%dma_wait3A_621 : memref<128xi32, #tpu.memory_space<vmem>>)
    %dma_wait3A_623 = arith.constant 8 : i32
    %dma_wait3A_624 = arith.constant 0 : i32
    %dma_wait3A_625 = tpu.memref_slice %arg5[%dma_wait3A_623, %dma_wait3A_624] : memref<50x128xi32, #tpu.memory_space<vmem>> -> memref<1x128xi32, #tpu.memory_space<vmem>>
    %dma_wait3A_626 = tpu.memref_squeeze %dma_wait3A_625 : memref<1x128xi32, #tpu.memory_space<vmem>> -> memref<128xi32, #tpu.memory_space<vmem>>
    %dma_wait3A_627 = tpu.memref_slice %arg3[%add3A_91] : memref<204800xi32, #tpu.memory_space<hbm>> -> memref<128xi32, #tpu.memory_space<hbm>>
    %dma_wait3A_628 = arith.constant 0 : i32
    %dma_wait3A_629 = tpu.memref_slice %arg5[%dma_wait3A_623, %dma_wait3A_628] : memref<50x128xi32, #tpu.memory_space<vmem>> -> memref<1x128xi32, #tpu.memory_space<vmem>>
    %dma_wait3A_630 = tpu.memref_squeeze %dma_wait3A_629 : memref<1x128xi32, #tpu.memory_space<vmem>> -> memref<128xi32, #tpu.memory_space<vmem>>
    %dma_wait3A_631 = tpu.memref_slice %arg3[%add3A_91] : memref<204800xi32, #tpu.memory_space<hbm>> -> memref<128xi32, #tpu.memory_space<hbm>>
    tpu.wait_dma2 semaphore(%arg13 : memref<!tpu.dma_semaphore, #tpu.memory_space<semaphore_mem>>) src(%dma_wait3A_631 : memref<128xi32, #tpu.memory_space<hbm>>) dst(%dma_wait3A_630 : memref<128xi32, #tpu.memory_space<vmem>>)
    %dma_wait3A_632 = arith.constant 9 : i32
    %dma_wait3A_633 = arith.constant 0 : i32
    %dma_wait3A_634 = tpu.memref_slice %arg5[%dma_wait3A_632, %dma_wait3A_633] : memref<50x128xi32, #tpu.memory_space<vmem>> -> memref<1x128xi32, #tpu.memory_space<vmem>>
    %dma_wait3A_635 = tpu.memref_squeeze %dma_wait3A_634 : memref<1x128xi32, #tpu.memory_space<vmem>> -> memref<128xi32, #tpu.memory_space<vmem>>
    %dma_wait3A_636 = tpu.memref_slice %arg3[%add3A_102] : memref<204800xi32, #tpu.memory_space<hbm>> -> memref<128xi32, #tpu.memory_space<hbm>>
    %dma_wait3A_637 = arith.constant 0 : i32
    %dma_wait3A_638 = tpu.memref_slice %arg5[%dma_wait3A_632, %dma_wait3A_637] : memref<50x128xi32, #tpu.memory_space<vmem>> -> memref<1x128xi32, #tpu.memory_space<vmem>>
    %dma_wait3A_639 = tpu.memref_squeeze %dma_wait3A_638 : memref<1x128xi32, #tpu.memory_space<vmem>> -> memref<128xi32, #tpu.memory_space<vmem>>
    %dma_wait3A_640 = tpu.memref_slice %arg3[%add3A_102] : memref<204800xi32, #tpu.memory_space<hbm>> -> memref<128xi32, #tpu.memory_space<hbm>>
    tpu.wait_dma2 semaphore(%arg13 : memref<!tpu.dma_semaphore, #tpu.memory_space<semaphore_mem>>) src(%dma_wait3A_640 : memref<128xi32, #tpu.memory_space<hbm>>) dst(%dma_wait3A_639 : memref<128xi32, #tpu.memory_space<vmem>>)
    %dma_wait3A_641 = arith.constant 10 : i32
    %dma_wait3A_642 = arith.constant 0 : i32
    %dma_wait3A_643 = tpu.memref_slice %arg5[%dma_wait3A_641, %dma_wait3A_642] : memref<50x128xi32, #tpu.memory_space<vmem>> -> memref<1x128xi32, #tpu.memory_space<vmem>>
    %dma_wait3A_644 = tpu.memref_squeeze %dma_wait3A_643 : memref<1x128xi32, #tpu.memory_space<vmem>> -> memref<128xi32, #tpu.memory_space<vmem>>
    %dma_wait3A_645 = tpu.memref_slice %arg3[%add3A_113] : memref<204800xi32, #tpu.memory_space<hbm>> -> memref<128xi32, #tpu.memory_space<hbm>>
    %dma_wait3A_646 = arith.constant 0 : i32
    %dma_wait3A_647 = tpu.memref_slice %arg5[%dma_wait3A_641, %dma_wait3A_646] : memref<50x128xi32, #tpu.memory_space<vmem>> -> memref<1x128xi32, #tpu.memory_space<vmem>>
    %dma_wait3A_648 = tpu.memref_squeeze %dma_wait3A_647 : memref<1x128xi32, #tpu.memory_space<vmem>> -> memref<128xi32, #tpu.memory_space<vmem>>
    %dma_wait3A_649 = tpu.memref_slice %arg3[%add3A_113] : memref<204800xi32, #tpu.memory_space<hbm>> -> memref<128xi32, #tpu.memory_space<hbm>>
    tpu.wait_dma2 semaphore(%arg13 : memref<!tpu.dma_semaphore, #tpu.memory_space<semaphore_mem>>) src(%dma_wait3A_649 : memref<128xi32, #tpu.memory_space<hbm>>) dst(%dma_wait3A_648 : memref<128xi32, #tpu.memory_space<vmem>>)
    %dma_wait3A_650 = arith.constant 11 : i32
    %dma_wait3A_651 = arith.constant 0 : i32
    %dma_wait3A_652 = tpu.memref_slice %arg5[%dma_wait3A_650, %dma_wait3A_651] : memref<50x128xi32, #tpu.memory_space<vmem>> -> memref<1x128xi32, #tpu.memory_space<vmem>>
    %dma_wait3A_653 = tpu.memref_squeeze %dma_wait3A_652 : memref<1x128xi32, #tpu.memory_space<vmem>> -> memref<128xi32, #tpu.memory_space<vmem>>
    %dma_wait3A_654 = tpu.memref_slice %arg3[%add3A_124] : memref<204800xi32, #tpu.memory_space<hbm>> -> memref<128xi32, #tpu.memory_space<hbm>>
    %dma_wait3A_655 = arith.constant 0 : i32
    %dma_wait3A_656 = tpu.memref_slice %arg5[%dma_wait3A_650, %dma_wait3A_655] : memref<50x128xi32, #tpu.memory_space<vmem>> -> memref<1x128xi32, #tpu.memory_space<vmem>>
    %dma_wait3A_657 = tpu.memref_squeeze %dma_wait3A_656 : memref<1x128xi32, #tpu.memory_space<vmem>> -> memref<128xi32, #tpu.memory_space<vmem>>
    %dma_wait3A_658 = tpu.memref_slice %arg3[%add3A_124] : memref<204800xi32, #tpu.memory_space<hbm>> -> memref<128xi32, #tpu.memory_space<hbm>>
    tpu.wait_dma2 semaphore(%arg13 : memref<!tpu.dma_semaphore, #tpu.memory_space<semaphore_mem>>) src(%dma_wait3A_658 : memref<128xi32, #tpu.memory_space<hbm>>) dst(%dma_wait3A_657 : memref<128xi32, #tpu.memory_space<vmem>>)
    %dma_wait3A_659 = arith.constant 12 : i32
    %dma_wait3A_660 = arith.constant 0 : i32
    %dma_wait3A_661 = tpu.memref_slice %arg5[%dma_wait3A_659, %dma_wait3A_660] : memref<50x128xi32, #tpu.memory_space<vmem>> -> memref<1x128xi32, #tpu.memory_space<vmem>>
    %dma_wait3A_662 = tpu.memref_squeeze %dma_wait3A_661 : memref<1x128xi32, #tpu.memory_space<vmem>> -> memref<128xi32, #tpu.memory_space<vmem>>
    %dma_wait3A_663 = tpu.memref_slice %arg3[%add3A_135] : memref<204800xi32, #tpu.memory_space<hbm>> -> memref<128xi32, #tpu.memory_space<hbm>>
    %dma_wait3A_664 = arith.constant 0 : i32
    %dma_wait3A_665 = tpu.memref_slice %arg5[%dma_wait3A_659, %dma_wait3A_664] : memref<50x128xi32, #tpu.memory_space<vmem>> -> memref<1x128xi32, #tpu.memory_space<vmem>>
    %dma_wait3A_666 = tpu.memref_squeeze %dma_wait3A_665 : memref<1x128xi32, #tpu.memory_space<vmem>> -> memref<128xi32, #tpu.memory_space<vmem>>
    %dma_wait3A_667 = tpu.memref_slice %arg3[%add3A_135] : memref<204800xi32, #tpu.memory_space<hbm>> -> memref<128xi32, #tpu.memory_space<hbm>>
    tpu.wait_dma2 semaphore(%arg13 : memref<!tpu.dma_semaphore, #tpu.memory_space<semaphore_mem>>) src(%dma_wait3A_667 : memref<128xi32, #tpu.memory_space<hbm>>) dst(%dma_wait3A_666 : memref<128xi32, #tpu.memory_space<vmem>>)
    %dma_wait3A_668 = arith.constant 13 : i32
    %dma_wait3A_669 = arith.constant 0 : i32
    %dma_wait3A_670 = tpu.memref_slice %arg5[%dma_wait3A_668, %dma_wait3A_669] : memref<50x128xi32, #tpu.memory_space<vmem>> -> memref<1x128xi32, #tpu.memory_space<vmem>>
    %dma_wait3A_671 = tpu.memref_squeeze %dma_wait3A_670 : memref<1x128xi32, #tpu.memory_space<vmem>> -> memref<128xi32, #tpu.memory_space<vmem>>
    %dma_wait3A_672 = tpu.memref_slice %arg3[%add3A_146] : memref<204800xi32, #tpu.memory_space<hbm>> -> memref<128xi32, #tpu.memory_space<hbm>>
    %dma_wait3A_673 = arith.constant 0 : i32
    %dma_wait3A_674 = tpu.memref_slice %arg5[%dma_wait3A_668, %dma_wait3A_673] : memref<50x128xi32, #tpu.memory_space<vmem>> -> memref<1x128xi32, #tpu.memory_space<vmem>>
    %dma_wait3A_675 = tpu.memref_squeeze %dma_wait3A_674 : memref<1x128xi32, #tpu.memory_space<vmem>> -> memref<128xi32, #tpu.memory_space<vmem>>
    %dma_wait3A_676 = tpu.memref_slice %arg3[%add3A_146] : memref<204800xi32, #tpu.memory_space<hbm>> -> memref<128xi32, #tpu.memory_space<hbm>>
    tpu.wait_dma2 semaphore(%arg13 : memref<!tpu.dma_semaphore, #tpu.memory_space<semaphore_mem>>) src(%dma_wait3A_676 : memref<128xi32, #tpu.memory_space<hbm>>) dst(%dma_wait3A_675 : memref<128xi32, #tpu.memory_space<vmem>>)
    %dma_wait3A_677 = arith.constant 14 : i32
    %dma_wait3A_678 = arith.constant 0 : i32
    %dma_wait3A_679 = tpu.memref_slice %arg5[%dma_wait3A_677, %dma_wait3A_678] : memref<50x128xi32, #tpu.memory_space<vmem>> -> memref<1x128xi32, #tpu.memory_space<vmem>>
    %dma_wait3A_680 = tpu.memref_squeeze %dma_wait3A_679 : memref<1x128xi32, #tpu.memory_space<vmem>> -> memref<128xi32, #tpu.memory_space<vmem>>
    %dma_wait3A_681 = tpu.memref_slice %arg3[%add3A_157] : memref<204800xi32, #tpu.memory_space<hbm>> -> memref<128xi32, #tpu.memory_space<hbm>>
    %dma_wait3A_682 = arith.constant 0 : i32
    %dma_wait3A_683 = tpu.memref_slice %arg5[%dma_wait3A_677, %dma_wait3A_682] : memref<50x128xi32, #tpu.memory_space<vmem>> -> memref<1x128xi32, #tpu.memory_space<vmem>>
    %dma_wait3A_684 = tpu.memref_squeeze %dma_wait3A_683 : memref<1x128xi32, #tpu.memory_space<vmem>> -> memref<128xi32, #tpu.memory_space<vmem>>
    %dma_wait3A_685 = tpu.memref_slice %arg3[%add3A_157] : memref<204800xi32, #tpu.memory_space<hbm>> -> memref<128xi32, #tpu.memory_space<hbm>>
    tpu.wait_dma2 semaphore(%arg13 : memref<!tpu.dma_semaphore, #tpu.memory_space<semaphore_mem>>) src(%dma_wait3A_685 : memref<128xi32, #tpu.memory_space<hbm>>) dst(%dma_wait3A_684 : memref<128xi32, #tpu.memory_space<vmem>>)
    %dma_wait3A_686 = arith.constant 15 : i32
    %dma_wait3A_687 = arith.constant 0 : i32
    %dma_wait3A_688 = tpu.memref_slice %arg5[%dma_wait3A_686, %dma_wait3A_687] : memref<50x128xi32, #tpu.memory_space<vmem>> -> memref<1x128xi32, #tpu.memory_space<vmem>>
    %dma_wait3A_689 = tpu.memref_squeeze %dma_wait3A_688 : memref<1x128xi32, #tpu.memory_space<vmem>> -> memref<128xi32, #tpu.memory_space<vmem>>
    %dma_wait3A_690 = tpu.memref_slice %arg3[%add3A_168] : memref<204800xi32, #tpu.memory_space<hbm>> -> memref<128xi32, #tpu.memory_space<hbm>>
    %dma_wait3A_691 = arith.constant 0 : i32
    %dma_wait3A_692 = tpu.memref_slice %arg5[%dma_wait3A_686, %dma_wait3A_691] : memref<50x128xi32, #tpu.memory_space<vmem>> -> memref<1x128xi32, #tpu.memory_space<vmem>>
    %dma_wait3A_693 = tpu.memref_squeeze %dma_wait3A_692 : memref<1x128xi32, #tpu.memory_space<vmem>> -> memref<128xi32, #tpu.memory_space<vmem>>
    %dma_wait3A_694 = tpu.memref_slice %arg3[%add3A_168] : memref<204800xi32, #tpu.memory_space<hbm>> -> memref<128xi32, #tpu.memory_space<hbm>>
    tpu.wait_dma2 semaphore(%arg13 : memref<!tpu.dma_semaphore, #tpu.memory_space<semaphore_mem>>) src(%dma_wait3A_694 : memref<128xi32, #tpu.memory_space<hbm>>) dst(%dma_wait3A_693 : memref<128xi32, #tpu.memory_space<vmem>>)
    %dma_wait3A_695 = arith.constant 16 : i32
    %dma_wait3A_696 = arith.constant 0 : i32
    %dma_wait3A_697 = tpu.memref_slice %arg5[%dma_wait3A_695, %dma_wait3A_696] : memref<50x128xi32, #tpu.memory_space<vmem>> -> memref<1x128xi32, #tpu.memory_space<vmem>>
    %dma_wait3A_698 = tpu.memref_squeeze %dma_wait3A_697 : memref<1x128xi32, #tpu.memory_space<vmem>> -> memref<128xi32, #tpu.memory_space<vmem>>
    %dma_wait3A_699 = tpu.memref_slice %arg3[%add3A_179] : memref<204800xi32, #tpu.memory_space<hbm>> -> memref<128xi32, #tpu.memory_space<hbm>>
    %dma_wait3A_700 = arith.constant 0 : i32
    %dma_wait3A_701 = tpu.memref_slice %arg5[%dma_wait3A_695, %dma_wait3A_700] : memref<50x128xi32, #tpu.memory_space<vmem>> -> memref<1x128xi32, #tpu.memory_space<vmem>>
    %dma_wait3A_702 = tpu.memref_squeeze %dma_wait3A_701 : memref<1x128xi32, #tpu.memory_space<vmem>> -> memref<128xi32, #tpu.memory_space<vmem>>
    %dma_wait3A_703 = tpu.memref_slice %arg3[%add3A_179] : memref<204800xi32, #tpu.memory_space<hbm>> -> memref<128xi32, #tpu.memory_space<hbm>>
    tpu.wait_dma2 semaphore(%arg13 : memref<!tpu.dma_semaphore, #tpu.memory_space<semaphore_mem>>) src(%dma_wait3A_703 : memref<128xi32, #tpu.memory_space<hbm>>) dst(%dma_wait3A_702 : memref<128xi32, #tpu.memory_space<vmem>>)
    %dma_wait3A_704 = arith.constant 17 : i32
    %dma_wait3A_705 = arith.constant 0 : i32
    %dma_wait3A_706 = tpu.memref_slice %arg5[%dma_wait3A_704, %dma_wait3A_705] : memref<50x128xi32, #tpu.memory_space<vmem>> -> memref<1x128xi32, #tpu.memory_space<vmem>>
    %dma_wait3A_707 = tpu.memref_squeeze %dma_wait3A_706 : memref<1x128xi32, #tpu.memory_space<vmem>> -> memref<128xi32, #tpu.memory_space<vmem>>
    %dma_wait3A_708 = tpu.memref_slice %arg3[%add3A_190] : memref<204800xi32, #tpu.memory_space<hbm>> -> memref<128xi32, #tpu.memory_space<hbm>>
    %dma_wait3A_709 = arith.constant 0 : i32
    %dma_wait3A_710 = tpu.memref_slice %arg5[%dma_wait3A_704, %dma_wait3A_709] : memref<50x128xi32, #tpu.memory_space<vmem>> -> memref<1x128xi32, #tpu.memory_space<vmem>>
    %dma_wait3A_711 = tpu.memref_squeeze %dma_wait3A_710 : memref<1x128xi32, #tpu.memory_space<vmem>> -> memref<128xi32, #tpu.memory_space<vmem>>
    %dma_wait3A_712 = tpu.memref_slice %arg3[%add3A_190] : memref<204800xi32, #tpu.memory_space<hbm>> -> memref<128xi32, #tpu.memory_space<hbm>>
    tpu.wait_dma2 semaphore(%arg13 : memref<!tpu.dma_semaphore, #tpu.memory_space<semaphore_mem>>) src(%dma_wait3A_712 : memref<128xi32, #tpu.memory_space<hbm>>) dst(%dma_wait3A_711 : memref<128xi32, #tpu.memory_space<vmem>>)
    %dma_wait3A_713 = arith.constant 18 : i32
    %dma_wait3A_714 = arith.constant 0 : i32
    %dma_wait3A_715 = tpu.memref_slice %arg5[%dma_wait3A_713, %dma_wait3A_714] : memref<50x128xi32, #tpu.memory_space<vmem>> -> memref<1x128xi32, #tpu.memory_space<vmem>>
    %dma_wait3A_716 = tpu.memref_squeeze %dma_wait3A_715 : memref<1x128xi32, #tpu.memory_space<vmem>> -> memref<128xi32, #tpu.memory_space<vmem>>
    %dma_wait3A_717 = tpu.memref_slice %arg3[%add3A_201] : memref<204800xi32, #tpu.memory_space<hbm>> -> memref<128xi32, #tpu.memory_space<hbm>>
    %dma_wait3A_718 = arith.constant 0 : i32
    %dma_wait3A_719 = tpu.memref_slice %arg5[%dma_wait3A_713, %dma_wait3A_718] : memref<50x128xi32, #tpu.memory_space<vmem>> -> memref<1x128xi32, #tpu.memory_space<vmem>>
    %dma_wait3A_720 = tpu.memref_squeeze %dma_wait3A_719 : memref<1x128xi32, #tpu.memory_space<vmem>> -> memref<128xi32, #tpu.memory_space<vmem>>
    %dma_wait3A_721 = tpu.memref_slice %arg3[%add3A_201] : memref<204800xi32, #tpu.memory_space<hbm>> -> memref<128xi32, #tpu.memory_space<hbm>>
    tpu.wait_dma2 semaphore(%arg13 : memref<!tpu.dma_semaphore, #tpu.memory_space<semaphore_mem>>) src(%dma_wait3A_721 : memref<128xi32, #tpu.memory_space<hbm>>) dst(%dma_wait3A_720 : memref<128xi32, #tpu.memory_space<vmem>>)
    %dma_wait3A_722 = arith.constant 19 : i32
    %dma_wait3A_723 = arith.constant 0 : i32
    %dma_wait3A_724 = tpu.memref_slice %arg5[%dma_wait3A_722, %dma_wait3A_723] : memref<50x128xi32, #tpu.memory_space<vmem>> -> memref<1x128xi32, #tpu.memory_space<vmem>>
    %dma_wait3A_725 = tpu.memref_squeeze %dma_wait3A_724 : memref<1x128xi32, #tpu.memory_space<vmem>> -> memref<128xi32, #tpu.memory_space<vmem>>
    %dma_wait3A_726 = tpu.memref_slice %arg3[%add3A_212] : memref<204800xi32, #tpu.memory_space<hbm>> -> memref<128xi32, #tpu.memory_space<hbm>>
    %dma_wait3A_727 = arith.constant 0 : i32
    %dma_wait3A_728 = tpu.memref_slice %arg5[%dma_wait3A_722, %dma_wait3A_727] : memref<50x128xi32, #tpu.memory_space<vmem>> -> memref<1x128xi32, #tpu.memory_space<vmem>>
    %dma_wait3A_729 = tpu.memref_squeeze %dma_wait3A_728 : memref<1x128xi32, #tpu.memory_space<vmem>> -> memref<128xi32, #tpu.memory_space<vmem>>
    %dma_wait3A_730 = tpu.memref_slice %arg3[%add3A_212] : memref<204800xi32, #tpu.memory_space<hbm>> -> memref<128xi32, #tpu.memory_space<hbm>>
    tpu.wait_dma2 semaphore(%arg13 : memref<!tpu.dma_semaphore, #tpu.memory_space<semaphore_mem>>) src(%dma_wait3A_730 : memref<128xi32, #tpu.memory_space<hbm>>) dst(%dma_wait3A_729 : memref<128xi32, #tpu.memory_space<vmem>>)
    %dma_wait3A_731 = arith.constant 20 : i32
    %dma_wait3A_732 = arith.constant 0 : i32
    %dma_wait3A_733 = tpu.memref_slice %arg5[%dma_wait3A_731, %dma_wait3A_732] : memref<50x128xi32, #tpu.memory_space<vmem>> -> memref<1x128xi32, #tpu.memory_space<vmem>>
    %dma_wait3A_734 = tpu.memref_squeeze %dma_wait3A_733 : memref<1x128xi32, #tpu.memory_space<vmem>> -> memref<128xi32, #tpu.memory_space<vmem>>
    %dma_wait3A_735 = tpu.memref_slice %arg3[%add3A_223] : memref<204800xi32, #tpu.memory_space<hbm>> -> memref<128xi32, #tpu.memory_space<hbm>>
    %dma_wait3A_736 = arith.constant 0 : i32
    %dma_wait3A_737 = tpu.memref_slice %arg5[%dma_wait3A_731, %dma_wait3A_736] : memref<50x128xi32, #tpu.memory_space<vmem>> -> memref<1x128xi32, #tpu.memory_space<vmem>>
    %dma_wait3A_738 = tpu.memref_squeeze %dma_wait3A_737 : memref<1x128xi32, #tpu.memory_space<vmem>> -> memref<128xi32, #tpu.memory_space<vmem>>
    %dma_wait3A_739 = tpu.memref_slice %arg3[%add3A_223] : memref<204800xi32, #tpu.memory_space<hbm>> -> memref<128xi32, #tpu.memory_space<hbm>>
    tpu.wait_dma2 semaphore(%arg13 : memref<!tpu.dma_semaphore, #tpu.memory_space<semaphore_mem>>) src(%dma_wait3A_739 : memref<128xi32, #tpu.memory_space<hbm>>) dst(%dma_wait3A_738 : memref<128xi32, #tpu.memory_space<vmem>>)
    %dma_wait3A_740 = arith.constant 21 : i32
    %dma_wait3A_741 = arith.constant 0 : i32
    %dma_wait3A_742 = tpu.memref_slice %arg5[%dma_wait3A_740, %dma_wait3A_741] : memref<50x128xi32, #tpu.memory_space<vmem>> -> memref<1x128xi32, #tpu.memory_space<vmem>>
    %dma_wait3A_743 = tpu.memref_squeeze %dma_wait3A_742 : memref<1x128xi32, #tpu.memory_space<vmem>> -> memref<128xi32, #tpu.memory_space<vmem>>
    %dma_wait3A_744 = tpu.memref_slice %arg3[%add3A_234] : memref<204800xi32, #tpu.memory_space<hbm>> -> memref<128xi32, #tpu.memory_space<hbm>>
    %dma_wait3A_745 = arith.constant 0 : i32
    %dma_wait3A_746 = tpu.memref_slice %arg5[%dma_wait3A_740, %dma_wait3A_745] : memref<50x128xi32, #tpu.memory_space<vmem>> -> memref<1x128xi32, #tpu.memory_space<vmem>>
    %dma_wait3A_747 = tpu.memref_squeeze %dma_wait3A_746 : memref<1x128xi32, #tpu.memory_space<vmem>> -> memref<128xi32, #tpu.memory_space<vmem>>
    %dma_wait3A_748 = tpu.memref_slice %arg3[%add3A_234] : memref<204800xi32, #tpu.memory_space<hbm>> -> memref<128xi32, #tpu.memory_space<hbm>>
    tpu.wait_dma2 semaphore(%arg13 : memref<!tpu.dma_semaphore, #tpu.memory_space<semaphore_mem>>) src(%dma_wait3A_748 : memref<128xi32, #tpu.memory_space<hbm>>) dst(%dma_wait3A_747 : memref<128xi32, #tpu.memory_space<vmem>>)
    %dma_wait3A_749 = arith.constant 22 : i32
    %dma_wait3A_750 = arith.constant 0 : i32
    %dma_wait3A_751 = tpu.memref_slice %arg5[%dma_wait3A_749, %dma_wait3A_750] : memref<50x128xi32, #tpu.memory_space<vmem>> -> memref<1x128xi32, #tpu.memory_space<vmem>>
    %dma_wait3A_752 = tpu.memref_squeeze %dma_wait3A_751 : memref<1x128xi32, #tpu.memory_space<vmem>> -> memref<128xi32, #tpu.memory_space<vmem>>
    %dma_wait3A_753 = tpu.memref_slice %arg3[%add3A_245] : memref<204800xi32, #tpu.memory_space<hbm>> -> memref<128xi32, #tpu.memory_space<hbm>>
    %dma_wait3A_754 = arith.constant 0 : i32
    %dma_wait3A_755 = tpu.memref_slice %arg5[%dma_wait3A_749, %dma_wait3A_754] : memref<50x128xi32, #tpu.memory_space<vmem>> -> memref<1x128xi32, #tpu.memory_space<vmem>>
    %dma_wait3A_756 = tpu.memref_squeeze %dma_wait3A_755 : memref<1x128xi32, #tpu.memory_space<vmem>> -> memref<128xi32, #tpu.memory_space<vmem>>
    %dma_wait3A_757 = tpu.memref_slice %arg3[%add3A_245] : memref<204800xi32, #tpu.memory_space<hbm>> -> memref<128xi32, #tpu.memory_space<hbm>>
    tpu.wait_dma2 semaphore(%arg13 : memref<!tpu.dma_semaphore, #tpu.memory_space<semaphore_mem>>) src(%dma_wait3A_757 : memref<128xi32, #tpu.memory_space<hbm>>) dst(%dma_wait3A_756 : memref<128xi32, #tpu.memory_space<vmem>>)
    %dma_wait3A_758 = arith.constant 23 : i32
    %dma_wait3A_759 = arith.constant 0 : i32
    %dma_wait3A_760 = tpu.memref_slice %arg5[%dma_wait3A_758, %dma_wait3A_759] : memref<50x128xi32, #tpu.memory_space<vmem>> -> memref<1x128xi32, #tpu.memory_space<vmem>>
    %dma_wait3A_761 = tpu.memref_squeeze %dma_wait3A_760 : memref<1x128xi32, #tpu.memory_space<vmem>> -> memref<128xi32, #tpu.memory_space<vmem>>
    %dma_wait3A_762 = tpu.memref_slice %arg3[%add3A_256] : memref<204800xi32, #tpu.memory_space<hbm>> -> memref<128xi32, #tpu.memory_space<hbm>>
    %dma_wait3A_763 = arith.constant 0 : i32
    %dma_wait3A_764 = tpu.memref_slice %arg5[%dma_wait3A_758, %dma_wait3A_763] : memref<50x128xi32, #tpu.memory_space<vmem>> -> memref<1x128xi32, #tpu.memory_space<vmem>>
    %dma_wait3A_765 = tpu.memref_squeeze %dma_wait3A_764 : memref<1x128xi32, #tpu.memory_space<vmem>> -> memref<128xi32, #tpu.memory_space<vmem>>
    %dma_wait3A_766 = tpu.memref_slice %arg3[%add3A_256] : memref<204800xi32, #tpu.memory_space<hbm>> -> memref<128xi32, #tpu.memory_space<hbm>>
    tpu.wait_dma2 semaphore(%arg13 : memref<!tpu.dma_semaphore, #tpu.memory_space<semaphore_mem>>) src(%dma_wait3A_766 : memref<128xi32, #tpu.memory_space<hbm>>) dst(%dma_wait3A_765 : memref<128xi32, #tpu.memory_space<vmem>>)
    %dma_wait3A_767 = arith.constant 24 : i32
    %dma_wait3A_768 = arith.constant 0 : i32
    %dma_wait3A_769 = tpu.memref_slice %arg5[%dma_wait3A_767, %dma_wait3A_768] : memref<50x128xi32, #tpu.memory_space<vmem>> -> memref<1x128xi32, #tpu.memory_space<vmem>>
    %dma_wait3A_770 = tpu.memref_squeeze %dma_wait3A_769 : memref<1x128xi32, #tpu.memory_space<vmem>> -> memref<128xi32, #tpu.memory_space<vmem>>
    %dma_wait3A_771 = tpu.memref_slice %arg3[%add3A_267] : memref<204800xi32, #tpu.memory_space<hbm>> -> memref<128xi32, #tpu.memory_space<hbm>>
    %dma_wait3A_772 = arith.constant 0 : i32
    %dma_wait3A_773 = tpu.memref_slice %arg5[%dma_wait3A_767, %dma_wait3A_772] : memref<50x128xi32, #tpu.memory_space<vmem>> -> memref<1x128xi32, #tpu.memory_space<vmem>>
    %dma_wait3A_774 = tpu.memref_squeeze %dma_wait3A_773 : memref<1x128xi32, #tpu.memory_space<vmem>> -> memref<128xi32, #tpu.memory_space<vmem>>
    %dma_wait3A_775 = tpu.memref_slice %arg3[%add3A_267] : memref<204800xi32, #tpu.memory_space<hbm>> -> memref<128xi32, #tpu.memory_space<hbm>>
    tpu.wait_dma2 semaphore(%arg13 : memref<!tpu.dma_semaphore, #tpu.memory_space<semaphore_mem>>) src(%dma_wait3A_775 : memref<128xi32, #tpu.memory_space<hbm>>) dst(%dma_wait3A_774 : memref<128xi32, #tpu.memory_space<vmem>>)
    %dma_wait3A_776 = arith.constant 25 : i32
    %dma_wait3A_777 = arith.constant 0 : i32
    %dma_wait3A_778 = tpu.memref_slice %arg5[%dma_wait3A_776, %dma_wait3A_777] : memref<50x128xi32, #tpu.memory_space<vmem>> -> memref<1x128xi32, #tpu.memory_space<vmem>>
    %dma_wait3A_779 = tpu.memref_squeeze %dma_wait3A_778 : memref<1x128xi32, #tpu.memory_space<vmem>> -> memref<128xi32, #tpu.memory_space<vmem>>
    %dma_wait3A_780 = tpu.memref_slice %arg3[%add3A_278] : memref<204800xi32, #tpu.memory_space<hbm>> -> memref<128xi32, #tpu.memory_space<hbm>>
    %dma_wait3A_781 = arith.constant 0 : i32
    %dma_wait3A_782 = tpu.memref_slice %arg5[%dma_wait3A_776, %dma_wait3A_781] : memref<50x128xi32, #tpu.memory_space<vmem>> -> memref<1x128xi32, #tpu.memory_space<vmem>>
    %dma_wait3A_783 = tpu.memref_squeeze %dma_wait3A_782 : memref<1x128xi32, #tpu.memory_space<vmem>> -> memref<128xi32, #tpu.memory_space<vmem>>
    %dma_wait3A_784 = tpu.memref_slice %arg3[%add3A_278] : memref<204800xi32, #tpu.memory_space<hbm>> -> memref<128xi32, #tpu.memory_space<hbm>>
    tpu.wait_dma2 semaphore(%arg13 : memref<!tpu.dma_semaphore, #tpu.memory_space<semaphore_mem>>) src(%dma_wait3A_784 : memref<128xi32, #tpu.memory_space<hbm>>) dst(%dma_wait3A_783 : memref<128xi32, #tpu.memory_space<vmem>>)
    %dma_wait3A_785 = arith.constant 26 : i32
    %dma_wait3A_786 = arith.constant 0 : i32
    %dma_wait3A_787 = tpu.memref_slice %arg5[%dma_wait3A_785, %dma_wait3A_786] : memref<50x128xi32, #tpu.memory_space<vmem>> -> memref<1x128xi32, #tpu.memory_space<vmem>>
    %dma_wait3A_788 = tpu.memref_squeeze %dma_wait3A_787 : memref<1x128xi32, #tpu.memory_space<vmem>> -> memref<128xi32, #tpu.memory_space<vmem>>
    %dma_wait3A_789 = tpu.memref_slice %arg3[%add3A_289] : memref<204800xi32, #tpu.memory_space<hbm>> -> memref<128xi32, #tpu.memory_space<hbm>>
    %dma_wait3A_790 = arith.constant 0 : i32
    %dma_wait3A_791 = tpu.memref_slice %arg5[%dma_wait3A_785, %dma_wait3A_790] : memref<50x128xi32, #tpu.memory_space<vmem>> -> memref<1x128xi32, #tpu.memory_space<vmem>>
    %dma_wait3A_792 = tpu.memref_squeeze %dma_wait3A_791 : memref<1x128xi32, #tpu.memory_space<vmem>> -> memref<128xi32, #tpu.memory_space<vmem>>
    %dma_wait3A_793 = tpu.memref_slice %arg3[%add3A_289] : memref<204800xi32, #tpu.memory_space<hbm>> -> memref<128xi32, #tpu.memory_space<hbm>>
    tpu.wait_dma2 semaphore(%arg13 : memref<!tpu.dma_semaphore, #tpu.memory_space<semaphore_mem>>) src(%dma_wait3A_793 : memref<128xi32, #tpu.memory_space<hbm>>) dst(%dma_wait3A_792 : memref<128xi32, #tpu.memory_space<vmem>>)
    %dma_wait3A_794 = arith.constant 27 : i32
    %dma_wait3A_795 = arith.constant 0 : i32
    %dma_wait3A_796 = tpu.memref_slice %arg5[%dma_wait3A_794, %dma_wait3A_795] : memref<50x128xi32, #tpu.memory_space<vmem>> -> memref<1x128xi32, #tpu.memory_space<vmem>>
    %dma_wait3A_797 = tpu.memref_squeeze %dma_wait3A_796 : memref<1x128xi32, #tpu.memory_space<vmem>> -> memref<128xi32, #tpu.memory_space<vmem>>
    %dma_wait3A_798 = tpu.memref_slice %arg3[%add3A_300] : memref<204800xi32, #tpu.memory_space<hbm>> -> memref<128xi32, #tpu.memory_space<hbm>>
    %dma_wait3A_799 = arith.constant 0 : i32
    %dma_wait3A_800 = tpu.memref_slice %arg5[%dma_wait3A_794, %dma_wait3A_799] : memref<50x128xi32, #tpu.memory_space<vmem>> -> memref<1x128xi32, #tpu.memory_space<vmem>>
    %dma_wait3A_801 = tpu.memref_squeeze %dma_wait3A_800 : memref<1x128xi32, #tpu.memory_space<vmem>> -> memref<128xi32, #tpu.memory_space<vmem>>
    %dma_wait3A_802 = tpu.memref_slice %arg3[%add3A_300] : memref<204800xi32, #tpu.memory_space<hbm>> -> memref<128xi32, #tpu.memory_space<hbm>>
    tpu.wait_dma2 semaphore(%arg13 : memref<!tpu.dma_semaphore, #tpu.memory_space<semaphore_mem>>) src(%dma_wait3A_802 : memref<128xi32, #tpu.memory_space<hbm>>) dst(%dma_wait3A_801 : memref<128xi32, #tpu.memory_space<vmem>>)
    %dma_wait3A_803 = arith.constant 28 : i32
    %dma_wait3A_804 = arith.constant 0 : i32
    %dma_wait3A_805 = tpu.memref_slice %arg5[%dma_wait3A_803, %dma_wait3A_804] : memref<50x128xi32, #tpu.memory_space<vmem>> -> memref<1x128xi32, #tpu.memory_space<vmem>>
    %dma_wait3A_806 = tpu.memref_squeeze %dma_wait3A_805 : memref<1x128xi32, #tpu.memory_space<vmem>> -> memref<128xi32, #tpu.memory_space<vmem>>
    %dma_wait3A_807 = tpu.memref_slice %arg3[%add3A_311] : memref<204800xi32, #tpu.memory_space<hbm>> -> memref<128xi32, #tpu.memory_space<hbm>>
    %dma_wait3A_808 = arith.constant 0 : i32
    %dma_wait3A_809 = tpu.memref_slice %arg5[%dma_wait3A_803, %dma_wait3A_808] : memref<50x128xi32, #tpu.memory_space<vmem>> -> memref<1x128xi32, #tpu.memory_space<vmem>>
    %dma_wait3A_810 = tpu.memref_squeeze %dma_wait3A_809 : memref<1x128xi32, #tpu.memory_space<vmem>> -> memref<128xi32, #tpu.memory_space<vmem>>
    %dma_wait3A_811 = tpu.memref_slice %arg3[%add3A_311] : memref<204800xi32, #tpu.memory_space<hbm>> -> memref<128xi32, #tpu.memory_space<hbm>>
    tpu.wait_dma2 semaphore(%arg13 : memref<!tpu.dma_semaphore, #tpu.memory_space<semaphore_mem>>) src(%dma_wait3A_811 : memref<128xi32, #tpu.memory_space<hbm>>) dst(%dma_wait3A_810 : memref<128xi32, #tpu.memory_space<vmem>>)
    %dma_wait3A_812 = arith.constant 29 : i32
    %dma_wait3A_813 = arith.constant 0 : i32
    %dma_wait3A_814 = tpu.memref_slice %arg5[%dma_wait3A_812, %dma_wait3A_813] : memref<50x128xi32, #tpu.memory_space<vmem>> -> memref<1x128xi32, #tpu.memory_space<vmem>>
    %dma_wait3A_815 = tpu.memref_squeeze %dma_wait3A_814 : memref<1x128xi32, #tpu.memory_space<vmem>> -> memref<128xi32, #tpu.memory_space<vmem>>
    %dma_wait3A_816 = tpu.memref_slice %arg3[%add3A_322] : memref<204800xi32, #tpu.memory_space<hbm>> -> memref<128xi32, #tpu.memory_space<hbm>>
    %dma_wait3A_817 = arith.constant 0 : i32
    %dma_wait3A_818 = tpu.memref_slice %arg5[%dma_wait3A_812, %dma_wait3A_817] : memref<50x128xi32, #tpu.memory_space<vmem>> -> memref<1x128xi32, #tpu.memory_space<vmem>>
    %dma_wait3A_819 = tpu.memref_squeeze %dma_wait3A_818 : memref<1x128xi32, #tpu.memory_space<vmem>> -> memref<128xi32, #tpu.memory_space<vmem>>
    %dma_wait3A_820 = tpu.memref_slice %arg3[%add3A_322] : memref<204800xi32, #tpu.memory_space<hbm>> -> memref<128xi32, #tpu.memory_space<hbm>>
    tpu.wait_dma2 semaphore(%arg13 : memref<!tpu.dma_semaphore, #tpu.memory_space<semaphore_mem>>) src(%dma_wait3A_820 : memref<128xi32, #tpu.memory_space<hbm>>) dst(%dma_wait3A_819 : memref<128xi32, #tpu.memory_space<vmem>>)
    %dma_wait3A_821 = arith.constant 30 : i32
    %dma_wait3A_822 = arith.constant 0 : i32
    %dma_wait3A_823 = tpu.memref_slice %arg5[%dma_wait3A_821, %dma_wait3A_822] : memref<50x128xi32, #tpu.memory_space<vmem>> -> memref<1x128xi32, #tpu.memory_space<vmem>>
    %dma_wait3A_824 = tpu.memref_squeeze %dma_wait3A_823 : memref<1x128xi32, #tpu.memory_space<vmem>> -> memref<128xi32, #tpu.memory_space<vmem>>
    %dma_wait3A_825 = tpu.memref_slice %arg3[%add3A_333] : memref<204800xi32, #tpu.memory_space<hbm>> -> memref<128xi32, #tpu.memory_space<hbm>>
    %dma_wait3A_826 = arith.constant 0 : i32
    %dma_wait3A_827 = tpu.memref_slice %arg5[%dma_wait3A_821, %dma_wait3A_826] : memref<50x128xi32, #tpu.memory_space<vmem>> -> memref<1x128xi32, #tpu.memory_space<vmem>>
    %dma_wait3A_828 = tpu.memref_squeeze %dma_wait3A_827 : memref<1x128xi32, #tpu.memory_space<vmem>> -> memref<128xi32, #tpu.memory_space<vmem>>
    %dma_wait3A_829 = tpu.memref_slice %arg3[%add3A_333] : memref<204800xi32, #tpu.memory_space<hbm>> -> memref<128xi32, #tpu.memory_space<hbm>>
    tpu.wait_dma2 semaphore(%arg13 : memref<!tpu.dma_semaphore, #tpu.memory_space<semaphore_mem>>) src(%dma_wait3A_829 : memref<128xi32, #tpu.memory_space<hbm>>) dst(%dma_wait3A_828 : memref<128xi32, #tpu.memory_space<vmem>>)
    %dma_wait3A_830 = arith.constant 31 : i32
    %dma_wait3A_831 = arith.constant 0 : i32
    %dma_wait3A_832 = tpu.memref_slice %arg5[%dma_wait3A_830, %dma_wait3A_831] : memref<50x128xi32, #tpu.memory_space<vmem>> -> memref<1x128xi32, #tpu.memory_space<vmem>>
    %dma_wait3A_833 = tpu.memref_squeeze %dma_wait3A_832 : memref<1x128xi32, #tpu.memory_space<vmem>> -> memref<128xi32, #tpu.memory_space<vmem>>
    %dma_wait3A_834 = tpu.memref_slice %arg3[%add3A_344] : memref<204800xi32, #tpu.memory_space<hbm>> -> memref<128xi32, #tpu.memory_space<hbm>>
    %dma_wait3A_835 = arith.constant 0 : i32
    %dma_wait3A_836 = tpu.memref_slice %arg5[%dma_wait3A_830, %dma_wait3A_835] : memref<50x128xi32, #tpu.memory_space<vmem>> -> memref<1x128xi32, #tpu.memory_space<vmem>>
    %dma_wait3A_837 = tpu.memref_squeeze %dma_wait3A_836 : memref<1x128xi32, #tpu.memory_space<vmem>> -> memref<128xi32, #tpu.memory_space<vmem>>
    %dma_wait3A_838 = tpu.memref_slice %arg3[%add3A_344] : memref<204800xi32, #tpu.memory_space<hbm>> -> memref<128xi32, #tpu.memory_space<hbm>>
    tpu.wait_dma2 semaphore(%arg13 : memref<!tpu.dma_semaphore, #tpu.memory_space<semaphore_mem>>) src(%dma_wait3A_838 : memref<128xi32, #tpu.memory_space<hbm>>) dst(%dma_wait3A_837 : memref<128xi32, #tpu.memory_space<vmem>>)
    %dma_wait3A_839 = arith.constant 32 : i32
    %dma_wait3A_840 = arith.constant 0 : i32
    %dma_wait3A_841 = tpu.memref_slice %arg5[%dma_wait3A_839, %dma_wait3A_840] : memref<50x128xi32, #tpu.memory_space<vmem>> -> memref<1x128xi32, #tpu.memory_space<vmem>>
    %dma_wait3A_842 = tpu.memref_squeeze %dma_wait3A_841 : memref<1x128xi32, #tpu.memory_space<vmem>> -> memref<128xi32, #tpu.memory_space<vmem>>
    %dma_wait3A_843 = tpu.memref_slice %arg3[%add3A_355] : memref<204800xi32, #tpu.memory_space<hbm>> -> memref<128xi32, #tpu.memory_space<hbm>>
    %dma_wait3A_844 = arith.constant 0 : i32
    %dma_wait3A_845 = tpu.memref_slice %arg5[%dma_wait3A_839, %dma_wait3A_844] : memref<50x128xi32, #tpu.memory_space<vmem>> -> memref<1x128xi32, #tpu.memory_space<vmem>>
    %dma_wait3A_846 = tpu.memref_squeeze %dma_wait3A_845 : memref<1x128xi32, #tpu.memory_space<vmem>> -> memref<128xi32, #tpu.memory_space<vmem>>
    %dma_wait3A_847 = tpu.memref_slice %arg3[%add3A_355] : memref<204800xi32, #tpu.memory_space<hbm>> -> memref<128xi32, #tpu.memory_space<hbm>>
    tpu.wait_dma2 semaphore(%arg13 : memref<!tpu.dma_semaphore, #tpu.memory_space<semaphore_mem>>) src(%dma_wait3A_847 : memref<128xi32, #tpu.memory_space<hbm>>) dst(%dma_wait3A_846 : memref<128xi32, #tpu.memory_space<vmem>>)
    %dma_wait3A_848 = arith.constant 33 : i32
    %dma_wait3A_849 = arith.constant 0 : i32
    %dma_wait3A_850 = tpu.memref_slice %arg5[%dma_wait3A_848, %dma_wait3A_849] : memref<50x128xi32, #tpu.memory_space<vmem>> -> memref<1x128xi32, #tpu.memory_space<vmem>>
    %dma_wait3A_851 = tpu.memref_squeeze %dma_wait3A_850 : memref<1x128xi32, #tpu.memory_space<vmem>> -> memref<128xi32, #tpu.memory_space<vmem>>
    %dma_wait3A_852 = tpu.memref_slice %arg3[%add3A_366] : memref<204800xi32, #tpu.memory_space<hbm>> -> memref<128xi32, #tpu.memory_space<hbm>>
    %dma_wait3A_853 = arith.constant 0 : i32
    %dma_wait3A_854 = tpu.memref_slice %arg5[%dma_wait3A_848, %dma_wait3A_853] : memref<50x128xi32, #tpu.memory_space<vmem>> -> memref<1x128xi32, #tpu.memory_space<vmem>>
    %dma_wait3A_855 = tpu.memref_squeeze %dma_wait3A_854 : memref<1x128xi32, #tpu.memory_space<vmem>> -> memref<128xi32, #tpu.memory_space<vmem>>
    %dma_wait3A_856 = tpu.memref_slice %arg3[%add3A_366] : memref<204800xi32, #tpu.memory_space<hbm>> -> memref<128xi32, #tpu.memory_space<hbm>>
    tpu.wait_dma2 semaphore(%arg13 : memref<!tpu.dma_semaphore, #tpu.memory_space<semaphore_mem>>) src(%dma_wait3A_856 : memref<128xi32, #tpu.memory_space<hbm>>) dst(%dma_wait3A_855 : memref<128xi32, #tpu.memory_space<vmem>>)
    %dma_wait3A_857 = arith.constant 34 : i32
    %dma_wait3A_858 = arith.constant 0 : i32
    %dma_wait3A_859 = tpu.memref_slice %arg5[%dma_wait3A_857, %dma_wait3A_858] : memref<50x128xi32, #tpu.memory_space<vmem>> -> memref<1x128xi32, #tpu.memory_space<vmem>>
    %dma_wait3A_860 = tpu.memref_squeeze %dma_wait3A_859 : memref<1x128xi32, #tpu.memory_space<vmem>> -> memref<128xi32, #tpu.memory_space<vmem>>
    %dma_wait3A_861 = tpu.memref_slice %arg3[%add3A_377] : memref<204800xi32, #tpu.memory_space<hbm>> -> memref<128xi32, #tpu.memory_space<hbm>>
    %dma_wait3A_862 = arith.constant 0 : i32
    %dma_wait3A_863 = tpu.memref_slice %arg5[%dma_wait3A_857, %dma_wait3A_862] : memref<50x128xi32, #tpu.memory_space<vmem>> -> memref<1x128xi32, #tpu.memory_space<vmem>>
    %dma_wait3A_864 = tpu.memref_squeeze %dma_wait3A_863 : memref<1x128xi32, #tpu.memory_space<vmem>> -> memref<128xi32, #tpu.memory_space<vmem>>
    %dma_wait3A_865 = tpu.memref_slice %arg3[%add3A_377] : memref<204800xi32, #tpu.memory_space<hbm>> -> memref<128xi32, #tpu.memory_space<hbm>>
    tpu.wait_dma2 semaphore(%arg13 : memref<!tpu.dma_semaphore, #tpu.memory_space<semaphore_mem>>) src(%dma_wait3A_865 : memref<128xi32, #tpu.memory_space<hbm>>) dst(%dma_wait3A_864 : memref<128xi32, #tpu.memory_space<vmem>>)
    %dma_wait3A_866 = arith.constant 35 : i32
    %dma_wait3A_867 = arith.constant 0 : i32
    %dma_wait3A_868 = tpu.memref_slice %arg5[%dma_wait3A_866, %dma_wait3A_867] : memref<50x128xi32, #tpu.memory_space<vmem>> -> memref<1x128xi32, #tpu.memory_space<vmem>>
    %dma_wait3A_869 = tpu.memref_squeeze %dma_wait3A_868 : memref<1x128xi32, #tpu.memory_space<vmem>> -> memref<128xi32, #tpu.memory_space<vmem>>
    %dma_wait3A_870 = tpu.memref_slice %arg3[%add3A_388] : memref<204800xi32, #tpu.memory_space<hbm>> -> memref<128xi32, #tpu.memory_space<hbm>>
    %dma_wait3A_871 = arith.constant 0 : i32
    %dma_wait3A_872 = tpu.memref_slice %arg5[%dma_wait3A_866, %dma_wait3A_871] : memref<50x128xi32, #tpu.memory_space<vmem>> -> memref<1x128xi32, #tpu.memory_space<vmem>>
    %dma_wait3A_873 = tpu.memref_squeeze %dma_wait3A_872 : memref<1x128xi32, #tpu.memory_space<vmem>> -> memref<128xi32, #tpu.memory_space<vmem>>
    %dma_wait3A_874 = tpu.memref_slice %arg3[%add3A_388] : memref<204800xi32, #tpu.memory_space<hbm>> -> memref<128xi32, #tpu.memory_space<hbm>>
    tpu.wait_dma2 semaphore(%arg13 : memref<!tpu.dma_semaphore, #tpu.memory_space<semaphore_mem>>) src(%dma_wait3A_874 : memref<128xi32, #tpu.memory_space<hbm>>) dst(%dma_wait3A_873 : memref<128xi32, #tpu.memory_space<vmem>>)
    %dma_wait3A_875 = arith.constant 36 : i32
    %dma_wait3A_876 = arith.constant 0 : i32
    %dma_wait3A_877 = tpu.memref_slice %arg5[%dma_wait3A_875, %dma_wait3A_876] : memref<50x128xi32, #tpu.memory_space<vmem>> -> memref<1x128xi32, #tpu.memory_space<vmem>>
    %dma_wait3A_878 = tpu.memref_squeeze %dma_wait3A_877 : memref<1x128xi32, #tpu.memory_space<vmem>> -> memref<128xi32, #tpu.memory_space<vmem>>
    %dma_wait3A_879 = tpu.memref_slice %arg3[%add3A_399] : memref<204800xi32, #tpu.memory_space<hbm>> -> memref<128xi32, #tpu.memory_space<hbm>>
    %dma_wait3A_880 = arith.constant 0 : i32
    %dma_wait3A_881 = tpu.memref_slice %arg5[%dma_wait3A_875, %dma_wait3A_880] : memref<50x128xi32, #tpu.memory_space<vmem>> -> memref<1x128xi32, #tpu.memory_space<vmem>>
    %dma_wait3A_882 = tpu.memref_squeeze %dma_wait3A_881 : memref<1x128xi32, #tpu.memory_space<vmem>> -> memref<128xi32, #tpu.memory_space<vmem>>
    %dma_wait3A_883 = tpu.memref_slice %arg3[%add3A_399] : memref<204800xi32, #tpu.memory_space<hbm>> -> memref<128xi32, #tpu.memory_space<hbm>>
    tpu.wait_dma2 semaphore(%arg13 : memref<!tpu.dma_semaphore, #tpu.memory_space<semaphore_mem>>) src(%dma_wait3A_883 : memref<128xi32, #tpu.memory_space<hbm>>) dst(%dma_wait3A_882 : memref<128xi32, #tpu.memory_space<vmem>>)
    %dma_wait3A_884 = arith.constant 37 : i32
    %dma_wait3A_885 = arith.constant 0 : i32
    %dma_wait3A_886 = tpu.memref_slice %arg5[%dma_wait3A_884, %dma_wait3A_885] : memref<50x128xi32, #tpu.memory_space<vmem>> -> memref<1x128xi32, #tpu.memory_space<vmem>>
    %dma_wait3A_887 = tpu.memref_squeeze %dma_wait3A_886 : memref<1x128xi32, #tpu.memory_space<vmem>> -> memref<128xi32, #tpu.memory_space<vmem>>
    %dma_wait3A_888 = tpu.memref_slice %arg3[%add3A_410] : memref<204800xi32, #tpu.memory_space<hbm>> -> memref<128xi32, #tpu.memory_space<hbm>>
    %dma_wait3A_889 = arith.constant 0 : i32
    %dma_wait3A_890 = tpu.memref_slice %arg5[%dma_wait3A_884, %dma_wait3A_889] : memref<50x128xi32, #tpu.memory_space<vmem>> -> memref<1x128xi32, #tpu.memory_space<vmem>>
    %dma_wait3A_891 = tpu.memref_squeeze %dma_wait3A_890 : memref<1x128xi32, #tpu.memory_space<vmem>> -> memref<128xi32, #tpu.memory_space<vmem>>
    %dma_wait3A_892 = tpu.memref_slice %arg3[%add3A_410] : memref<204800xi32, #tpu.memory_space<hbm>> -> memref<128xi32, #tpu.memory_space<hbm>>
    tpu.wait_dma2 semaphore(%arg13 : memref<!tpu.dma_semaphore, #tpu.memory_space<semaphore_mem>>) src(%dma_wait3A_892 : memref<128xi32, #tpu.memory_space<hbm>>) dst(%dma_wait3A_891 : memref<128xi32, #tpu.memory_space<vmem>>)
    %dma_wait3A_893 = arith.constant 38 : i32
    %dma_wait3A_894 = arith.constant 0 : i32
    %dma_wait3A_895 = tpu.memref_slice %arg5[%dma_wait3A_893, %dma_wait3A_894] : memref<50x128xi32, #tpu.memory_space<vmem>> -> memref<1x128xi32, #tpu.memory_space<vmem>>
    %dma_wait3A_896 = tpu.memref_squeeze %dma_wait3A_895 : memref<1x128xi32, #tpu.memory_space<vmem>> -> memref<128xi32, #tpu.memory_space<vmem>>
    %dma_wait3A_897 = tpu.memref_slice %arg3[%add3A_421] : memref<204800xi32, #tpu.memory_space<hbm>> -> memref<128xi32, #tpu.memory_space<hbm>>
    %dma_wait3A_898 = arith.constant 0 : i32
    %dma_wait3A_899 = tpu.memref_slice %arg5[%dma_wait3A_893, %dma_wait3A_898] : memref<50x128xi32, #tpu.memory_space<vmem>> -> memref<1x128xi32, #tpu.memory_space<vmem>>
    %dma_wait3A_900 = tpu.memref_squeeze %dma_wait3A_899 : memref<1x128xi32, #tpu.memory_space<vmem>> -> memref<128xi32, #tpu.memory_space<vmem>>
    %dma_wait3A_901 = tpu.memref_slice %arg3[%add3A_421] : memref<204800xi32, #tpu.memory_space<hbm>> -> memref<128xi32, #tpu.memory_space<hbm>>
    tpu.wait_dma2 semaphore(%arg13 : memref<!tpu.dma_semaphore, #tpu.memory_space<semaphore_mem>>) src(%dma_wait3A_901 : memref<128xi32, #tpu.memory_space<hbm>>) dst(%dma_wait3A_900 : memref<128xi32, #tpu.memory_space<vmem>>)
    %dma_wait3A_902 = arith.constant 39 : i32
    %dma_wait3A_903 = arith.constant 0 : i32
    %dma_wait3A_904 = tpu.memref_slice %arg5[%dma_wait3A_902, %dma_wait3A_903] : memref<50x128xi32, #tpu.memory_space<vmem>> -> memref<1x128xi32, #tpu.memory_space<vmem>>
    %dma_wait3A_905 = tpu.memref_squeeze %dma_wait3A_904 : memref<1x128xi32, #tpu.memory_space<vmem>> -> memref<128xi32, #tpu.memory_space<vmem>>
    %dma_wait3A_906 = tpu.memref_slice %arg3[%add3A_432] : memref<204800xi32, #tpu.memory_space<hbm>> -> memref<128xi32, #tpu.memory_space<hbm>>
    %dma_wait3A_907 = arith.constant 0 : i32
    %dma_wait3A_908 = tpu.memref_slice %arg5[%dma_wait3A_902, %dma_wait3A_907] : memref<50x128xi32, #tpu.memory_space<vmem>> -> memref<1x128xi32, #tpu.memory_space<vmem>>
    %dma_wait3A_909 = tpu.memref_squeeze %dma_wait3A_908 : memref<1x128xi32, #tpu.memory_space<vmem>> -> memref<128xi32, #tpu.memory_space<vmem>>
    %dma_wait3A_910 = tpu.memref_slice %arg3[%add3A_432] : memref<204800xi32, #tpu.memory_space<hbm>> -> memref<128xi32, #tpu.memory_space<hbm>>
    tpu.wait_dma2 semaphore(%arg13 : memref<!tpu.dma_semaphore, #tpu.memory_space<semaphore_mem>>) src(%dma_wait3A_910 : memref<128xi32, #tpu.memory_space<hbm>>) dst(%dma_wait3A_909 : memref<128xi32, #tpu.memory_space<vmem>>)
    %dma_wait3A_911 = arith.constant 40 : i32
    %dma_wait3A_912 = arith.constant 0 : i32
    %dma_wait3A_913 = tpu.memref_slice %arg5[%dma_wait3A_911, %dma_wait3A_912] : memref<50x128xi32, #tpu.memory_space<vmem>> -> memref<1x128xi32, #tpu.memory_space<vmem>>
    %dma_wait3A_914 = tpu.memref_squeeze %dma_wait3A_913 : memref<1x128xi32, #tpu.memory_space<vmem>> -> memref<128xi32, #tpu.memory_space<vmem>>
    %dma_wait3A_915 = tpu.memref_slice %arg3[%add3A_443] : memref<204800xi32, #tpu.memory_space<hbm>> -> memref<128xi32, #tpu.memory_space<hbm>>
    %dma_wait3A_916 = arith.constant 0 : i32
    %dma_wait3A_917 = tpu.memref_slice %arg5[%dma_wait3A_911, %dma_wait3A_916] : memref<50x128xi32, #tpu.memory_space<vmem>> -> memref<1x128xi32, #tpu.memory_space<vmem>>
    %dma_wait3A_918 = tpu.memref_squeeze %dma_wait3A_917 : memref<1x128xi32, #tpu.memory_space<vmem>> -> memref<128xi32, #tpu.memory_space<vmem>>
    %dma_wait3A_919 = tpu.memref_slice %arg3[%add3A_443] : memref<204800xi32, #tpu.memory_space<hbm>> -> memref<128xi32, #tpu.memory_space<hbm>>
    tpu.wait_dma2 semaphore(%arg13 : memref<!tpu.dma_semaphore, #tpu.memory_space<semaphore_mem>>) src(%dma_wait3A_919 : memref<128xi32, #tpu.memory_space<hbm>>) dst(%dma_wait3A_918 : memref<128xi32, #tpu.memory_space<vmem>>)
    %dma_wait3A_920 = arith.constant 41 : i32
    %dma_wait3A_921 = arith.constant 0 : i32
    %dma_wait3A_922 = tpu.memref_slice %arg5[%dma_wait3A_920, %dma_wait3A_921] : memref<50x128xi32, #tpu.memory_space<vmem>> -> memref<1x128xi32, #tpu.memory_space<vmem>>
    %dma_wait3A_923 = tpu.memref_squeeze %dma_wait3A_922 : memref<1x128xi32, #tpu.memory_space<vmem>> -> memref<128xi32, #tpu.memory_space<vmem>>
    %dma_wait3A_924 = tpu.memref_slice %arg3[%add3A_454] : memref<204800xi32, #tpu.memory_space<hbm>> -> memref<128xi32, #tpu.memory_space<hbm>>
    %dma_wait3A_925 = arith.constant 0 : i32
    %dma_wait3A_926 = tpu.memref_slice %arg5[%dma_wait3A_920, %dma_wait3A_925] : memref<50x128xi32, #tpu.memory_space<vmem>> -> memref<1x128xi32, #tpu.memory_space<vmem>>
    %dma_wait3A_927 = tpu.memref_squeeze %dma_wait3A_926 : memref<1x128xi32, #tpu.memory_space<vmem>> -> memref<128xi32, #tpu.memory_space<vmem>>
    %dma_wait3A_928 = tpu.memref_slice %arg3[%add3A_454] : memref<204800xi32, #tpu.memory_space<hbm>> -> memref<128xi32, #tpu.memory_space<hbm>>
    tpu.wait_dma2 semaphore(%arg13 : memref<!tpu.dma_semaphore, #tpu.memory_space<semaphore_mem>>) src(%dma_wait3A_928 : memref<128xi32, #tpu.memory_space<hbm>>) dst(%dma_wait3A_927 : memref<128xi32, #tpu.memory_space<vmem>>)
    %dma_wait3A_929 = arith.constant 42 : i32
    %dma_wait3A_930 = arith.constant 0 : i32
    %dma_wait3A_931 = tpu.memref_slice %arg5[%dma_wait3A_929, %dma_wait3A_930] : memref<50x128xi32, #tpu.memory_space<vmem>> -> memref<1x128xi32, #tpu.memory_space<vmem>>
    %dma_wait3A_932 = tpu.memref_squeeze %dma_wait3A_931 : memref<1x128xi32, #tpu.memory_space<vmem>> -> memref<128xi32, #tpu.memory_space<vmem>>
    %dma_wait3A_933 = tpu.memref_slice %arg3[%add3A_465] : memref<204800xi32, #tpu.memory_space<hbm>> -> memref<128xi32, #tpu.memory_space<hbm>>
    %dma_wait3A_934 = arith.constant 0 : i32
    %dma_wait3A_935 = tpu.memref_slice %arg5[%dma_wait3A_929, %dma_wait3A_934] : memref<50x128xi32, #tpu.memory_space<vmem>> -> memref<1x128xi32, #tpu.memory_space<vmem>>
    %dma_wait3A_936 = tpu.memref_squeeze %dma_wait3A_935 : memref<1x128xi32, #tpu.memory_space<vmem>> -> memref<128xi32, #tpu.memory_space<vmem>>
    %dma_wait3A_937 = tpu.memref_slice %arg3[%add3A_465] : memref<204800xi32, #tpu.memory_space<hbm>> -> memref<128xi32, #tpu.memory_space<hbm>>
    tpu.wait_dma2 semaphore(%arg13 : memref<!tpu.dma_semaphore, #tpu.memory_space<semaphore_mem>>) src(%dma_wait3A_937 : memref<128xi32, #tpu.memory_space<hbm>>) dst(%dma_wait3A_936 : memref<128xi32, #tpu.memory_space<vmem>>)
    %dma_wait3A_938 = arith.constant 43 : i32
    %dma_wait3A_939 = arith.constant 0 : i32
    %dma_wait3A_940 = tpu.memref_slice %arg5[%dma_wait3A_938, %dma_wait3A_939] : memref<50x128xi32, #tpu.memory_space<vmem>> -> memref<1x128xi32, #tpu.memory_space<vmem>>
    %dma_wait3A_941 = tpu.memref_squeeze %dma_wait3A_940 : memref<1x128xi32, #tpu.memory_space<vmem>> -> memref<128xi32, #tpu.memory_space<vmem>>
    %dma_wait3A_942 = tpu.memref_slice %arg3[%add3A_476] : memref<204800xi32, #tpu.memory_space<hbm>> -> memref<128xi32, #tpu.memory_space<hbm>>
    %dma_wait3A_943 = arith.constant 0 : i32
    %dma_wait3A_944 = tpu.memref_slice %arg5[%dma_wait3A_938, %dma_wait3A_943] : memref<50x128xi32, #tpu.memory_space<vmem>> -> memref<1x128xi32, #tpu.memory_space<vmem>>
    %dma_wait3A_945 = tpu.memref_squeeze %dma_wait3A_944 : memref<1x128xi32, #tpu.memory_space<vmem>> -> memref<128xi32, #tpu.memory_space<vmem>>
    %dma_wait3A_946 = tpu.memref_slice %arg3[%add3A_476] : memref<204800xi32, #tpu.memory_space<hbm>> -> memref<128xi32, #tpu.memory_space<hbm>>
    tpu.wait_dma2 semaphore(%arg13 : memref<!tpu.dma_semaphore, #tpu.memory_space<semaphore_mem>>) src(%dma_wait3A_946 : memref<128xi32, #tpu.memory_space<hbm>>) dst(%dma_wait3A_945 : memref<128xi32, #tpu.memory_space<vmem>>)
    %dma_wait3A_947 = arith.constant 44 : i32
    %dma_wait3A_948 = arith.constant 0 : i32
    %dma_wait3A_949 = tpu.memref_slice %arg5[%dma_wait3A_947, %dma_wait3A_948] : memref<50x128xi32, #tpu.memory_space<vmem>> -> memref<1x128xi32, #tpu.memory_space<vmem>>
    %dma_wait3A_950 = tpu.memref_squeeze %dma_wait3A_949 : memref<1x128xi32, #tpu.memory_space<vmem>> -> memref<128xi32, #tpu.memory_space<vmem>>
    %dma_wait3A_951 = tpu.memref_slice %arg3[%add3A_487] : memref<204800xi32, #tpu.memory_space<hbm>> -> memref<128xi32, #tpu.memory_space<hbm>>
    %dma_wait3A_952 = arith.constant 0 : i32
    %dma_wait3A_953 = tpu.memref_slice %arg5[%dma_wait3A_947, %dma_wait3A_952] : memref<50x128xi32, #tpu.memory_space<vmem>> -> memref<1x128xi32, #tpu.memory_space<vmem>>
    %dma_wait3A_954 = tpu.memref_squeeze %dma_wait3A_953 : memref<1x128xi32, #tpu.memory_space<vmem>> -> memref<128xi32, #tpu.memory_space<vmem>>
    %dma_wait3A_955 = tpu.memref_slice %arg3[%add3A_487] : memref<204800xi32, #tpu.memory_space<hbm>> -> memref<128xi32, #tpu.memory_space<hbm>>
    tpu.wait_dma2 semaphore(%arg13 : memref<!tpu.dma_semaphore, #tpu.memory_space<semaphore_mem>>) src(%dma_wait3A_955 : memref<128xi32, #tpu.memory_space<hbm>>) dst(%dma_wait3A_954 : memref<128xi32, #tpu.memory_space<vmem>>)
    %dma_wait3A_956 = arith.constant 45 : i32
    %dma_wait3A_957 = arith.constant 0 : i32
    %dma_wait3A_958 = tpu.memref_slice %arg5[%dma_wait3A_956, %dma_wait3A_957] : memref<50x128xi32, #tpu.memory_space<vmem>> -> memref<1x128xi32, #tpu.memory_space<vmem>>
    %dma_wait3A_959 = tpu.memref_squeeze %dma_wait3A_958 : memref<1x128xi32, #tpu.memory_space<vmem>> -> memref<128xi32, #tpu.memory_space<vmem>>
    %dma_wait3A_960 = tpu.memref_slice %arg3[%add3A_498] : memref<204800xi32, #tpu.memory_space<hbm>> -> memref<128xi32, #tpu.memory_space<hbm>>
    %dma_wait3A_961 = arith.constant 0 : i32
    %dma_wait3A_962 = tpu.memref_slice %arg5[%dma_wait3A_956, %dma_wait3A_961] : memref<50x128xi32, #tpu.memory_space<vmem>> -> memref<1x128xi32, #tpu.memory_space<vmem>>
    %dma_wait3A_963 = tpu.memref_squeeze %dma_wait3A_962 : memref<1x128xi32, #tpu.memory_space<vmem>> -> memref<128xi32, #tpu.memory_space<vmem>>
    %dma_wait3A_964 = tpu.memref_slice %arg3[%add3A_498] : memref<204800xi32, #tpu.memory_space<hbm>> -> memref<128xi32, #tpu.memory_space<hbm>>
    tpu.wait_dma2 semaphore(%arg13 : memref<!tpu.dma_semaphore, #tpu.memory_space<semaphore_mem>>) src(%dma_wait3A_964 : memref<128xi32, #tpu.memory_space<hbm>>) dst(%dma_wait3A_963 : memref<128xi32, #tpu.memory_space<vmem>>)
    %dma_wait3A_965 = arith.constant 46 : i32
    %dma_wait3A_966 = arith.constant 0 : i32
    %dma_wait3A_967 = tpu.memref_slice %arg5[%dma_wait3A_965, %dma_wait3A_966] : memref<50x128xi32, #tpu.memory_space<vmem>> -> memref<1x128xi32, #tpu.memory_space<vmem>>
    %dma_wait3A_968 = tpu.memref_squeeze %dma_wait3A_967 : memref<1x128xi32, #tpu.memory_space<vmem>> -> memref<128xi32, #tpu.memory_space<vmem>>
    %dma_wait3A_969 = tpu.memref_slice %arg3[%add3A_509] : memref<204800xi32, #tpu.memory_space<hbm>> -> memref<128xi32, #tpu.memory_space<hbm>>
    %dma_wait3A_970 = arith.constant 0 : i32
    %dma_wait3A_971 = tpu.memref_slice %arg5[%dma_wait3A_965, %dma_wait3A_970] : memref<50x128xi32, #tpu.memory_space<vmem>> -> memref<1x128xi32, #tpu.memory_space<vmem>>
    %dma_wait3A_972 = tpu.memref_squeeze %dma_wait3A_971 : memref<1x128xi32, #tpu.memory_space<vmem>> -> memref<128xi32, #tpu.memory_space<vmem>>
    %dma_wait3A_973 = tpu.memref_slice %arg3[%add3A_509] : memref<204800xi32, #tpu.memory_space<hbm>> -> memref<128xi32, #tpu.memory_space<hbm>>
    tpu.wait_dma2 semaphore(%arg13 : memref<!tpu.dma_semaphore, #tpu.memory_space<semaphore_mem>>) src(%dma_wait3A_973 : memref<128xi32, #tpu.memory_space<hbm>>) dst(%dma_wait3A_972 : memref<128xi32, #tpu.memory_space<vmem>>)
    %dma_wait3A_974 = arith.constant 47 : i32
    %dma_wait3A_975 = arith.constant 0 : i32
    %dma_wait3A_976 = tpu.memref_slice %arg5[%dma_wait3A_974, %dma_wait3A_975] : memref<50x128xi32, #tpu.memory_space<vmem>> -> memref<1x128xi32, #tpu.memory_space<vmem>>
    %dma_wait3A_977 = tpu.memref_squeeze %dma_wait3A_976 : memref<1x128xi32, #tpu.memory_space<vmem>> -> memref<128xi32, #tpu.memory_space<vmem>>
    %dma_wait3A_978 = tpu.memref_slice %arg3[%add3A_520] : memref<204800xi32, #tpu.memory_space<hbm>> -> memref<128xi32, #tpu.memory_space<hbm>>
    %dma_wait3A_979 = arith.constant 0 : i32
    %dma_wait3A_980 = tpu.memref_slice %arg5[%dma_wait3A_974, %dma_wait3A_979] : memref<50x128xi32, #tpu.memory_space<vmem>> -> memref<1x128xi32, #tpu.memory_space<vmem>>
    %dma_wait3A_981 = tpu.memref_squeeze %dma_wait3A_980 : memref<1x128xi32, #tpu.memory_space<vmem>> -> memref<128xi32, #tpu.memory_space<vmem>>
    %dma_wait3A_982 = tpu.memref_slice %arg3[%add3A_520] : memref<204800xi32, #tpu.memory_space<hbm>> -> memref<128xi32, #tpu.memory_space<hbm>>
    tpu.wait_dma2 semaphore(%arg13 : memref<!tpu.dma_semaphore, #tpu.memory_space<semaphore_mem>>) src(%dma_wait3A_982 : memref<128xi32, #tpu.memory_space<hbm>>) dst(%dma_wait3A_981 : memref<128xi32, #tpu.memory_space<vmem>>)
    %dma_wait3A_983 = arith.constant 48 : i32
    %dma_wait3A_984 = arith.constant 0 : i32
    %dma_wait3A_985 = tpu.memref_slice %arg5[%dma_wait3A_983, %dma_wait3A_984] : memref<50x128xi32, #tpu.memory_space<vmem>> -> memref<1x128xi32, #tpu.memory_space<vmem>>
    %dma_wait3A_986 = tpu.memref_squeeze %dma_wait3A_985 : memref<1x128xi32, #tpu.memory_space<vmem>> -> memref<128xi32, #tpu.memory_space<vmem>>
    %dma_wait3A_987 = tpu.memref_slice %arg3[%add3A_531] : memref<204800xi32, #tpu.memory_space<hbm>> -> memref<128xi32, #tpu.memory_space<hbm>>
    %dma_wait3A_988 = arith.constant 0 : i32
    %dma_wait3A_989 = tpu.memref_slice %arg5[%dma_wait3A_983, %dma_wait3A_988] : memref<50x128xi32, #tpu.memory_space<vmem>> -> memref<1x128xi32, #tpu.memory_space<vmem>>
    %dma_wait3A_990 = tpu.memref_squeeze %dma_wait3A_989 : memref<1x128xi32, #tpu.memory_space<vmem>> -> memref<128xi32, #tpu.memory_space<vmem>>
    %dma_wait3A_991 = tpu.memref_slice %arg3[%add3A_531] : memref<204800xi32, #tpu.memory_space<hbm>> -> memref<128xi32, #tpu.memory_space<hbm>>
    tpu.wait_dma2 semaphore(%arg13 : memref<!tpu.dma_semaphore, #tpu.memory_space<semaphore_mem>>) src(%dma_wait3A_991 : memref<128xi32, #tpu.memory_space<hbm>>) dst(%dma_wait3A_990 : memref<128xi32, #tpu.memory_space<vmem>>)
    %dma_wait3A_992 = arith.constant 49 : i32
    %dma_wait3A_993 = arith.constant 0 : i32
    %dma_wait3A_994 = tpu.memref_slice %arg5[%dma_wait3A_992, %dma_wait3A_993] : memref<50x128xi32, #tpu.memory_space<vmem>> -> memref<1x128xi32, #tpu.memory_space<vmem>>
    %dma_wait3A_995 = tpu.memref_squeeze %dma_wait3A_994 : memref<1x128xi32, #tpu.memory_space<vmem>> -> memref<128xi32, #tpu.memory_space<vmem>>
    %dma_wait3A_996 = tpu.memref_slice %arg3[%add3A_542] : memref<204800xi32, #tpu.memory_space<hbm>> -> memref<128xi32, #tpu.memory_space<hbm>>
    %dma_wait3A_997 = arith.constant 0 : i32
    %dma_wait3A_998 = tpu.memref_slice %arg5[%dma_wait3A_992, %dma_wait3A_997] : memref<50x128xi32, #tpu.memory_space<vmem>> -> memref<1x128xi32, #tpu.memory_space<vmem>>
    %dma_wait3A_999 = tpu.memref_squeeze %dma_wait3A_998 : memref<1x128xi32, #tpu.memory_space<vmem>> -> memref<128xi32, #tpu.memory_space<vmem>>
    %dma_wait3A_1000 = tpu.memref_slice %arg3[%add3A_542] : memref<204800xi32, #tpu.memory_space<hbm>> -> memref<128xi32, #tpu.memory_space<hbm>>
    tpu.wait_dma2 semaphore(%arg13 : memref<!tpu.dma_semaphore, #tpu.memory_space<semaphore_mem>>) src(%dma_wait3A_1000 : memref<128xi32, #tpu.memory_space<hbm>>) dst(%dma_wait3A_999 : memref<128xi32, #tpu.memory_space<vmem>>)
    %scan3A = arith.constant 0 : i32
    %scan3A_1001 = arith.constant 0 : i32
    %scan3A_1002 = arith.constant 50 : i32
    %scan3A_1003 = arith.addi %scan3A_1001, %scan3A_1002 : i32
    %scan3A_1004 = arith.constant 1 : i32
    scf.for %scan3A_1069 = %scan3A_1001 to %scan3A_1003 step %scan3A_1004  : i32 {
      %get3A = arith.index_cast %scan3A_1069 : i32 to index
      %get3A_1070 = arith.constant 0 : index
      %get3A_1071 = tpu.vector_load %arg5[%get3A, %get3A_1070] {strides = array<i32>} : memref<50x128xi32, #tpu.memory_space<vmem>>, vector<1x16xi32>,
      %get3A_1072 = vector.shape_cast %get3A_1071 : vector<1x16xi32> to vector<16xi32>
      %ge3A = arith.constant 0 : i32
      %ge3A_1073 = vector.broadcast %ge3A : i32 to vector<16xi32>
      %ge3A_1074 = arith.cmpi sge, %get3A_1072, %ge3A_1073 : vector<16xi32>
      %lt3A = arith.constant 100000 : i32
      %lt3A_1075 = vector.broadcast %lt3A : i32 to vector<16xi32>
      %lt3A_1076 = arith.cmpi slt, %get3A_1072, %lt3A_1075 : vector<16xi32>
      %and3A = arith.andi %ge3A_1074, %lt3A_1076 : vector<16xi1>
      %jit3A = arith.constant 0 : i32
      %broadcast_in_dim3A = vector.broadcast %jit3A : i32 to vector<16xi32>
      %select_n3A = arith.select %and3A, %get3A_1072, %broadcast_in_dim3A : vector<16xi1>, vector<16xi32>
      %swap3A = arith.index_cast %scan3A_1069 : i32 to index
      %swap3A_1077 = arith.constant 0 : index
      %swap3A_1078 = tpu.vector_load %arg5[%swap3A, %swap3A_1077] {strides = array<i32>} : memref<50x128xi32, #tpu.memory_space<vmem>>, vector<1x16xi32>,
      %swap3A_1079 = vector.shape_cast %swap3A_1078 : vector<1x16xi32> to vector<16xi32>
      %swap3A_1080 = vector.shape_cast %select_n3A : vector<16xi32> to vector<1x16xi32>
      tpu.vector_store %arg5[%swap3A, %swap3A_1077], %swap3A_1080 {strides = array<i32>} : memref<50x128xi32, #tpu.memory_space<vmem>>, vector<1x16xi32>,
      %get3A_1081 = arith.index_cast %scan3A_1069 : i32 to index
      %get3A_1082 = arith.constant 16 : index
      %get3A_1083 = tpu.vector_load %arg5[%get3A_1081, %get3A_1082] {strides = array<i32>} : memref<50x128xi32, #tpu.memory_space<vmem>>, vector<1x16xi32>,
      %get3A_1084 = vector.shape_cast %get3A_1083 : vector<1x16xi32> to vector<16xi32>
      %ge3A_1085 = arith.constant 0 : i32
      %ge3A_1086 = vector.broadcast %ge3A_1085 : i32 to vector<16xi32>
      %ge3A_1087 = arith.cmpi sge, %get3A_1084, %ge3A_1086 : vector<16xi32>
      %lt3A_1088 = arith.constant 100000 : i32
      %lt3A_1089 = vector.broadcast %lt3A_1088 : i32 to vector<16xi32>
      %lt3A_1090 = arith.cmpi slt, %get3A_1084, %lt3A_1089 : vector<16xi32>
      %and3A_1091 = arith.andi %ge3A_1087, %lt3A_1090 : vector<16xi1>
      %jit3A_1092 = arith.constant 0 : i32
      %broadcast_in_dim3A_1093 = vector.broadcast %jit3A_1092 : i32 to vector<16xi32>
      %select_n3A_1094 = arith.select %and3A_1091, %get3A_1084, %broadcast_in_dim3A_1093 : vector<16xi1>, vector<16xi32>
      %swap3A_1095 = arith.index_cast %scan3A_1069 : i32 to index
      %swap3A_1096 = arith.constant 16 : index
      %swap3A_1097 = tpu.vector_load %arg5[%swap3A_1095, %swap3A_1096] {strides = array<i32>} : memref<50x128xi32, #tpu.memory_space<vmem>>, vector<1x16xi32>,
      %swap3A_1098 = vector.shape_cast %swap3A_1097 : vector<1x16xi32> to vector<16xi32>
      %swap3A_1099 = vector.shape_cast %select_n3A_1094 : vector<16xi32> to vector<1x16xi32>
      tpu.vector_store %arg5[%swap3A_1095, %swap3A_1096], %swap3A_1099 {strides = array<i32>} : memref<50x128xi32, #tpu.memory_space<vmem>>, vector<1x16xi32>,
      %get3A_1100 = arith.index_cast %scan3A_1069 : i32 to index
      %get3A_1101 = arith.constant 32 : index
      %get3A_1102 = tpu.vector_load %arg5[%get3A_1100, %get3A_1101] {strides = array<i32>} : memref<50x128xi32, #tpu.memory_space<vmem>>, vector<1x16xi32>,
      %get3A_1103 = vector.shape_cast %get3A_1102 : vector<1x16xi32> to vector<16xi32>
      %ge3A_1104 = arith.constant 0 : i32
      %ge3A_1105 = vector.broadcast %ge3A_1104 : i32 to vector<16xi32>
      %ge3A_1106 = arith.cmpi sge, %get3A_1103, %ge3A_1105 : vector<16xi32>
      %lt3A_1107 = arith.constant 100000 : i32
      %lt3A_1108 = vector.broadcast %lt3A_1107 : i32 to vector<16xi32>
      %lt3A_1109 = arith.cmpi slt, %get3A_1103, %lt3A_1108 : vector<16xi32>
      %and3A_1110 = arith.andi %ge3A_1106, %lt3A_1109 : vector<16xi1>
      %jit3A_1111 = arith.constant 0 : i32
      %broadcast_in_dim3A_1112 = vector.broadcast %jit3A_1111 : i32 to vector<16xi32>
      %select_n3A_1113 = arith.select %and3A_1110, %get3A_1103, %broadcast_in_dim3A_1112 : vector<16xi1>, vector<16xi32>
      %swap3A_1114 = arith.index_cast %scan3A_1069 : i32 to index
      %swap3A_1115 = arith.constant 32 : index
      %swap3A_1116 = tpu.vector_load %arg5[%swap3A_1114, %swap3A_1115] {strides = array<i32>} : memref<50x128xi32, #tpu.memory_space<vmem>>, vector<1x16xi32>,
      %swap3A_1117 = vector.shape_cast %swap3A_1116 : vector<1x16xi32> to vector<16xi32>
      %swap3A_1118 = vector.shape_cast %select_n3A_1113 : vector<16xi32> to vector<1x16xi32>
      tpu.vector_store %arg5[%swap3A_1114, %swap3A_1115], %swap3A_1118 {strides = array<i32>} : memref<50x128xi32, #tpu.memory_space<vmem>>, vector<1x16xi32>,
      %get3A_1119 = arith.index_cast %scan3A_1069 : i32 to index
      %get3A_1120 = arith.constant 48 : index
      %get3A_1121 = tpu.vector_load %arg5[%get3A_1119, %get3A_1120] {strides = array<i32>} : memref<50x128xi32, #tpu.memory_space<vmem>>, vector<1x16xi32>,
      %get3A_1122 = vector.shape_cast %get3A_1121 : vector<1x16xi32> to vector<16xi32>
      %ge3A_1123 = arith.constant 0 : i32
      %ge3A_1124 = vector.broadcast %ge3A_1123 : i32 to vector<16xi32>
      %ge3A_1125 = arith.cmpi sge, %get3A_1122, %ge3A_1124 : vector<16xi32>
      %lt3A_1126 = arith.constant 100000 : i32
      %lt3A_1127 = vector.broadcast %lt3A_1126 : i32 to vector<16xi32>
      %lt3A_1128 = arith.cmpi slt, %get3A_1122, %lt3A_1127 : vector<16xi32>
      %and3A_1129 = arith.andi %ge3A_1125, %lt3A_1128 : vector<16xi1>
      %jit3A_1130 = arith.constant 0 : i32
      %broadcast_in_dim3A_1131 = vector.broadcast %jit3A_1130 : i32 to vector<16xi32>
      %select_n3A_1132 = arith.select %and3A_1129, %get3A_1122, %broadcast_in_dim3A_1131 : vector<16xi1>, vector<16xi32>
      %swap3A_1133 = arith.index_cast %scan3A_1069 : i32 to index
      %swap3A_1134 = arith.constant 48 : index
      %swap3A_1135 = tpu.vector_load %arg5[%swap3A_1133, %swap3A_1134] {strides = array<i32>} : memref<50x128xi32, #tpu.memory_space<vmem>>, vector<1x16xi32>,
      %swap3A_1136 = vector.shape_cast %swap3A_1135 : vector<1x16xi32> to vector<16xi32>
      %swap3A_1137 = vector.shape_cast %select_n3A_1132 : vector<16xi32> to vector<1x16xi32>
      tpu.vector_store %arg5[%swap3A_1133, %swap3A_1134], %swap3A_1137 {strides = array<i32>} : memref<50x128xi32, #tpu.memory_space<vmem>>, vector<1x16xi32>,
      %get3A_1138 = arith.index_cast %scan3A_1069 : i32 to index
      %get3A_1139 = arith.constant 64 : index
      %get3A_1140 = tpu.vector_load %arg5[%get3A_1138, %get3A_1139] {strides = array<i32>} : memref<50x128xi32, #tpu.memory_space<vmem>>, vector<1x16xi32>,
      %get3A_1141 = vector.shape_cast %get3A_1140 : vector<1x16xi32> to vector<16xi32>
      %ge3A_1142 = arith.constant 0 : i32
      %ge3A_1143 = vector.broadcast %ge3A_1142 : i32 to vector<16xi32>
      %ge3A_1144 = arith.cmpi sge, %get3A_1141, %ge3A_1143 : vector<16xi32>
      %lt3A_1145 = arith.constant 100000 : i32
      %lt3A_1146 = vector.broadcast %lt3A_1145 : i32 to vector<16xi32>
      %lt3A_1147 = arith.cmpi slt, %get3A_1141, %lt3A_1146 : vector<16xi32>
      %and3A_1148 = arith.andi %ge3A_1144, %lt3A_1147 : vector<16xi1>
      %jit3A_1149 = arith.constant 0 : i32
      %broadcast_in_dim3A_1150 = vector.broadcast %jit3A_1149 : i32 to vector<16xi32>
      %select_n3A_1151 = arith.select %and3A_1148, %get3A_1141, %broadcast_in_dim3A_1150 : vector<16xi1>, vector<16xi32>
      %swap3A_1152 = arith.index_cast %scan3A_1069 : i32 to index
      %swap3A_1153 = arith.constant 64 : index
      %swap3A_1154 = tpu.vector_load %arg5[%swap3A_1152, %swap3A_1153] {strides = array<i32>} : memref<50x128xi32, #tpu.memory_space<vmem>>, vector<1x16xi32>,
      %swap3A_1155 = vector.shape_cast %swap3A_1154 : vector<1x16xi32> to vector<16xi32>
      %swap3A_1156 = vector.shape_cast %select_n3A_1151 : vector<16xi32> to vector<1x16xi32>
      tpu.vector_store %arg5[%swap3A_1152, %swap3A_1153], %swap3A_1156 {strides = array<i32>} : memref<50x128xi32, #tpu.memory_space<vmem>>, vector<1x16xi32>,
      %get3A_1157 = arith.index_cast %scan3A_1069 : i32 to index
      %get3A_1158 = arith.constant 80 : index
      %get3A_1159 = tpu.vector_load %arg5[%get3A_1157, %get3A_1158] {strides = array<i32>} : memref<50x128xi32, #tpu.memory_space<vmem>>, vector<1x16xi32>,
      %get3A_1160 = vector.shape_cast %get3A_1159 : vector<1x16xi32> to vector<16xi32>
      %ge3A_1161 = arith.constant 0 : i32
      %ge3A_1162 = vector.broadcast %ge3A_1161 : i32 to vector<16xi32>
      %ge3A_1163 = arith.cmpi sge, %get3A_1160, %ge3A_1162 : vector<16xi32>
      %lt3A_1164 = arith.constant 100000 : i32
      %lt3A_1165 = vector.broadcast %lt3A_1164 : i32 to vector<16xi32>
      %lt3A_1166 = arith.cmpi slt, %get3A_1160, %lt3A_1165 : vector<16xi32>
      %and3A_1167 = arith.andi %ge3A_1163, %lt3A_1166 : vector<16xi1>
      %jit3A_1168 = arith.constant 0 : i32
      %broadcast_in_dim3A_1169 = vector.broadcast %jit3A_1168 : i32 to vector<16xi32>
      %select_n3A_1170 = arith.select %and3A_1167, %get3A_1160, %broadcast_in_dim3A_1169 : vector<16xi1>, vector<16xi32>
      %swap3A_1171 = arith.index_cast %scan3A_1069 : i32 to index
      %swap3A_1172 = arith.constant 80 : index
      %swap3A_1173 = tpu.vector_load %arg5[%swap3A_1171, %swap3A_1172] {strides = array<i32>} : memref<50x128xi32, #tpu.memory_space<vmem>>, vector<1x16xi32>,
      %swap3A_1174 = vector.shape_cast %swap3A_1173 : vector<1x16xi32> to vector<16xi32>
      %swap3A_1175 = vector.shape_cast %select_n3A_1170 : vector<16xi32> to vector<1x16xi32>
      tpu.vector_store %arg5[%swap3A_1171, %swap3A_1172], %swap3A_1175 {strides = array<i32>} : memref<50x128xi32, #tpu.memory_space<vmem>>, vector<1x16xi32>,
      %get3A_1176 = arith.index_cast %scan3A_1069 : i32 to index
      %get3A_1177 = arith.constant 96 : index
      %get3A_1178 = tpu.vector_load %arg5[%get3A_1176, %get3A_1177] {strides = array<i32>} : memref<50x128xi32, #tpu.memory_space<vmem>>, vector<1x16xi32>,
      %get3A_1179 = vector.shape_cast %get3A_1178 : vector<1x16xi32> to vector<16xi32>
      %ge3A_1180 = arith.constant 0 : i32
      %ge3A_1181 = vector.broadcast %ge3A_1180 : i32 to vector<16xi32>
      %ge3A_1182 = arith.cmpi sge, %get3A_1179, %ge3A_1181 : vector<16xi32>
      %lt3A_1183 = arith.constant 100000 : i32
      %lt3A_1184 = vector.broadcast %lt3A_1183 : i32 to vector<16xi32>
      %lt3A_1185 = arith.cmpi slt, %get3A_1179, %lt3A_1184 : vector<16xi32>
      %and3A_1186 = arith.andi %ge3A_1182, %lt3A_1185 : vector<16xi1>
      %jit3A_1187 = arith.constant 0 : i32
      %broadcast_in_dim3A_1188 = vector.broadcast %jit3A_1187 : i32 to vector<16xi32>
      %select_n3A_1189 = arith.select %and3A_1186, %get3A_1179, %broadcast_in_dim3A_1188 : vector<16xi1>, vector<16xi32>
      %swap3A_1190 = arith.index_cast %scan3A_1069 : i32 to index
      %swap3A_1191 = arith.constant 96 : index
      %swap3A_1192 = tpu.vector_load %arg5[%swap3A_1190, %swap3A_1191] {strides = array<i32>} : memref<50x128xi32, #tpu.memory_space<vmem>>, vector<1x16xi32>,
      %swap3A_1193 = vector.shape_cast %swap3A_1192 : vector<1x16xi32> to vector<16xi32>
      %swap3A_1194 = vector.shape_cast %select_n3A_1189 : vector<16xi32> to vector<1x16xi32>
      tpu.vector_store %arg5[%swap3A_1190, %swap3A_1191], %swap3A_1194 {strides = array<i32>} : memref<50x128xi32, #tpu.memory_space<vmem>>, vector<1x16xi32>,
      %get3A_1195 = arith.index_cast %scan3A_1069 : i32 to index
      %get3A_1196 = arith.constant 112 : index
      %get3A_1197 = tpu.vector_load %arg5[%get3A_1195, %get3A_1196] {strides = array<i32>} : memref<50x128xi32, #tpu.memory_space<vmem>>, vector<1x16xi32>,
      %get3A_1198 = vector.shape_cast %get3A_1197 : vector<1x16xi32> to vector<16xi32>
      %ge3A_1199 = arith.constant 0 : i32
      %ge3A_1200 = vector.broadcast %ge3A_1199 : i32 to vector<16xi32>
      %ge3A_1201 = arith.cmpi sge, %get3A_1198, %ge3A_1200 : vector<16xi32>
      %lt3A_1202 = arith.constant 100000 : i32
      %lt3A_1203 = vector.broadcast %lt3A_1202 : i32 to vector<16xi32>
      %lt3A_1204 = arith.cmpi slt, %get3A_1198, %lt3A_1203 : vector<16xi32>
      %and3A_1205 = arith.andi %ge3A_1201, %lt3A_1204 : vector<16xi1>
      %jit3A_1206 = arith.constant 0 : i32
      %broadcast_in_dim3A_1207 = vector.broadcast %jit3A_1206 : i32 to vector<16xi32>
      %select_n3A_1208 = arith.select %and3A_1205, %get3A_1198, %broadcast_in_dim3A_1207 : vector<16xi1>, vector<16xi32>
      %swap3A_1209 = arith.index_cast %scan3A_1069 : i32 to index
      %swap3A_1210 = arith.constant 112 : index
      %swap3A_1211 = tpu.vector_load %arg5[%swap3A_1209, %swap3A_1210] {strides = array<i32>} : memref<50x128xi32, #tpu.memory_space<vmem>>, vector<1x16xi32>,
      %swap3A_1212 = vector.shape_cast %swap3A_1211 : vector<1x16xi32> to vector<16xi32>
      %swap3A_1213 = vector.shape_cast %select_n3A_1208 : vector<16xi32> to vector<1x16xi32>
      tpu.vector_store %arg5[%swap3A_1209, %swap3A_1210], %swap3A_1213 {strides = array<i32>} : memref<50x128xi32, #tpu.memory_space<vmem>>, vector<1x16xi32>,
    }
    %scan3A_1005 = arith.constant 50 : i32
    %dma_start3A_1006 = arith.constant 0 : i32
    %dma_start3A_1007 = arith.constant 0 : i32
    %dma_start3A_1008 = tpu.memref_slice %arg5[%dma_start3A_1006, %dma_start3A_1007] : memref<50x128xi32, #tpu.memory_space<vmem>> -> memref<1x128xi32, #tpu.memory_space<vmem>>
    %dma_start3A_1009 = tpu.memref_squeeze %dma_start3A_1008 : memref<1x128xi32, #tpu.memory_space<vmem>> -> memref<128xi32, #tpu.memory_space<vmem>>
    %dma_start3A_1010 = arith.constant 0 : i32
    %dma_start3A_1011 = arith.constant 0 : i32
    %dma_start3A_1012 = tpu.memref_slice %arg2[%dma_start3A_1010, %dma_start3A_1011] : memref<100000x128xf32, #tpu.memory_space<hbm>> -> memref<100000x128xf32, #tpu.memory_space<hbm>>
    tpu.enqueue_indirect_dma source(%dma_start3A_1012 : memref<100000x128xf32, #tpu.memory_space<hbm>>) target(%arg6 : memref<128x128xf32, #tpu.memory_space<vmem>>) offsets(%dma_start3A_1009 : memref<128xi32, #tpu.memory_space<vmem>>) semaphore(%arg12 : memref<!tpu.dma_semaphore, #tpu.memory_space<semaphore_mem>>)
    %dma_start3A_1013 = arith.constant 1 : i32
    %dma_start3A_1014 = arith.constant 0 : i32
    %dma_start3A_1015 = tpu.memref_slice %arg5[%dma_start3A_1013, %dma_start3A_1014] : memref<50x128xi32, #tpu.memory_space<vmem>> -> memref<1x128xi32, #tpu.memory_space<vmem>>
    %dma_start3A_1016 = tpu.memref_squeeze %dma_start3A_1015 : memref<1x128xi32, #tpu.memory_space<vmem>> -> memref<128xi32, #tpu.memory_space<vmem>>
    %dma_start3A_1017 = arith.constant 0 : i32
    %dma_start3A_1018 = arith.constant 0 : i32
    %dma_start3A_1019 = tpu.memref_slice %arg2[%dma_start3A_1017, %dma_start3A_1018] : memref<100000x128xf32, #tpu.memory_space<hbm>> -> memref<100000x128xf32, #tpu.memory_space<hbm>>
    tpu.enqueue_indirect_dma source(%dma_start3A_1019 : memref<100000x128xf32, #tpu.memory_space<hbm>>) target(%arg7 : memref<128x128xf32, #tpu.memory_space<vmem>>) offsets(%dma_start3A_1016 : memref<128xi32, #tpu.memory_space<vmem>>) semaphore(%arg12 : memref<!tpu.dma_semaphore, #tpu.memory_space<semaphore_mem>>)
    %dma_start3A_1020 = arith.constant 2 : i32
    %dma_start3A_1021 = arith.constant 0 : i32
    %dma_start3A_1022 = tpu.memref_slice %arg5[%dma_start3A_1020, %dma_start3A_1021] : memref<50x128xi32, #tpu.memory_space<vmem>> -> memref<1x128xi32, #tpu.memory_space<vmem>>
    %dma_start3A_1023 = tpu.memref_squeeze %dma_start3A_1022 : memref<1x128xi32, #tpu.memory_space<vmem>> -> memref<128xi32, #tpu.memory_space<vmem>>
    %dma_start3A_1024 = arith.constant 0 : i32
    %dma_start3A_1025 = arith.constant 0 : i32
    %dma_start3A_1026 = tpu.memref_slice %arg2[%dma_start3A_1024, %dma_start3A_1025] : memref<100000x128xf32, #tpu.memory_space<hbm>> -> memref<100000x128xf32, #tpu.memory_space<hbm>>
    tpu.enqueue_indirect_dma source(%dma_start3A_1026 : memref<100000x128xf32, #tpu.memory_space<hbm>>) target(%arg8 : memref<128x128xf32, #tpu.memory_space<vmem>>) offsets(%dma_start3A_1023 : memref<128xi32, #tpu.memory_space<vmem>>) semaphore(%arg12 : memref<!tpu.dma_semaphore, #tpu.memory_space<semaphore_mem>>)
    %dma_start3A_1027 = arith.constant 3 : i32
    %dma_start3A_1028 = arith.constant 0 : i32
    %dma_start3A_1029 = tpu.memref_slice %arg5[%dma_start3A_1027, %dma_start3A_1028] : memref<50x128xi32, #tpu.memory_space<vmem>> -> memref<1x128xi32, #tpu.memory_space<vmem>>
    %dma_start3A_1030 = tpu.memref_squeeze %dma_start3A_1029 : memref<1x128xi32, #tpu.memory_space<vmem>> -> memref<128xi32, #tpu.memory_space<vmem>>
    %dma_start3A_1031 = arith.constant 0 : i32
    %dma_start3A_1032 = arith.constant 0 : i32
    %dma_start3A_1033 = tpu.memref_slice %arg2[%dma_start3A_1031, %dma_start3A_1032] : memref<100000x128xf32, #tpu.memory_space<hbm>> -> memref<100000x128xf32, #tpu.memory_space<hbm>>
    tpu.enqueue_indirect_dma source(%dma_start3A_1033 : memref<100000x128xf32, #tpu.memory_space<hbm>>) target(%arg9 : memref<128x128xf32, #tpu.memory_space<vmem>>) offsets(%dma_start3A_1030 : memref<128xi32, #tpu.memory_space<vmem>>) semaphore(%arg12 : memref<!tpu.dma_semaphore, #tpu.memory_space<semaphore_mem>>)
    %dma_start3A_1034 = arith.constant 4 : i32
    %dma_start3A_1035 = arith.constant 0 : i32
    %dma_start3A_1036 = tpu.memref_slice %arg5[%dma_start3A_1034, %dma_start3A_1035] : memref<50x128xi32, #tpu.memory_space<vmem>> -> memref<1x128xi32, #tpu.memory_space<vmem>>
    %dma_start3A_1037 = tpu.memref_squeeze %dma_start3A_1036 : memref<1x128xi32, #tpu.memory_space<vmem>> -> memref<128xi32, #tpu.memory_space<vmem>>
    %dma_start3A_1038 = arith.constant 0 : i32
    %dma_start3A_1039 = arith.constant 0 : i32
    %dma_start3A_1040 = tpu.memref_slice %arg2[%dma_start3A_1038, %dma_start3A_1039] : memref<100000x128xf32, #tpu.memory_space<hbm>> -> memref<100000x128xf32, #tpu.memory_space<hbm>>
    tpu.enqueue_indirect_dma source(%dma_start3A_1040 : memref<100000x128xf32, #tpu.memory_space<hbm>>) target(%arg10 : memref<128x128xf32, #tpu.memory_space<vmem>>) offsets(%dma_start3A_1037 : memref<128xi32, #tpu.memory_space<vmem>>) semaphore(%arg12 : memref<!tpu.dma_semaphore, #tpu.memory_space<semaphore_mem>>)
    %dma_start3A_1041 = arith.constant 5 : i32
    %dma_start3A_1042 = arith.constant 0 : i32
    %dma_start3A_1043 = tpu.memref_slice %arg5[%dma_start3A_1041, %dma_start3A_1042] : memref<50x128xi32, #tpu.memory_space<vmem>> -> memref<1x128xi32, #tpu.memory_space<vmem>>
    %dma_start3A_1044 = tpu.memref_squeeze %dma_start3A_1043 : memref<1x128xi32, #tpu.memory_space<vmem>> -> memref<128xi32, #tpu.memory_space<vmem>>
    %dma_start3A_1045 = arith.constant 0 : i32
    %dma_start3A_1046 = arith.constant 0 : i32
    %dma_start3A_1047 = tpu.memref_slice %arg2[%dma_start3A_1045, %dma_start3A_1046] : memref<100000x128xf32, #tpu.memory_space<hbm>> -> memref<100000x128xf32, #tpu.memory_space<hbm>>
    tpu.enqueue_indirect_dma source(%dma_start3A_1047 : memref<100000x128xf32, #tpu.memory_space<hbm>>) target(%arg11 : memref<128x128xf32, #tpu.memory_space<vmem>>) offsets(%dma_start3A_1044 : memref<128xi32, #tpu.memory_space<vmem>>) semaphore(%arg12 : memref<!tpu.dma_semaphore, #tpu.memory_space<semaphore_mem>>)
    %scan3A_1048 = arith.constant 0 : i32
    %scan3A_1049 = arith.constant 0 : i32
    %scan3A_1050 = arith.constant 8 : i32
    %scan3A_1051 = arith.addi %scan3A_1049, %scan3A_1050 : i32
    %scan3A_1052 = arith.constant 1 : i32
    scf.for %scan3A_1069 = %scan3A_1049 to %scan3A_1051 step %scan3A_1052  : i32 {
      %mul3A_1070 = arith.constant 6 : i32
      %mul3A_1071 = arith.muli %mul3A_1070, %scan3A_1069 : i32
      %add3A_1072 = arith.constant 0 : i32
      %add3A_1073 = arith.addi %mul3A_1071, %add3A_1072 : i32
      %dma_wait3A_1074 = arith.constant 0 : i32
      %dma_wait3A_1075 = arith.constant 0 : i32
      %dma_wait3A_1076 = tpu.memref_slice %arg5[%dma_wait3A_1074, %dma_wait3A_1075] : memref<50x128xi32, #tpu.memory_space<vmem>> -> memref<1x128xi32, #tpu.memory_space<vmem>>
      %dma_wait3A_1077 = tpu.memref_squeeze %dma_wait3A_1076 : memref<1x128xi32, #tpu.memory_space<vmem>> -> memref<128xi32, #tpu.memory_space<vmem>>
      %dma_wait3A_1078 = arith.constant 0 : i32
      %dma_wait3A_1079 = arith.constant 0 : i32
      %dma_wait3A_1080 = tpu.memref_slice %arg2[%dma_wait3A_1078, %dma_wait3A_1079] : memref<100000x128xf32, #tpu.memory_space<hbm>> -> memref<100000x128xf32, #tpu.memory_space<hbm>>
      tpu.wait_indirect_dma semaphore(%arg12 : memref<!tpu.dma_semaphore, #tpu.memory_space<semaphore_mem>>) src(%dma_wait3A_1080 : memref<100000x128xf32, #tpu.memory_space<hbm>>) dst(%arg6 : memref<128x128xf32, #tpu.memory_space<vmem>>)
      "tpu.region"() ({
        %run_scoped3A_1175 = tpu.sem_alloc : memref<!tpu.dma_semaphore, #tpu.memory_space<semaphore_mem>>
        %dma_start3A_1176 = arith.constant 0 : i32
        %dma_start3A_1177 = tpu.memref_slice %arg4[%add3A_1073, %mul3A_2, %dma_start3A_1176] : memref<50x4096x128xf32, #tpu.memory_space<hbm>> -> memref<1x128x128xf32, #tpu.memory_space<hbm>>
        %dma_start3A_1178 = tpu.memref_squeeze %dma_start3A_1177 : memref<1x128x128xf32, #tpu.memory_space<hbm>> -> memref<128x128xf32, #tpu.memory_space<hbm>>
        %dma_start3A_1179 = arith.constant 0 : i32
        %dma_start3A_1180 = tpu.memref_slice %arg4[%add3A_1073, %mul3A_2, %dma_start3A_1179] : memref<50x4096x128xf32, #tpu.memory_space<hbm>> -> memref<1x128x128xf32, #tpu.memory_space<hbm>>
        %dma_start3A_1181 = tpu.memref_squeeze %dma_start3A_1180 : memref<1x128x128xf32, #tpu.memory_space<hbm>> -> memref<128x128xf32, #tpu.memory_space<hbm>>
        tpu.enqueue_dma source(%arg6 : memref<128x128xf32, #tpu.memory_space<vmem>>) target(%dma_start3A_1181 : memref<128x128xf32, #tpu.memory_space<hbm>>) target_semaphore(%run_scoped3A_1175 : memref<!tpu.dma_semaphore, #tpu.memory_space<semaphore_mem>>)
        %dma_wait3A_1182 = arith.constant 0 : i32
        %dma_wait3A_1183 = tpu.memref_slice %arg4[%add3A_1073, %mul3A_2, %dma_wait3A_1182] : memref<50x4096x128xf32, #tpu.memory_space<hbm>> -> memref<1x128x128xf32, #tpu.memory_space<hbm>>
        %dma_wait3A_1184 = tpu.memref_squeeze %dma_wait3A_1183 : memref<1x128x128xf32, #tpu.memory_space<hbm>> -> memref<128x128xf32, #tpu.memory_space<hbm>>
        %dma_wait3A_1185 = arith.constant 0 : i32
        %dma_wait3A_1186 = tpu.memref_slice %arg4[%add3A_1073, %mul3A_2, %dma_wait3A_1185] : memref<50x4096x128xf32, #tpu.memory_space<hbm>> -> memref<1x128x128xf32, #tpu.memory_space<hbm>>
        %dma_wait3A_1187 = tpu.memref_squeeze %dma_wait3A_1186 : memref<1x128x128xf32, #tpu.memory_space<hbm>> -> memref<128x128xf32, #tpu.memory_space<hbm>>
        tpu.wait_dma2 semaphore(%run_scoped3A_1175 : memref<!tpu.dma_semaphore, #tpu.memory_space<semaphore_mem>>) src(%arg6 : memref<128x128xf32, #tpu.memory_space<vmem>>) dst(%dma_wait3A_1187 : memref<128x128xf32, #tpu.memory_space<hbm>>)
        tpu.yield
      }) : () -> ()
      %add3A_1081 = arith.constant 6 : i32
      %add3A_1082 = arith.addi %add3A_1073, %add3A_1081 : i32
      %lt3A = arith.constant 50 : i32
      %lt3A_1083 = arith.cmpi slt, %add3A_1082, %lt3A : i32
      %convert_element_type3A = arith.extui %lt3A_1083 : i1 to i32
      %cond3A = arith.constant 0 : i32
      %cond3A_1084 = arith.cmpi ne, %convert_element_type3A, %cond3A : i32
      scf.if %cond3A_1084 {
        %add3A_1175 = arith.constant 6 : i32
        %add3A_1176 = arith.addi %add3A_1073, %add3A_1175 : i32
        %dma_start3A_1177 = arith.constant 0 : i32
        %dma_start3A_1178 = tpu.memref_slice %arg5[%add3A_1176, %dma_start3A_1177] : memref<50x128xi32, #tpu.memory_space<vmem>> -> memref<1x128xi32, #tpu.memory_space<vmem>>
        %dma_start3A_1179 = tpu.memref_squeeze %dma_start3A_1178 : memref<1x128xi32, #tpu.memory_space<vmem>> -> memref<128xi32, #tpu.memory_space<vmem>>
        %dma_start3A_1180 = arith.constant 0 : i32
        %dma_start3A_1181 = arith.constant 0 : i32
        %dma_start3A_1182 = tpu.memref_slice %arg2[%dma_start3A_1180, %dma_start3A_1181] : memref<100000x128xf32, #tpu.memory_space<hbm>> -> memref<100000x128xf32, #tpu.memory_space<hbm>>
        tpu.enqueue_indirect_dma source(%dma_start3A_1182 : memref<100000x128xf32, #tpu.memory_space<hbm>>) target(%arg6 : memref<128x128xf32, #tpu.memory_space<vmem>>) offsets(%dma_start3A_1179 : memref<128xi32, #tpu.memory_space<vmem>>) semaphore(%arg12 : memref<!tpu.dma_semaphore, #tpu.memory_space<semaphore_mem>>)
      } else {
      }
      %mul3A_1085 = arith.constant 6 : i32
      %mul3A_1086 = arith.muli %mul3A_1085, %scan3A_1069 : i32
      %add3A_1087 = arith.constant 1 : i32
      %add3A_1088 = arith.addi %mul3A_1086, %add3A_1087 : i32
      %dma_wait3A_1089 = arith.constant 0 : i32
      %dma_wait3A_1090 = arith.constant 0 : i32
      %dma_wait3A_1091 = tpu.memref_slice %arg5[%dma_wait3A_1089, %dma_wait3A_1090] : memref<50x128xi32, #tpu.memory_space<vmem>> -> memref<1x128xi32, #tpu.memory_space<vmem>>
      %dma_wait3A_1092 = tpu.memref_squeeze %dma_wait3A_1091 : memref<1x128xi32, #tpu.memory_space<vmem>> -> memref<128xi32, #tpu.memory_space<vmem>>
      %dma_wait3A_1093 = arith.constant 0 : i32
      %dma_wait3A_1094 = arith.constant 0 : i32
      %dma_wait3A_1095 = tpu.memref_slice %arg2[%dma_wait3A_1093, %dma_wait3A_1094] : memref<100000x128xf32, #tpu.memory_space<hbm>> -> memref<100000x128xf32, #tpu.memory_space<hbm>>
      tpu.wait_indirect_dma semaphore(%arg12 : memref<!tpu.dma_semaphore, #tpu.memory_space<semaphore_mem>>) src(%dma_wait3A_1095 : memref<100000x128xf32, #tpu.memory_space<hbm>>) dst(%arg7 : memref<128x128xf32, #tpu.memory_space<vmem>>)
      "tpu.region"() ({
        %run_scoped3A_1175 = tpu.sem_alloc : memref<!tpu.dma_semaphore, #tpu.memory_space<semaphore_mem>>
        %dma_start3A_1176 = arith.constant 0 : i32
        %dma_start3A_1177 = tpu.memref_slice %arg4[%add3A_1088, %mul3A_2, %dma_start3A_1176] : memref<50x4096x128xf32, #tpu.memory_space<hbm>> -> memref<1x128x128xf32, #tpu.memory_space<hbm>>
        %dma_start3A_1178 = tpu.memref_squeeze %dma_start3A_1177 : memref<1x128x128xf32, #tpu.memory_space<hbm>> -> memref<128x128xf32, #tpu.memory_space<hbm>>
        %dma_start3A_1179 = arith.constant 0 : i32
        %dma_start3A_1180 = tpu.memref_slice %arg4[%add3A_1088, %mul3A_2, %dma_start3A_1179] : memref<50x4096x128xf32, #tpu.memory_space<hbm>> -> memref<1x128x128xf32, #tpu.memory_space<hbm>>
        %dma_start3A_1181 = tpu.memref_squeeze %dma_start3A_1180 : memref<1x128x128xf32, #tpu.memory_space<hbm>> -> memref<128x128xf32, #tpu.memory_space<hbm>>
        tpu.enqueue_dma source(%arg7 : memref<128x128xf32, #tpu.memory_space<vmem>>) target(%dma_start3A_1181 : memref<128x128xf32, #tpu.memory_space<hbm>>) target_semaphore(%run_scoped3A_1175 : memref<!tpu.dma_semaphore, #tpu.memory_space<semaphore_mem>>)
        %dma_wait3A_1182 = arith.constant 0 : i32
        %dma_wait3A_1183 = tpu.memref_slice %arg4[%add3A_1088, %mul3A_2, %dma_wait3A_1182] : memref<50x4096x128xf32, #tpu.memory_space<hbm>> -> memref<1x128x128xf32, #tpu.memory_space<hbm>>
        %dma_wait3A_1184 = tpu.memref_squeeze %dma_wait3A_1183 : memref<1x128x128xf32, #tpu.memory_space<hbm>> -> memref<128x128xf32, #tpu.memory_space<hbm>>
        %dma_wait3A_1185 = arith.constant 0 : i32
        %dma_wait3A_1186 = tpu.memref_slice %arg4[%add3A_1088, %mul3A_2, %dma_wait3A_1185] : memref<50x4096x128xf32, #tpu.memory_space<hbm>> -> memref<1x128x128xf32, #tpu.memory_space<hbm>>
        %dma_wait3A_1187 = tpu.memref_squeeze %dma_wait3A_1186 : memref<1x128x128xf32, #tpu.memory_space<hbm>> -> memref<128x128xf32, #tpu.memory_space<hbm>>
        tpu.wait_dma2 semaphore(%run_scoped3A_1175 : memref<!tpu.dma_semaphore, #tpu.memory_space<semaphore_mem>>) src(%arg7 : memref<128x128xf32, #tpu.memory_space<vmem>>) dst(%dma_wait3A_1187 : memref<128x128xf32, #tpu.memory_space<hbm>>)
        tpu.yield
      }) : () -> ()
      %add3A_1096 = arith.constant 6 : i32
      %add3A_1097 = arith.addi %add3A_1088, %add3A_1096 : i32
      %lt3A_1098 = arith.constant 50 : i32
      %lt3A_1099 = arith.cmpi slt, %add3A_1097, %lt3A_1098 : i32
      %convert_element_type3A_1100 = arith.extui %lt3A_1099 : i1 to i32
      %cond3A_1101 = arith.constant 0 : i32
      %cond3A_1102 = arith.cmpi ne, %convert_element_type3A_1100, %cond3A_1101 : i32
      scf.if %cond3A_1102 {
        %add3A_1175 = arith.constant 6 : i32
        %add3A_1176 = arith.addi %add3A_1088, %add3A_1175 : i32
        %dma_start3A_1177 = arith.constant 0 : i32
        %dma_start3A_1178 = tpu.memref_slice %arg5[%add3A_1176, %dma_start3A_1177] : memref<50x128xi32, #tpu.memory_space<vmem>> -> memref<1x128xi32, #tpu.memory_space<vmem>>
        %dma_start3A_1179 = tpu.memref_squeeze %dma_start3A_1178 : memref<1x128xi32, #tpu.memory_space<vmem>> -> memref<128xi32, #tpu.memory_space<vmem>>
        %dma_start3A_1180 = arith.constant 0 : i32
        %dma_start3A_1181 = arith.constant 0 : i32
        %dma_start3A_1182 = tpu.memref_slice %arg2[%dma_start3A_1180, %dma_start3A_1181] : memref<100000x128xf32, #tpu.memory_space<hbm>> -> memref<100000x128xf32, #tpu.memory_space<hbm>>
        tpu.enqueue_indirect_dma source(%dma_start3A_1182 : memref<100000x128xf32, #tpu.memory_space<hbm>>) target(%arg7 : memref<128x128xf32, #tpu.memory_space<vmem>>) offsets(%dma_start3A_1179 : memref<128xi32, #tpu.memory_space<vmem>>) semaphore(%arg12 : memref<!tpu.dma_semaphore, #tpu.memory_space<semaphore_mem>>)
      } else {
      }
      %mul3A_1103 = arith.constant 6 : i32
      %mul3A_1104 = arith.muli %mul3A_1103, %scan3A_1069 : i32
      %add3A_1105 = arith.constant 2 : i32
      %add3A_1106 = arith.addi %mul3A_1104, %add3A_1105 : i32
      %dma_wait3A_1107 = arith.constant 0 : i32
      %dma_wait3A_1108 = arith.constant 0 : i32
      %dma_wait3A_1109 = tpu.memref_slice %arg5[%dma_wait3A_1107, %dma_wait3A_1108] : memref<50x128xi32, #tpu.memory_space<vmem>> -> memref<1x128xi32, #tpu.memory_space<vmem>>
      %dma_wait3A_1110 = tpu.memref_squeeze %dma_wait3A_1109 : memref<1x128xi32, #tpu.memory_space<vmem>> -> memref<128xi32, #tpu.memory_space<vmem>>
      %dma_wait3A_1111 = arith.constant 0 : i32
      %dma_wait3A_1112 = arith.constant 0 : i32
      %dma_wait3A_1113 = tpu.memref_slice %arg2[%dma_wait3A_1111, %dma_wait3A_1112] : memref<100000x128xf32, #tpu.memory_space<hbm>> -> memref<100000x128xf32, #tpu.memory_space<hbm>>
      tpu.wait_indirect_dma semaphore(%arg12 : memref<!tpu.dma_semaphore, #tpu.memory_space<semaphore_mem>>) src(%dma_wait3A_1113 : memref<100000x128xf32, #tpu.memory_space<hbm>>) dst(%arg8 : memref<128x128xf32, #tpu.memory_space<vmem>>)
      "tpu.region"() ({
        %run_scoped3A_1175 = tpu.sem_alloc : memref<!tpu.dma_semaphore, #tpu.memory_space<semaphore_mem>>
        %dma_start3A_1176 = arith.constant 0 : i32
        %dma_start3A_1177 = tpu.memref_slice %arg4[%add3A_1106, %mul3A_2, %dma_start3A_1176] : memref<50x4096x128xf32, #tpu.memory_space<hbm>> -> memref<1x128x128xf32, #tpu.memory_space<hbm>>
        %dma_start3A_1178 = tpu.memref_squeeze %dma_start3A_1177 : memref<1x128x128xf32, #tpu.memory_space<hbm>> -> memref<128x128xf32, #tpu.memory_space<hbm>>
        %dma_start3A_1179 = arith.constant 0 : i32
        %dma_start3A_1180 = tpu.memref_slice %arg4[%add3A_1106, %mul3A_2, %dma_start3A_1179] : memref<50x4096x128xf32, #tpu.memory_space<hbm>> -> memref<1x128x128xf32, #tpu.memory_space<hbm>>
        %dma_start3A_1181 = tpu.memref_squeeze %dma_start3A_1180 : memref<1x128x128xf32, #tpu.memory_space<hbm>> -> memref<128x128xf32, #tpu.memory_space<hbm>>
        tpu.enqueue_dma source(%arg8 : memref<128x128xf32, #tpu.memory_space<vmem>>) target(%dma_start3A_1181 : memref<128x128xf32, #tpu.memory_space<hbm>>) target_semaphore(%run_scoped3A_1175 : memref<!tpu.dma_semaphore, #tpu.memory_space<semaphore_mem>>)
        %dma_wait3A_1182 = arith.constant 0 : i32
        %dma_wait3A_1183 = tpu.memref_slice %arg4[%add3A_1106, %mul3A_2, %dma_wait3A_1182] : memref<50x4096x128xf32, #tpu.memory_space<hbm>> -> memref<1x128x128xf32, #tpu.memory_space<hbm>>
        %dma_wait3A_1184 = tpu.memref_squeeze %dma_wait3A_1183 : memref<1x128x128xf32, #tpu.memory_space<hbm>> -> memref<128x128xf32, #tpu.memory_space<hbm>>
        %dma_wait3A_1185 = arith.constant 0 : i32
        %dma_wait3A_1186 = tpu.memref_slice %arg4[%add3A_1106, %mul3A_2, %dma_wait3A_1185] : memref<50x4096x128xf32, #tpu.memory_space<hbm>> -> memref<1x128x128xf32, #tpu.memory_space<hbm>>
        %dma_wait3A_1187 = tpu.memref_squeeze %dma_wait3A_1186 : memref<1x128x128xf32, #tpu.memory_space<hbm>> -> memref<128x128xf32, #tpu.memory_space<hbm>>
        tpu.wait_dma2 semaphore(%run_scoped3A_1175 : memref<!tpu.dma_semaphore, #tpu.memory_space<semaphore_mem>>) src(%arg8 : memref<128x128xf32, #tpu.memory_space<vmem>>) dst(%dma_wait3A_1187 : memref<128x128xf32, #tpu.memory_space<hbm>>)
        tpu.yield
      }) : () -> ()
      %add3A_1114 = arith.constant 6 : i32
      %add3A_1115 = arith.addi %add3A_1106, %add3A_1114 : i32
      %lt3A_1116 = arith.constant 50 : i32
      %lt3A_1117 = arith.cmpi slt, %add3A_1115, %lt3A_1116 : i32
      %convert_element_type3A_1118 = arith.extui %lt3A_1117 : i1 to i32
      %cond3A_1119 = arith.constant 0 : i32
      %cond3A_1120 = arith.cmpi ne, %convert_element_type3A_1118, %cond3A_1119 : i32
      scf.if %cond3A_1120 {
        %add3A_1175 = arith.constant 6 : i32
        %add3A_1176 = arith.addi %add3A_1106, %add3A_1175 : i32
        %dma_start3A_1177 = arith.constant 0 : i32
        %dma_start3A_1178 = tpu.memref_slice %arg5[%add3A_1176, %dma_start3A_1177] : memref<50x128xi32, #tpu.memory_space<vmem>> -> memref<1x128xi32, #tpu.memory_space<vmem>>
        %dma_start3A_1179 = tpu.memref_squeeze %dma_start3A_1178 : memref<1x128xi32, #tpu.memory_space<vmem>> -> memref<128xi32, #tpu.memory_space<vmem>>
        %dma_start3A_1180 = arith.constant 0 : i32
        %dma_start3A_1181 = arith.constant 0 : i32
        %dma_start3A_1182 = tpu.memref_slice %arg2[%dma_start3A_1180, %dma_start3A_1181] : memref<100000x128xf32, #tpu.memory_space<hbm>> -> memref<100000x128xf32, #tpu.memory_space<hbm>>
        tpu.enqueue_indirect_dma source(%dma_start3A_1182 : memref<100000x128xf32, #tpu.memory_space<hbm>>) target(%arg8 : memref<128x128xf32, #tpu.memory_space<vmem>>) offsets(%dma_start3A_1179 : memref<128xi32, #tpu.memory_space<vmem>>) semaphore(%arg12 : memref<!tpu.dma_semaphore, #tpu.memory_space<semaphore_mem>>)
      } else {
      }
      %mul3A_1121 = arith.constant 6 : i32
      %mul3A_1122 = arith.muli %mul3A_1121, %scan3A_1069 : i32
      %add3A_1123 = arith.constant 3 : i32
      %add3A_1124 = arith.addi %mul3A_1122, %add3A_1123 : i32
      %dma_wait3A_1125 = arith.constant 0 : i32
      %dma_wait3A_1126 = arith.constant 0 : i32
      %dma_wait3A_1127 = tpu.memref_slice %arg5[%dma_wait3A_1125, %dma_wait3A_1126] : memref<50x128xi32, #tpu.memory_space<vmem>> -> memref<1x128xi32, #tpu.memory_space<vmem>>
      %dma_wait3A_1128 = tpu.memref_squeeze %dma_wait3A_1127 : memref<1x128xi32, #tpu.memory_space<vmem>> -> memref<128xi32, #tpu.memory_space<vmem>>
      %dma_wait3A_1129 = arith.constant 0 : i32
      %dma_wait3A_1130 = arith.constant 0 : i32
      %dma_wait3A_1131 = tpu.memref_slice %arg2[%dma_wait3A_1129, %dma_wait3A_1130] : memref<100000x128xf32, #tpu.memory_space<hbm>> -> memref<100000x128xf32, #tpu.memory_space<hbm>>
      tpu.wait_indirect_dma semaphore(%arg12 : memref<!tpu.dma_semaphore, #tpu.memory_space<semaphore_mem>>) src(%dma_wait3A_1131 : memref<100000x128xf32, #tpu.memory_space<hbm>>) dst(%arg9 : memref<128x128xf32, #tpu.memory_space<vmem>>)
      "tpu.region"() ({
        %run_scoped3A_1175 = tpu.sem_alloc : memref<!tpu.dma_semaphore, #tpu.memory_space<semaphore_mem>>
        %dma_start3A_1176 = arith.constant 0 : i32
        %dma_start3A_1177 = tpu.memref_slice %arg4[%add3A_1124, %mul3A_2, %dma_start3A_1176] : memref<50x4096x128xf32, #tpu.memory_space<hbm>> -> memref<1x128x128xf32, #tpu.memory_space<hbm>>
        %dma_start3A_1178 = tpu.memref_squeeze %dma_start3A_1177 : memref<1x128x128xf32, #tpu.memory_space<hbm>> -> memref<128x128xf32, #tpu.memory_space<hbm>>
        %dma_start3A_1179 = arith.constant 0 : i32
        %dma_start3A_1180 = tpu.memref_slice %arg4[%add3A_1124, %mul3A_2, %dma_start3A_1179] : memref<50x4096x128xf32, #tpu.memory_space<hbm>> -> memref<1x128x128xf32, #tpu.memory_space<hbm>>
        %dma_start3A_1181 = tpu.memref_squeeze %dma_start3A_1180 : memref<1x128x128xf32, #tpu.memory_space<hbm>> -> memref<128x128xf32, #tpu.memory_space<hbm>>
        tpu.enqueue_dma source(%arg9 : memref<128x128xf32, #tpu.memory_space<vmem>>) target(%dma_start3A_1181 : memref<128x128xf32, #tpu.memory_space<hbm>>) target_semaphore(%run_scoped3A_1175 : memref<!tpu.dma_semaphore, #tpu.memory_space<semaphore_mem>>)
        %dma_wait3A_1182 = arith.constant 0 : i32
        %dma_wait3A_1183 = tpu.memref_slice %arg4[%add3A_1124, %mul3A_2, %dma_wait3A_1182] : memref<50x4096x128xf32, #tpu.memory_space<hbm>> -> memref<1x128x128xf32, #tpu.memory_space<hbm>>
        %dma_wait3A_1184 = tpu.memref_squeeze %dma_wait3A_1183 : memref<1x128x128xf32, #tpu.memory_space<hbm>> -> memref<128x128xf32, #tpu.memory_space<hbm>>
        %dma_wait3A_1185 = arith.constant 0 : i32
        %dma_wait3A_1186 = tpu.memref_slice %arg4[%add3A_1124, %mul3A_2, %dma_wait3A_1185] : memref<50x4096x128xf32, #tpu.memory_space<hbm>> -> memref<1x128x128xf32, #tpu.memory_space<hbm>>
        %dma_wait3A_1187 = tpu.memref_squeeze %dma_wait3A_1186 : memref<1x128x128xf32, #tpu.memory_space<hbm>> -> memref<128x128xf32, #tpu.memory_space<hbm>>
        tpu.wait_dma2 semaphore(%run_scoped3A_1175 : memref<!tpu.dma_semaphore, #tpu.memory_space<semaphore_mem>>) src(%arg9 : memref<128x128xf32, #tpu.memory_space<vmem>>) dst(%dma_wait3A_1187 : memref<128x128xf32, #tpu.memory_space<hbm>>)
        tpu.yield
      }) : () -> ()
      %add3A_1132 = arith.constant 6 : i32
      %add3A_1133 = arith.addi %add3A_1124, %add3A_1132 : i32
      %lt3A_1134 = arith.constant 50 : i32
      %lt3A_1135 = arith.cmpi slt, %add3A_1133, %lt3A_1134 : i32
      %convert_element_type3A_1136 = arith.extui %lt3A_1135 : i1 to i32
      %cond3A_1137 = arith.constant 0 : i32
      %cond3A_1138 = arith.cmpi ne, %convert_element_type3A_1136, %cond3A_1137 : i32
      scf.if %cond3A_1138 {
        %add3A_1175 = arith.constant 6 : i32
        %add3A_1176 = arith.addi %add3A_1124, %add3A_1175 : i32
        %dma_start3A_1177 = arith.constant 0 : i32
        %dma_start3A_1178 = tpu.memref_slice %arg5[%add3A_1176, %dma_start3A_1177] : memref<50x128xi32, #tpu.memory_space<vmem>> -> memref<1x128xi32, #tpu.memory_space<vmem>>
        %dma_start3A_1179 = tpu.memref_squeeze %dma_start3A_1178 : memref<1x128xi32, #tpu.memory_space<vmem>> -> memref<128xi32, #tpu.memory_space<vmem>>
        %dma_start3A_1180 = arith.constant 0 : i32
        %dma_start3A_1181 = arith.constant 0 : i32
        %dma_start3A_1182 = tpu.memref_slice %arg2[%dma_start3A_1180, %dma_start3A_1181] : memref<100000x128xf32, #tpu.memory_space<hbm>> -> memref<100000x128xf32, #tpu.memory_space<hbm>>
        tpu.enqueue_indirect_dma source(%dma_start3A_1182 : memref<100000x128xf32, #tpu.memory_space<hbm>>) target(%arg9 : memref<128x128xf32, #tpu.memory_space<vmem>>) offsets(%dma_start3A_1179 : memref<128xi32, #tpu.memory_space<vmem>>) semaphore(%arg12 : memref<!tpu.dma_semaphore, #tpu.memory_space<semaphore_mem>>)
      } else {
      }
      %mul3A_1139 = arith.constant 6 : i32
      %mul3A_1140 = arith.muli %mul3A_1139, %scan3A_1069 : i32
      %add3A_1141 = arith.constant 4 : i32
      %add3A_1142 = arith.addi %mul3A_1140, %add3A_1141 : i32
      %dma_wait3A_1143 = arith.constant 0 : i32
      %dma_wait3A_1144 = arith.constant 0 : i32
      %dma_wait3A_1145 = tpu.memref_slice %arg5[%dma_wait3A_1143, %dma_wait3A_1144] : memref<50x128xi32, #tpu.memory_space<vmem>> -> memref<1x128xi32, #tpu.memory_space<vmem>>
      %dma_wait3A_1146 = tpu.memref_squeeze %dma_wait3A_1145 : memref<1x128xi32, #tpu.memory_space<vmem>> -> memref<128xi32, #tpu.memory_space<vmem>>
      %dma_wait3A_1147 = arith.constant 0 : i32
      %dma_wait3A_1148 = arith.constant 0 : i32
      %dma_wait3A_1149 = tpu.memref_slice %arg2[%dma_wait3A_1147, %dma_wait3A_1148] : memref<100000x128xf32, #tpu.memory_space<hbm>> -> memref<100000x128xf32, #tpu.memory_space<hbm>>
      tpu.wait_indirect_dma semaphore(%arg12 : memref<!tpu.dma_semaphore, #tpu.memory_space<semaphore_mem>>) src(%dma_wait3A_1149 : memref<100000x128xf32, #tpu.memory_space<hbm>>) dst(%arg10 : memref<128x128xf32, #tpu.memory_space<vmem>>)
      "tpu.region"() ({
        %run_scoped3A_1175 = tpu.sem_alloc : memref<!tpu.dma_semaphore, #tpu.memory_space<semaphore_mem>>
        %dma_start3A_1176 = arith.constant 0 : i32
        %dma_start3A_1177 = tpu.memref_slice %arg4[%add3A_1142, %mul3A_2, %dma_start3A_1176] : memref<50x4096x128xf32, #tpu.memory_space<hbm>> -> memref<1x128x128xf32, #tpu.memory_space<hbm>>
        %dma_start3A_1178 = tpu.memref_squeeze %dma_start3A_1177 : memref<1x128x128xf32, #tpu.memory_space<hbm>> -> memref<128x128xf32, #tpu.memory_space<hbm>>
        %dma_start3A_1179 = arith.constant 0 : i32
        %dma_start3A_1180 = tpu.memref_slice %arg4[%add3A_1142, %mul3A_2, %dma_start3A_1179] : memref<50x4096x128xf32, #tpu.memory_space<hbm>> -> memref<1x128x128xf32, #tpu.memory_space<hbm>>
        %dma_start3A_1181 = tpu.memref_squeeze %dma_start3A_1180 : memref<1x128x128xf32, #tpu.memory_space<hbm>> -> memref<128x128xf32, #tpu.memory_space<hbm>>
        tpu.enqueue_dma source(%arg10 : memref<128x128xf32, #tpu.memory_space<vmem>>) target(%dma_start3A_1181 : memref<128x128xf32, #tpu.memory_space<hbm>>) target_semaphore(%run_scoped3A_1175 : memref<!tpu.dma_semaphore, #tpu.memory_space<semaphore_mem>>)
        %dma_wait3A_1182 = arith.constant 0 : i32
        %dma_wait3A_1183 = tpu.memref_slice %arg4[%add3A_1142, %mul3A_2, %dma_wait3A_1182] : memref<50x4096x128xf32, #tpu.memory_space<hbm>> -> memref<1x128x128xf32, #tpu.memory_space<hbm>>
        %dma_wait3A_1184 = tpu.memref_squeeze %dma_wait3A_1183 : memref<1x128x128xf32, #tpu.memory_space<hbm>> -> memref<128x128xf32, #tpu.memory_space<hbm>>
        %dma_wait3A_1185 = arith.constant 0 : i32
        %dma_wait3A_1186 = tpu.memref_slice %arg4[%add3A_1142, %mul3A_2, %dma_wait3A_1185] : memref<50x4096x128xf32, #tpu.memory_space<hbm>> -> memref<1x128x128xf32, #tpu.memory_space<hbm>>
        %dma_wait3A_1187 = tpu.memref_squeeze %dma_wait3A_1186 : memref<1x128x128xf32, #tpu.memory_space<hbm>> -> memref<128x128xf32, #tpu.memory_space<hbm>>
        tpu.wait_dma2 semaphore(%run_scoped3A_1175 : memref<!tpu.dma_semaphore, #tpu.memory_space<semaphore_mem>>) src(%arg10 : memref<128x128xf32, #tpu.memory_space<vmem>>) dst(%dma_wait3A_1187 : memref<128x128xf32, #tpu.memory_space<hbm>>)
        tpu.yield
      }) : () -> ()
      %add3A_1150 = arith.constant 6 : i32
      %add3A_1151 = arith.addi %add3A_1142, %add3A_1150 : i32
      %lt3A_1152 = arith.constant 50 : i32
      %lt3A_1153 = arith.cmpi slt, %add3A_1151, %lt3A_1152 : i32
      %convert_element_type3A_1154 = arith.extui %lt3A_1153 : i1 to i32
      %cond3A_1155 = arith.constant 0 : i32
      %cond3A_1156 = arith.cmpi ne, %convert_element_type3A_1154, %cond3A_1155 : i32
      scf.if %cond3A_1156 {
        %add3A_1175 = arith.constant 6 : i32
        %add3A_1176 = arith.addi %add3A_1142, %add3A_1175 : i32
        %dma_start3A_1177 = arith.constant 0 : i32
        %dma_start3A_1178 = tpu.memref_slice %arg5[%add3A_1176, %dma_start3A_1177] : memref<50x128xi32, #tpu.memory_space<vmem>> -> memref<1x128xi32, #tpu.memory_space<vmem>>
        %dma_start3A_1179 = tpu.memref_squeeze %dma_start3A_1178 : memref<1x128xi32, #tpu.memory_space<vmem>> -> memref<128xi32, #tpu.memory_space<vmem>>
        %dma_start3A_1180 = arith.constant 0 : i32
        %dma_start3A_1181 = arith.constant 0 : i32
        %dma_start3A_1182 = tpu.memref_slice %arg2[%dma_start3A_1180, %dma_start3A_1181] : memref<100000x128xf32, #tpu.memory_space<hbm>> -> memref<100000x128xf32, #tpu.memory_space<hbm>>
        tpu.enqueue_indirect_dma source(%dma_start3A_1182 : memref<100000x128xf32, #tpu.memory_space<hbm>>) target(%arg10 : memref<128x128xf32, #tpu.memory_space<vmem>>) offsets(%dma_start3A_1179 : memref<128xi32, #tpu.memory_space<vmem>>) semaphore(%arg12 : memref<!tpu.dma_semaphore, #tpu.memory_space<semaphore_mem>>)
      } else {
      }
      %mul3A_1157 = arith.constant 6 : i32
      %mul3A_1158 = arith.muli %mul3A_1157, %scan3A_1069 : i32
      %add3A_1159 = arith.constant 5 : i32
      %add3A_1160 = arith.addi %mul3A_1158, %add3A_1159 : i32
      %dma_wait3A_1161 = arith.constant 0 : i32
      %dma_wait3A_1162 = arith.constant 0 : i32
      %dma_wait3A_1163 = tpu.memref_slice %arg5[%dma_wait3A_1161, %dma_wait3A_1162] : memref<50x128xi32, #tpu.memory_space<vmem>> -> memref<1x128xi32, #tpu.memory_space<vmem>>
      %dma_wait3A_1164 = tpu.memref_squeeze %dma_wait3A_1163 : memref<1x128xi32, #tpu.memory_space<vmem>> -> memref<128xi32, #tpu.memory_space<vmem>>
      %dma_wait3A_1165 = arith.constant 0 : i32
      %dma_wait3A_1166 = arith.constant 0 : i32
      %dma_wait3A_1167 = tpu.memref_slice %arg2[%dma_wait3A_1165, %dma_wait3A_1166] : memref<100000x128xf32, #tpu.memory_space<hbm>> -> memref<100000x128xf32, #tpu.memory_space<hbm>>
      tpu.wait_indirect_dma semaphore(%arg12 : memref<!tpu.dma_semaphore, #tpu.memory_space<semaphore_mem>>) src(%dma_wait3A_1167 : memref<100000x128xf32, #tpu.memory_space<hbm>>) dst(%arg11 : memref<128x128xf32, #tpu.memory_space<vmem>>)
      "tpu.region"() ({
        %run_scoped3A_1175 = tpu.sem_alloc : memref<!tpu.dma_semaphore, #tpu.memory_space<semaphore_mem>>
        %dma_start3A_1176 = arith.constant 0 : i32
        %dma_start3A_1177 = tpu.memref_slice %arg4[%add3A_1160, %mul3A_2, %dma_start3A_1176] : memref<50x4096x128xf32, #tpu.memory_space<hbm>> -> memref<1x128x128xf32, #tpu.memory_space<hbm>>
        %dma_start3A_1178 = tpu.memref_squeeze %dma_start3A_1177 : memref<1x128x128xf32, #tpu.memory_space<hbm>> -> memref<128x128xf32, #tpu.memory_space<hbm>>
        %dma_start3A_1179 = arith.constant 0 : i32
        %dma_start3A_1180 = tpu.memref_slice %arg4[%add3A_1160, %mul3A_2, %dma_start3A_1179] : memref<50x4096x128xf32, #tpu.memory_space<hbm>> -> memref<1x128x128xf32, #tpu.memory_space<hbm>>
        %dma_start3A_1181 = tpu.memref_squeeze %dma_start3A_1180 : memref<1x128x128xf32, #tpu.memory_space<hbm>> -> memref<128x128xf32, #tpu.memory_space<hbm>>
        tpu.enqueue_dma source(%arg11 : memref<128x128xf32, #tpu.memory_space<vmem>>) target(%dma_start3A_1181 : memref<128x128xf32, #tpu.memory_space<hbm>>) target_semaphore(%run_scoped3A_1175 : memref<!tpu.dma_semaphore, #tpu.memory_space<semaphore_mem>>)
        %dma_wait3A_1182 = arith.constant 0 : i32
        %dma_wait3A_1183 = tpu.memref_slice %arg4[%add3A_1160, %mul3A_2, %dma_wait3A_1182] : memref<50x4096x128xf32, #tpu.memory_space<hbm>> -> memref<1x128x128xf32, #tpu.memory_space<hbm>>
        %dma_wait3A_1184 = tpu.memref_squeeze %dma_wait3A_1183 : memref<1x128x128xf32, #tpu.memory_space<hbm>> -> memref<128x128xf32, #tpu.memory_space<hbm>>
        %dma_wait3A_1185 = arith.constant 0 : i32
        %dma_wait3A_1186 = tpu.memref_slice %arg4[%add3A_1160, %mul3A_2, %dma_wait3A_1185] : memref<50x4096x128xf32, #tpu.memory_space<hbm>> -> memref<1x128x128xf32, #tpu.memory_space<hbm>>
        %dma_wait3A_1187 = tpu.memref_squeeze %dma_wait3A_1186 : memref<1x128x128xf32, #tpu.memory_space<hbm>> -> memref<128x128xf32, #tpu.memory_space<hbm>>
        tpu.wait_dma2 semaphore(%run_scoped3A_1175 : memref<!tpu.dma_semaphore, #tpu.memory_space<semaphore_mem>>) src(%arg11 : memref<128x128xf32, #tpu.memory_space<vmem>>) dst(%dma_wait3A_1187 : memref<128x128xf32, #tpu.memory_space<hbm>>)
        tpu.yield
      }) : () -> ()
      %add3A_1168 = arith.constant 6 : i32
      %add3A_1169 = arith.addi %add3A_1160, %add3A_1168 : i32
      %lt3A_1170 = arith.constant 50 : i32
      %lt3A_1171 = arith.cmpi slt, %add3A_1169, %lt3A_1170 : i32
      %convert_element_type3A_1172 = arith.extui %lt3A_1171 : i1 to i32
      %cond3A_1173 = arith.constant 0 : i32
      %cond3A_1174 = arith.cmpi ne, %convert_element_type3A_1172, %cond3A_1173 : i32
      scf.if %cond3A_1174 {
        %add3A_1175 = arith.constant 6 : i32
        %add3A_1176 = arith.addi %add3A_1160, %add3A_1175 : i32
        %dma_start3A_1177 = arith.constant 0 : i32
        %dma_start3A_1178 = tpu.memref_slice %arg5[%add3A_1176, %dma_start3A_1177] : memref<50x128xi32, #tpu.memory_space<vmem>> -> memref<1x128xi32, #tpu.memory_space<vmem>>
        %dma_start3A_1179 = tpu.memref_squeeze %dma_start3A_1178 : memref<1x128xi32, #tpu.memory_space<vmem>> -> memref<128xi32, #tpu.memory_space<vmem>>
        %dma_start3A_1180 = arith.constant 0 : i32
        %dma_start3A_1181 = arith.constant 0 : i32
        %dma_start3A_1182 = tpu.memref_slice %arg2[%dma_start3A_1180, %dma_start3A_1181] : memref<100000x128xf32, #tpu.memory_space<hbm>> -> memref<100000x128xf32, #tpu.memory_space<hbm>>
        tpu.enqueue_indirect_dma source(%dma_start3A_1182 : memref<100000x128xf32, #tpu.memory_space<hbm>>) target(%arg11 : memref<128x128xf32, #tpu.memory_space<vmem>>) offsets(%dma_start3A_1179 : memref<128xi32, #tpu.memory_space<vmem>>) semaphore(%arg12 : memref<!tpu.dma_semaphore, #tpu.memory_space<semaphore_mem>>)
      } else {
      }
    }
    %scan3A_1053 = arith.constant 8 : i32
    %dma_wait3A_1054 = arith.constant 0 : i32
    %dma_wait3A_1055 = arith.constant 0 : i32
    %dma_wait3A_1056 = tpu.memref_slice %arg5[%dma_wait3A_1054, %dma_wait3A_1055] : memref<50x128xi32, #tpu.memory_space<vmem>> -> memref<1x128xi32, #tpu.memory_space<vmem>>
    %dma_wait3A_1057 = tpu.memref_squeeze %dma_wait3A_1056 : memref<1x128xi32, #tpu.memory_space<vmem>> -> memref<128xi32, #tpu.memory_space<vmem>>
    %dma_wait3A_1058 = arith.constant 0 : i32
    %dma_wait3A_1059 = arith.constant 0 : i32
    %dma_wait3A_1060 = tpu.memref_slice %arg2[%dma_wait3A_1058, %dma_wait3A_1059] : memref<100000x128xf32, #tpu.memory_space<hbm>> -> memref<100000x128xf32, #tpu.memory_space<hbm>>
    tpu.wait_indirect_dma semaphore(%arg12 : memref<!tpu.dma_semaphore, #tpu.memory_space<semaphore_mem>>) src(%dma_wait3A_1060 : memref<100000x128xf32, #tpu.memory_space<hbm>>) dst(%arg6 : memref<128x128xf32, #tpu.memory_space<vmem>>)
    %run_scoped3A = arith.constant 48 : i32
    "tpu.region"() ({
      %run_scoped3A_1069 = tpu.sem_alloc : memref<!tpu.dma_semaphore, #tpu.memory_space<semaphore_mem>>
      %dma_start3A_1070 = arith.constant 0 : i32
      %dma_start3A_1071 = tpu.memref_slice %arg4[%run_scoped3A, %mul3A_2, %dma_start3A_1070] : memref<50x4096x128xf32, #tpu.memory_space<hbm>> -> memref<1x128x128xf32, #tpu.memory_space<hbm>>
      %dma_start3A_1072 = tpu.memref_squeeze %dma_start3A_1071 : memref<1x128x128xf32, #tpu.memory_space<hbm>> -> memref<128x128xf32, #tpu.memory_space<hbm>>
      %dma_start3A_1073 = arith.constant 0 : i32
      %dma_start3A_1074 = tpu.memref_slice %arg4[%run_scoped3A, %mul3A_2, %dma_start3A_1073] : memref<50x4096x128xf32, #tpu.memory_space<hbm>> -> memref<1x128x128xf32, #tpu.memory_space<hbm>>
      %dma_start3A_1075 = tpu.memref_squeeze %dma_start3A_1074 : memref<1x128x128xf32, #tpu.memory_space<hbm>> -> memref<128x128xf32, #tpu.memory_space<hbm>>
      tpu.enqueue_dma source(%arg6 : memref<128x128xf32, #tpu.memory_space<vmem>>) target(%dma_start3A_1075 : memref<128x128xf32, #tpu.memory_space<hbm>>) target_semaphore(%run_scoped3A_1069 : memref<!tpu.dma_semaphore, #tpu.memory_space<semaphore_mem>>)
      %dma_wait3A_1076 = arith.constant 0 : i32
      %dma_wait3A_1077 = tpu.memref_slice %arg4[%run_scoped3A, %mul3A_2, %dma_wait3A_1076] : memref<50x4096x128xf32, #tpu.memory_space<hbm>> -> memref<1x128x128xf32, #tpu.memory_space<hbm>>
      %dma_wait3A_1078 = tpu.memref_squeeze %dma_wait3A_1077 : memref<1x128x128xf32, #tpu.memory_space<hbm>> -> memref<128x128xf32, #tpu.memory_space<hbm>>
      %dma_wait3A_1079 = arith.constant 0 : i32
      %dma_wait3A_1080 = tpu.memref_slice %arg4[%run_scoped3A, %mul3A_2, %dma_wait3A_1079] : memref<50x4096x128xf32, #tpu.memory_space<hbm>> -> memref<1x128x128xf32, #tpu.memory_space<hbm>>
      %dma_wait3A_1081 = tpu.memref_squeeze %dma_wait3A_1080 : memref<1x128x128xf32, #tpu.memory_space<hbm>> -> memref<128x128xf32, #tpu.memory_space<hbm>>
      tpu.wait_dma2 semaphore(%run_scoped3A_1069 : memref<!tpu.dma_semaphore, #tpu.memory_space<semaphore_mem>>) src(%arg6 : memref<128x128xf32, #tpu.memory_space<vmem>>) dst(%dma_wait3A_1081 : memref<128x128xf32, #tpu.memory_space<hbm>>)
      tpu.yield
    }) : () -> ()
    %dma_wait3A_1061 = arith.constant 0 : i32
    %dma_wait3A_1062 = arith.constant 0 : i32
    %dma_wait3A_1063 = tpu.memref_slice %arg5[%dma_wait3A_1061, %dma_wait3A_1062] : memref<50x128xi32, #tpu.memory_space<vmem>> -> memref<1x128xi32, #tpu.memory_space<vmem>>
    %dma_wait3A_1064 = tpu.memref_squeeze %dma_wait3A_1063 : memref<1x128xi32, #tpu.memory_space<vmem>> -> memref<128xi32, #tpu.memory_space<vmem>>
    %dma_wait3A_1065 = arith.constant 0 : i32
    %dma_wait3A_1066 = arith.constant 0 : i32
    %dma_wait3A_1067 = tpu.memref_slice %arg2[%dma_wait3A_1065, %dma_wait3A_1066] : memref<100000x128xf32, #tpu.memory_space<hbm>> -> memref<100000x128xf32, #tpu.memory_space<hbm>>
    tpu.wait_indirect_dma semaphore(%arg12 : memref<!tpu.dma_semaphore, #tpu.memory_space<semaphore_mem>>) src(%dma_wait3A_1067 : memref<100000x128xf32, #tpu.memory_space<hbm>>) dst(%arg7 : memref<128x128xf32, #tpu.memory_space<vmem>>)
    %run_scoped3A_1068 = arith.constant 49 : i32
    "tpu.region"() ({
      %run_scoped3A_1069 = tpu.sem_alloc : memref<!tpu.dma_semaphore, #tpu.memory_space<semaphore_mem>>
      %dma_start3A_1070 = arith.constant 0 : i32
      %dma_start3A_1071 = tpu.memref_slice %arg4[%run_scoped3A_1068, %mul3A_2, %dma_start3A_1070] : memref<50x4096x128xf32, #tpu.memory_space<hbm>> -> memref<1x128x128xf32, #tpu.memory_space<hbm>>
      %dma_start3A_1072 = tpu.memref_squeeze %dma_start3A_1071 : memref<1x128x128xf32, #tpu.memory_space<hbm>> -> memref<128x128xf32, #tpu.memory_space<hbm>>
      %dma_start3A_1073 = arith.constant 0 : i32
      %dma_start3A_1074 = tpu.memref_slice %arg4[%run_scoped3A_1068, %mul3A_2, %dma_start3A_1073] : memref<50x4096x128xf32, #tpu.memory_space<hbm>> -> memref<1x128x128xf32, #tpu.memory_space<hbm>>
      %dma_start3A_1075 = tpu.memref_squeeze %dma_start3A_1074 : memref<1x128x128xf32, #tpu.memory_space<hbm>> -> memref<128x128xf32, #tpu.memory_space<hbm>>
      tpu.enqueue_dma source(%arg7 : memref<128x128xf32, #tpu.memory_space<vmem>>) target(%dma_start3A_1075 : memref<128x128xf32, #tpu.memory_space<hbm>>) target_semaphore(%run_scoped3A_1069 : memref<!tpu.dma_semaphore, #tpu.memory_space<semaphore_mem>>)
      %dma_wait3A_1076 = arith.constant 0 : i32
      %dma_wait3A_1077 = tpu.memref_slice %arg4[%run_scoped3A_1068, %mul3A_2, %dma_wait3A_1076] : memref<50x4096x128xf32, #tpu.memory_space<hbm>> -> memref<1x128x128xf32, #tpu.memory_space<hbm>>
      %dma_wait3A_1078 = tpu.memref_squeeze %dma_wait3A_1077 : memref<1x128x128xf32, #tpu.memory_space<hbm>> -> memref<128x128xf32, #tpu.memory_space<hbm>>
      %dma_wait3A_1079 = arith.constant 0 : i32
      %dma_wait3A_1080 = tpu.memref_slice %arg4[%run_scoped3A_1068, %mul3A_2, %dma_wait3A_1079] : memref<50x4096x128xf32, #tpu.memory_space<hbm>> -> memref<1x128x128xf32, #tpu.memory_space<hbm>>
      %dma_wait3A_1081 = tpu.memref_squeeze %dma_wait3A_1080 : memref<1x128x128xf32, #tpu.memory_space<hbm>> -> memref<128x128xf32, #tpu.memory_space<hbm>>
      tpu.wait_dma2 semaphore(%run_scoped3A_1069 : memref<!tpu.dma_semaphore, #tpu.memory_space<semaphore_mem>>) src(%arg7 : memref<128x128xf32, #tpu.memory_space<vmem>>) dst(%dma_wait3A_1081 : memref<128x128xf32, #tpu.memory_space<hbm>>)
      tpu.yield
    }) : () -> ()
    return
  }
}

module attributes {stable_mosaic.version = 14 : i64} {
  func.func @body(%arg0: i32, %arg1: memref<1x4096x128xf32, #tpu.memory_space<vmem>>, %arg2: memref<1x64x4096xf32, #tpu.memory_space<vmem>>) attributes {dimension_semantics = [#tpu.dimension_semantics<arbitrary>], iteration_bounds = array<i64: 50>, scalar_prefetch = 0 : i64, scratch_operands = 0 : i64, tpu.core_type = #tpu.core_type<tc>, window_params = [{transform_indices = @transform_0, window_bounds = array<i64: 1, 4096, 128>}, {transform_indices = @transform_1, window_bounds = array<i64: 1, 64, 4096>}]} {
    %get3A = arith.constant 0 : index
    %get3A_0 = arith.constant 0 : index
    %get3A_1 = arith.constant 0 : index
    %get3A_2 = vector.load %arg1[%get3A, %get3A_0, %get3A_1] : memref<1x4096x128xf32, #tpu.memory_space<vmem>>, vector<1x4096x128xf32>
    %get3A_3 = vector.shape_cast %get3A_2 : vector<1x4096x128xf32> to vector<4096x128xf32>
    %slice3A = vector.extract_strided_slice %get3A_3 {offsets = [0, 0], sizes = [4096, 64], strides = [1, 1]} : vector<4096x128xf32> to vector<4096x64xf32>
    %transpose3A = tpu.transpose %slice3A, [1, 0] : vector<4096x64xf32> -> vector<64x4096xf32>
    %swap3A = arith.constant 0 : index
    %swap3A_4 = arith.constant 0 : index
    %swap3A_5 = arith.constant 0 : index
    %swap3A_6 = vector.load %arg2[%swap3A, %swap3A_4, %swap3A_5] : memref<1x64x4096xf32, #tpu.memory_space<vmem>>, vector<1x64x4096xf32>
    %swap3A_7 = vector.shape_cast %swap3A_6 : vector<1x64x4096xf32> to vector<64x4096xf32>
    %swap3A_8 = vector.shape_cast %transpose3A : vector<64x4096xf32> to vector<1x64x4096xf32>
    tpu.vector_store %arg2[%swap3A, %swap3A_4, %swap3A_5], %swap3A_8 {strides = array<i32>} : memref<1x64x4096xf32, #tpu.memory_space<vmem>>, vector<1x64x4096xf32>,
    return
  }
  func.func @transform_0(%arg0: i32) -> (i32, i32, i32) {
    %c0_i32 = arith.constant 0 : i32
    %c0_i32_0 = arith.constant 0 : i32
    %c0_i32_1 = arith.constant 0 : i32
    return %arg0, %c0_i32, %c0_i32_0 : i32, i32, i32
  }
  func.func @transform_1(%arg0: i32) -> (i32, i32, i32) {
    %c0_i32 = arith.constant 0 : i32
    %c0_i32_0 = arith.constant 0 : i32
    %c0_i32_1 = arith.constant 0 : i32
    return %arg0, %c0_i32, %c0_i32_0 : i32, i32, i32
  }
}

</mosaic_0001>

<sc_bundles>
// kernel: kernel.4.cloned.1.call-start
scs
__scs_entry_jumppad:
0x0: {  	(pc) =	sbr.rel $0x88, $3  }
0x1: {  	(tag) =	ssettag $0x0;
	lr =	simm.s32 $0x1  }
0x2: {  	[smem:$0x3F9F] =	sst lr;
	_ =	strace $0xD0000000  }
0x3: {  	_ = 	snop  }
0x4: {  	_ = 	snop  }
0x5: {  	_ = 	snop  }
0x6: {  	_ = 	snop  }
0x7: {  	_ = 	snop  }
__scs_overlays_trampoline_lowered:
0x8: {  	[smem:$0x3FAE] =	sst s0  }
0x9: {  	[smem:$0x3FAF] =	sst s1  }
0xa: {  	[smem:$0x3FB0] =	sst s2  }
0xb: {  	[smem:$0x3FB1] =	sst s3  }
0xc: {  	[smem:$0x3FB2] =	sst s4  }
0xd: {  	[smem:$0x3FB3] =	sst s5  }
0xe: {  	[smem:$0x3FB4] =	sst s6  }
0xf: {  	[smem:$0x3FB5] =	sst s7  }
0x10: {  	[smem:$0x3FB6] =	sst s8  }
0x11: {  	[smem:$0x3FB7] =	sst s9;
	s0 =	simm.s32 @!p0 $0x0  }
0x12: {  	s1 =	sld [smem:$0x3F9D];
	s0 =	simm.s32 @p0 $0x1  }
0x13: {  	[smem:$0x3FB8] =	sst s0;
	s0 =	simm.s32 @!p1 $0x0  }
0x14: {  	s2 =	sld [smem:$0x3F9C];
	s0 =	simm.s32 @p1 $0x1  }
0x15: {  	[smem:$0x3FB9] =	sst s0;
	s0 =	simm.s32 @!p2 $0x0  }
0x16: {  	s3 =	sld [smem:$0x3FDB];
	s0 =	simm.s32 @p2 $0x1  }
0x17: {  	s4 =	simm.s32 $0x1BF5;
	[smem:$0x3FBB] =	sst s0  }
0x18: {  	s0 =	sld [smem:$0x3F9E];
	_ =	swait.ge [sflag:s4], $0x0  }
0x19: {  	s7 =	sld [smem:$0x3F9F]  }
0x1a: {  	s8 =	sadd.s32 $0xFFFFE003, lr  }
0x1b: {  	s9 =	sadd.s32 $0xFFFFFEF7, lr;
	s5 =	simm.s32 $0xFFFFFFFF;
	p2 =	slt.u32 s8, $0xFFFFF086  }
0x1c: {  	p1 =	slt.u32 s9, $0xF7A;
	s5 =	simm.s32 @!p2 $0x0  }
0x1d: {  	s5 =	simm.s32 @p1 $0x1;
	p0 =	seq.s32 s7, s2  }
0x1e: {  	s7 =	smul.u32 @!p0 $0xF7A, s2;
	p2 =	seq.s32 @!p0 s5, $0x0  }
0x1f: {  	s9 =	smul.u32 $0xF7A, s1;
	s8 =	simm.s32 @!p0 $0x1BF5;
	p2 =	por !p2, p0  }
0x20: {  	[sflag:s8] =	ssyncset.s32 @!p0 $0xFFFFF086;
	s6 =	sadd.s32 @!p0 s3, s7;
	s7 =	simm.s32 @!p0 $0x108  }
0x21: {  	s3 =	sadd.s32 s3, s9;
	s6 =	sadd.s32 @!p0 $0x88, s6;
	s7 =	simm.s32 @p2 $0x1082  }
0x22: {  	[simem:s7], [sflag:s8] =	dma.local @!p0 [hbm:s6], $0xF7A  }
0x23: {  	s9 =	sor.u32 $0xD0000000, s2;
	s6 =	simm.s32 $0x108;
	_ =	swait.ge @!p0 [sflag:s8], $0x0  }
0x24: {  	s3 =	sadd.s32 $0x88, s3;
	s6 =	simm.s32 @!p1 $0x1082;
	[sflag:s4] =	ssyncset.s32 $0xFFFFF086  }
0x25: {  	[simem:s6], [sflag:s4] =	dma.local [hbm:s3], $0xF7A  }
0x26: {  	[smem:$0x3F9F] =	sst s1;
	(tag) =	ssettag s2;
	_ =	strace s9  }
0x27: {  	s1 =	sld [smem:$0x3FAF]  }
0x28: {  	s2 =	sld [smem:$0x3FB0]  }
0x29: {  	s4 =	sld [smem:$0x3FB2]  }
0x2a: {  	p0 =	seq.s32 s5, $0x0;
	s5 =	sld [smem:$0x3FB3]  }
0x2b: {  	s6 =	sld [smem:$0x3FB4]  }
0x2c: {  	s7 =	sld [smem:$0x3FB5]  }
0x2d: {  	s3 =	simm.s32 $0x108;
	s8 =	sld [smem:$0x3FB6]  }
0x2e: {  	s3 =	simm.s32 @!p0 $0x1082;
	s9 =	sld [smem:$0x3FB7]  }
0x2f: {  	lr =	sadd.s32 s0, s3;
	s0 =	sld [smem:$0x3FAE]  }
0x30: {  	s3 =	sld [smem:$0x3FB1]  }
0x31: {  	[smem:$0x3FBA] =	sst s10  }
0x32: {  	s10 =	sld [smem:$0x3FB8];
	_ =	sdelay $0x3  }
0x33: {  	p0 =	seq.s32 s10, $0x1;
	s10 =	sld [smem:$0x3FBA];
	_ =	sdelay $0x3  }
0x34: {  	[smem:$0x3FBA] =	sst s10  }
0x35: {  	s10 =	sld [smem:$0x3FB9];
	_ =	sdelay $0x3  }
0x36: {  	p1 =	seq.s32 s10, $0x1;
	s10 =	sld [smem:$0x3FBA];
	_ =	sdelay $0x3  }
0x37: {  	[smem:$0x3FBA] =	sst s10  }
0x38: {  	s10 =	sld [smem:$0x3FBB]  }
0x39: {  	_ = 	snop;
	(pc) =	sbr.ind lr, $3  }
0x3a: {  	_ = 	snop  }
0x3b: {  	_ = 	snop  }
0x3c: {  	p2 =	seq.s32 s10, $0x1;
	s10 =	sld [smem:$0x3FBA]  }
0x3d: {  	_ =	shalt  }
0x3e: {  	_ =	shalt  }
0x3f: {  	_ =	shalt  }
0x40: {  	_ =	shalt  }
0x41: {  	_ =	shalt  }
0x42: {  	_ =	shalt  }
0x43: {  	_ =	shalt  }
0x44: {  	_ =	shalt  }
0x45: {  	_ =	shalt  }
0x46: {  	_ =	shalt  }
0x47: {  	_ =	shalt  }
0x48: {  	_ =	shalt  }
0x49: {  	_ =	shalt  }
0x4a: {  	_ =	shalt  }
0x4b: {  	_ =	shalt  }
0x4c: {  	_ =	shalt  }
0x4d: {  	_ =	shalt  }
0x4e: {  	_ =	shalt  }
0x4f: {  	_ =	shalt  }
0x50: {  	_ =	shalt  }
0x51: {  	_ =	shalt  }
0x52: {  	_ =	shalt  }
0x53: {  	_ =	shalt  }
0x54: {  	_ =	shalt  }
0x55: {  	_ =	shalt  }
0x56: {  	_ =	shalt  }
0x57: {  	_ =	shalt  }
0x58: {  	_ =	shalt  }
0x59: {  	_ =	shalt  }
0x5a: {  	_ =	shalt  }
0x5b: {  	_ =	shalt  }
0x5c: {  	_ =	shalt  }
0x5d: {  	_ =	shalt  }
0x5e: {  	_ =	shalt  }
0x5f: {  	_ =	shalt  }
0x60: {  	_ =	shalt  }
0x61: {  	_ =	shalt  }
0x62: {  	_ =	shalt  }
0x63: {  	_ =	shalt  }
0x64: {  	_ =	shalt  }
0x65: {  	_ =	shalt  }
0x66: {  	_ =	shalt  }
0x67: {  	_ =	shalt  }
0x68: {  	_ =	shalt  }
0x69: {  	_ =	shalt  }
0x6a: {  	_ =	shalt  }
0x6b: {  	_ =	shalt  }
0x6c: {  	_ =	shalt  }
0x6d: {  	_ =	shalt  }
0x6e: {  	_ =	shalt  }
0x6f: {  	_ =	shalt  }
0x70: {  	_ =	shalt  }
0x71: {  	_ =	shalt  }
0x72: {  	_ =	shalt  }
0x73: {  	_ =	shalt  }
0x74: {  	_ =	shalt  }
0x75: {  	_ =	shalt  }
0x76: {  	_ =	shalt  }
0x77: {  	_ =	shalt  }
0x78: {  	_ =	shalt  }
0x79: {  	_ =	shalt  }
0x7a: {  	_ =	shalt  }
0x7b: {  	_ =	shalt  }
0x7c: {  	_ =	shalt  }
0x7d: {  	_ =	shalt  }
0x7e: {  	_ =	shalt  }
0x7f: {  	_ =	shalt  }
0x80: {  	_ =	shalt  }
0x81: {  	_ =	shalt  }
0x82: {  	_ =	shalt  }
0x83: {  	_ =	shalt  }
0x84: {  	_ =	shalt  }
0x85: {  	_ =	shalt  }
0x86: {  	_ =	shalt  }
0x87: {  	_ =	shalt  }
.Lfunc_end0:
.L_simem_size_0:
called_computation_lowered:
.L_overlay_start_0:
0x88: {  	s2 =	sld [smem:$0x3FD9]  }
0x89: {  	s3 =	sld [smem:$0x3FFE];
	_ =	sdelay $0x1  }
0x8a: {  	s1 =	srdreg.scid  }
0x8b: {  	s0 =	sand.u32 $0x1, s1  }
0x8c: {  	s16 =	sshll.u32 s0, $0xA;
	s2 =	sadd.s32 s3, s2  }
0x8d: {  	s2 =	sadd.s32 s2, s16  }
0x8e: {  	[smem:$0x3FC6] =	sst s2  }
0x8f: {  	_ = 	snop  }
0x90: {  	(tm) =	ssettm $0x1  }
0x91: {  	s17 =	sld [smem:$0x3FFB];
	_ =	sdelay $0x3  }
0x92: {  	_ =	strace s17  }
0x93: {  	s2 =	sld [smem:$0x3FFC];
	_ =	sdelay $0x3  }
0x94: {  	_ =	strace s2  }
0x95: {  	s2 =	sld [smem:$0x3FFD];
	_ =	sdelay $0x3  }
0x96: {  	_ =	strace s2  }
0x97: {  	_ =	strace $0x8FFFFFFF  }
0x98: {  	s18 =	sld [smem:$0x3FDB];
	_ =	sdelay $0x1  }
0x99: {  	s19 =	simm.s32 $_scs_section_size  }
0x9a: {  	s4 =	simm.s32 $_size__tile_overlayer_lowered;
	s5 =	simm.s32 $_tile_overlayer_lowered  }
0x9b: {  	s22 =	simm.s32 $0x1BFF;
	s21 =	sshll.u32 s5, $0x1;
	s2 =	sadd.s32 s19, s18  }
0x9c: {  	s6 =	simm.s32 $0x0;
	s20 =	sshll.u32 s4, $0x1;
	s4 =	sadd.s32 s21, s2  }
0x9d: {  	[timem:s6], [sflag:s22] =	dma.local [hbm:s4], s20  }
0x9e: {  	_ =	swait.ge [sflag:s22], s20  }
0x9f: {  	s3 =	ssub.s32 $0x0, s20;
	[sflag:s22] =	ssyncset.done $0x0  }
0xa0: {  	[sflag:s22] =	ssyncadd.s32 s3;
	_ =	sdelay $0x1  }
0xa1: {  	s23 =	simm.s32 $0x1B8B  }
0xa2: {  	_ =	swait.ge [sflag:s23], $0x1  }
0xa3: {  	[sflag:s23] =	ssyncset.done $0x0  }
0xa4: {  	s25 =	simm.s32 $0x1B8E;
	s24 =	sld [smem:$0x3FFE];
	[sflag:s23] =	ssyncadd.s32 $0xFFFFFFFF  }
0xa5: {  	s26 =	simm.s32 $execute0_lowered;
	[smem:$0x3FD2] =	sst s25  }
0xa6: {  	s4 =	sshll.u32 s26, $0x1;
	_ =	strace $0x80000046;
	[dreg:$0x1] =	wrdreg $0xFFFFFFFF  }
0xa7: {  	s28 =	simm.s32 $_size_execute0_lowered;
	s2 =	sadd.s32 s2, s4;
	[dreg:$0x0] =	wrdreg $0x0  }
0xa8: {  	s4 =	sshll.u32 s28, $0x1;
	[dreg:$0x2] =	wrdreg s2  }
0xa9: {  	[dreg:$0x3] =	wrdreg s4  }
0xaa: {  	[dreg:$0x4] =	wrdreg $0xC0  }
0xab: {  	_ =	task [dreg:s6], $0x5FFFF  }
0xac: {  	[dreg:$0x1] =	wrdreg $0xFFFFFFFF  }
0xad: {  	[dreg:$0x0] =	wrdreg $0x60  }
0xae: {  	[dreg:$0x2] =	wrdreg s24  }
0xaf: {  	[dreg:$0x3] =	wrdreg $0x9  }
0xb0: {  	_ =	task.clear_ibuf [dreg:s6], $0x4FFFF;
	_ =	strace $0x90000046  }
0xb1: {  	s29 =	simm.s32 $0x9;
	_ =	strace $0x80000048  }
0xb2: {  	_ =	swait.ge [sflag:s29], $0x1  }
0xb3: {  	[sflag:s29] =	ssyncadd.s32 $0xFFFFFFFF  }
0xb4: {  	_ =	strace $0x90000048  }
0xb5: {  	_ =	sfence  }
0xb6: {  	s30 =	sld [smem:$0x0];
	_ =	sdelay $0x2  }
0xb7: {  	s31 =	sshll.u32 s1, $0xD;
	s1 =	sshrl.u32 s1, $0x2  }
0xb8: {  	s3 =	sand.u32 $0x4000, s31;
	s1 =	sadd.s32 s1, s30  }
0xb9: {  	s0 =	sor.u32 s3, s0;
	s1 =	sshll.u32 s1, $0x11  }
0xba: {  	s0 =	sor.u32 s1, s0  }
0xbb: {  	s0 =	sadd.s32 $0x8F2B, s0  }
0xbc: {  	[sflag:s0] =	ssyncadd.remote.s32 $0x1  }
0xbd: {  	_ =	sfence.sel $0xFFFF  }
0xbe: {  	[dreg:$0x0] =	wrdreg $0xFFFFFFFF;
	(pc) =	sbr.abs _section_cstart, $3  }
0xbf: {  	[dreg:$0x1] =	wrdreg $0xFFFFFFFF  }
0xc0: {  	_ =	task.clear_ibuf [dreg:s6], $0x2FFFF;
	_ =	strace $0x9FFFFFFF  }
0xc1: {  	(tm) =	ssettm $0x7FFFFFFF  }
tec
execute0_lowered:
.L_overlay_start_1:
0x0: {  	(tag) =	ssettag $0x1  }
0x1: {  	s1 =	srdreg.scid  }
0x2: {  	s9 =	stileid.u32;
	s1 =	sand.u32 $0x1, s1  }
0x3: {  	s4 =	sshll.u32 s9, $0x7;
	s3 =	sshll.u32 s1, $0xB  }
0x4: {  	s4 =	sor.u32 s4, s3  }
0x5: {  	s0 =	rddreg [dreg:$0x0];
	s5 =	sshrl.u32 s4, $0x3  }
0x6: {  	s2 =	simm.s32 $0x0;
	s5 =	sadd.s32 s5, s0  }
0x7: {  	[smem:$0x7FF] =	sst s2;
	s19 =	sshll.u32 s9, $0xE;
	s10 =	sadd.s32 $0x400, s5  }
0x8: {  	_ =	strace $0x80000047;
	s11 =	sadd.s32 $0x600, s5;
	[dreg:$0x2] =	wrdreg s10  }
0x9: {  	s6 =	ssub.s32 $0x2, s1;
	s12 =	sadd.s32 $0x800, s5;
	[dreg:$0x3] =	wrdreg s11  }
0xa: {  	s1 =	sshll.u32 s1, $0x12;
	s13 =	sadd.s32 $0xA00, s5;
	[dreg:$0x4] =	wrdreg s12  }
0xb: {  	s3 =	sadd.s32 $0x6800, s0;
	s14 =	sadd.s32 $0xC00, s5;
	[dreg:$0x5] =	wrdreg s13  }
0xc: {  	s7 =	sshrl.u32 s6, $0x1;
	s15 =	sadd.s32 $0xE00, s5;
	[dreg:$0x6] =	wrdreg s14  }
0xd: {  	s1 =	sor.u32 s19, s1;
	s16 =	sadd.s32 $0x1000, s5;
	[dreg:$0x7] =	wrdreg s15  }
0xe: {  	s8 =	ssub.s32 s6, s7;
	s17 =	sadd.s32 $0x1200, s5;
	[dreg:$0x8] =	wrdreg s16  }
0xf: {  	s24 =	sor.u32 $0x280000, s1;
	s18 =	sadd.s32 $0x1400, s5;
	[dreg:$0x9] =	wrdreg s17  }
0x10: {  	s4 =	sshll.u32 s4, $0x4;
	s20 =	sadd.s32 $0x1600, s5;
	[dreg:$0xa] =	wrdreg s18  }
0x11: {  	s25 =	sor.u32 $0x200000, s1;
	s21 =	sadd.s32 $0x1800, s5;
	[dreg:$0xb] =	wrdreg s20  }
0x12: {  	s30 =	sor.u32 $0x180000, s1;
	s22 =	sadd.s32 $0x1A00, s5;
	[dreg:$0xc] =	wrdreg s21  }
0x13: {  	s0 =	sadd.s32 $0x18D200, s0;
	s23 =	sadd.s32 $0x1C00, s5;
	[dreg:$0xd] =	wrdreg s22  }
0x14: {  	s6 =	sshrl.u32 s24, $0x3;
	s7 =	sadd.s32 $0x2200, s5;
	[dreg:$0xe] =	wrdreg s23  }
0x15: {  	s26 =	sshrl.u32 s25, $0x3;
	s24 =	sadd.s32 $0x3600, s5;
	[dreg:$0x11] =	wrdreg s7  }
0x16: {  	s9 =	sadd.s32 s4, s0;
	s25 =	sadd.s32 $0x3800, s5;
	[dreg:$0x1b] =	wrdreg s24  }
0x17: {  	s4 =	sshrl.u32 s30, $0x3;
	s30 =	sadd.s32 $0x3C00, s5;
	[dreg:$0x1c] =	wrdreg s25  }
0x18: {  	s19 =	sadd.s32 s4, s0;
	s4 =	sadd.s32 $0x1E00, s5;
	[dreg:$0x1e] =	wrdreg s30  }
0x19: {  	s10 =	sadd.s32 $0x2400, s5;
	[dreg:$0xf] =	wrdreg s4  }
0x1a: {  	s11 =	sadd.s32 $0x2600, s5;
	[dreg:$0x12] =	wrdreg s10  }
0x1b: {  	s12 =	sadd.s32 $0x2800, s5;
	[dreg:$0x13] =	wrdreg s11  }
0x1c: {  	s13 =	sadd.s32 $0x2A00, s5;
	[dreg:$0x14] =	wrdreg s12  }
0x1d: {  	s14 =	sadd.s32 $0x2C00, s5;
	[dreg:$0x15] =	wrdreg s13  }
0x1e: {  	s15 =	sadd.s32 $0x2E00, s5;
	[dreg:$0x16] =	wrdreg s14  }
0x1f: {  	s31 =	sor.u32 $0x100000, s1;
	s16 =	sadd.s32 $0x3000, s5;
	[dreg:$0x17] =	wrdreg s15  }
0x20: {  	s1 =	sshrl.u32 s1, $0x3;
	s22 =	sadd.s32 $0x3200, s5;
	[dreg:$0x18] =	wrdreg s16  }
0x21: {  	s17 =	sadd.s32 s6, s0;
	s23 =	sadd.s32 $0x3400, s5;
	[dreg:$0x19] =	wrdreg s22  }
0x22: {  	s18 =	sadd.s32 s26, s0;
	s26 =	sadd.s32 $0x3A00, s5;
	[dreg:$0x1a] =	wrdreg s23  }
0x23: {  	s6 =	sshrl.u32 s31, $0x3;
	s31 =	sadd.s32 $0x3E00, s5;
	[dreg:$0x1d] =	wrdreg s26  }
0x24: {  	s21 =	sadd.s32 s1, s0;
	s1 =	sadd.s32 $0x4000, s5;
	[dreg:$0x1f] =	wrdreg s31  }
0x25: {  	s7 =	sadd.s32 $0x4600, s5;
	[smem:$0x7EC] =	sst s1  }
0x26: {  	s24 =	sadd.s32 $0x5A00, s5;
	[smem:$0x7EF] =	sst s7  }
0x27: {  	s25 =	sadd.s32 $0x5C00, s5;
	[smem:$0x7F9] =	sst s24  }
0x28: {  	s30 =	sadd.s32 $0x6000, s5;
	[smem:$0x7FA] =	sst s25  }
0x29: {  	s20 =	sadd.s32 s6, s0;
	s6 =	sadd.s32 $0x2000, s5;
	[smem:$0x7FC] =	sst s30  }
0x2a: {  	s4 =	sadd.s32 $0x4200, s5;
	[dreg:$0x10] =	wrdreg s6  }
0x2b: {  	s10 =	sadd.s32 $0x4800, s5;
	[smem:$0x7ED] =	sst s4  }
0x2c: {  	s11 =	sadd.s32 $0x4A00, s5;
	[smem:$0x7F0] =	sst s10  }
0x2d: {  	s12 =	sadd.s32 $0x4C00, s5;
	[smem:$0x7F1] =	sst s11  }
0x2e: {  	s13 =	sadd.s32 $0x4E00, s5;
	[smem:$0x7F2] =	sst s12  }
0x2f: {  	s14 =	sadd.s32 $0x5000, s5;
	[smem:$0x7F3] =	sst s13  }
0x30: {  	s28 =	simm.s32 $0x3;
	s15 =	sadd.s32 $0x5200, s5;
	[smem:$0x7F4] =	sst s14  }
0x31: {  	s29 =	simm.s32 $0x0;
	s16 =	sadd.s32 $0x5400, s5;
	[smem:$0x7F5] =	sst s15  }
0x32: {  	s8 =	smax.u32 s8, $0x1;
	s22 =	sadd.s32 $0x5600, s5;
	[smem:$0x7F6] =	sst s16  }
0x33: {  	s23 =	sadd.s32 $0x5800, s5;
	s26 =	sadd.s32 $0x5E00, s5;
	[smem:$0x7F7] =	sst s22  }
0x34: {  	s31 =	sadd.s32 $0x6200, s5;
	s7 =	sadd.s32 $0x310000, s9;
	[smem:$0x7F8] =	sst s23  }
0x35: {  	s1 =	simm.s32 $0x100;
	s24 =	simm.s32 $0x11900;
	[smem:$0x7FB] =	sst s26  }
0x36: {  	s25 =	simm.s32 $0x15900;
	s6 =	sadd.s32 $0x4400, s5;
	[smem:$0x7FD] =	sst s31  }
.Ltmp0:
0x37: {  	s4 =	sadd.s32 $0x6400, s5;
	s5 =	sadd.s32 $0x6600, s5;
	(pc) =	sbr.rel .LBB2_1-.Ltmp0, $4  }
0x38: {  	s11 =	simm.s32 $0x180;
	s12 =	simm.s32 $0x200;
	s13 =	simm.s32 $0x280  }
0x39: {  	s14 =	simm.s32 $0x2;
	s15 =	simm.s32 $0x1900;
	s16 =	simm.s32 $0x5900  }
0x3a: {  	s22 =	simm.s32 $0x9900;
	s23 =	simm.s32 $0xD900;
	s26 =	simm.s32 $0x1  }
0x3b: {  	[smem:$0x7EE] =	sst s6;
	s6 =	sadd.s32 $0x300000, s9;
	s9 =	simm.s32 $0x80  }
.LBB2_6:
0x3c: {  	_ =	swait.ge [sflag:s26], $0x4000  }
0x3d: {  	[sflag:s26] =	ssyncset.done $0x0  }
0x3e: {  	[sflag:s26] =	ssyncadd.s32 $0xFFFFC000  }
0x3f: {  	[hbm4b:s6+s2] =	stream.linear.scatter [tilespmem:s15], [sflag:$0x3], $0x4000, $0x38;
	[tilespmem:$0x19900] =	vst v63  }
0x40: {  	_ =	swait.ge [sflag:s28], $0x4000  }
0x41: {  	[sflag:s28] =	ssyncset.done $0x0  }
0x42: {  	[sflag:s28] =	ssyncadd.s32 $0xFFFFC000  }
0x43: {  	s29 =	sadd.s32 $0x1, s29;
	_ =	swait.ge [sflag:s26], $0x4000  }
0x44: {  	p0 =	sne.s32 s29, s8;
	[sflag:s26] =	ssyncset.done $0x0  }
.Ltmp1:
0x45: {  	[sflag:s26] =	ssyncadd.s32 $0xFFFFC000;
	(pc) =	sbr.rel @!p0 .LBB2_7-.Ltmp1, $4  }
0x46: {  	[hbm4b:s7+s2] =	stream.linear.scatter [tilespmem:s16], [sflag:$0x3], $0x4000, $0x38;
	[tilespmem:$0x19900] =	vst v63  }
0x47: {  	_ =	swait.ge [sflag:s28], $0x4000  }
0x48: {  	[sflag:s28] =	ssyncset.done $0x0  }
0x49: {  	s1 =	simm.s32 $0x100;
	[sflag:s28] =	ssyncadd.s32 $0xFFFFC000  }
.LBB2_1:
0x4a: {  	s0 =	rddreg [dreg:$0x2]  }
0x4b: {  	[tilespmem:s2], [sflag:$0x2] =	stream.linear.gather [hbm4b:s0+s2], $0x80, $0x38;
	[tilespmem:$0x19900] =	vst v63  }
0x4c: {  	s10 =	rddreg [dreg:$0x3]  }
0x4d: {  	[tilespmem:s9], [sflag:$0x2] =	stream.linear.gather [hbm4b:s10+s2], $0x80, $0x38;
	[tilespmem:$0x19900] =	vst v63  }
0x4e: {  	s10 =	rddreg [dreg:$0x4]  }
0x4f: {  	[tilespmem:s1], [sflag:$0x2] =	stream.linear.gather [hbm4b:s10+s2], $0x80, $0x38;
	[tilespmem:$0x19900] =	vst v63  }
0x50: {  	s10 =	rddreg [dreg:$0x5]  }
0x51: {  	[tilespmem:s11], [sflag:$0x2] =	stream.linear.gather [hbm4b:s10+s2], $0x80, $0x38;
	[tilespmem:$0x19900] =	vst v63  }
0x52: {  	s10 =	rddreg [dreg:$0x6]  }
0x53: {  	[tilespmem:s12], [sflag:$0x2] =	stream.linear.gather [hbm4b:s10+s2], $0x80, $0x38;
	[tilespmem:$0x19900] =	vst v63  }
0x54: {  	s10 =	rddreg [dreg:$0x7]  }
0x55: {  	[tilespmem:s13], [sflag:$0x2] =	stream.linear.gather [hbm4b:s10+s2], $0x80, $0x38;
	[tilespmem:$0x19900] =	vst v63  }
0x56: {  	s0 =	rddreg [dreg:$0x8];
	s10 =	simm.s32 $0x300  }
0x57: {  	[tilespmem:s10], [sflag:$0x2] =	stream.linear.gather [hbm4b:s0+s2], $0x80, $0x38;
	[tilespmem:$0x19900] =	vst v63  }
0x58: {  	s0 =	rddreg [dreg:$0x9];
	s10 =	simm.s32 $0x380  }
0x59: {  	[tilespmem:s10], [sflag:$0x2] =	stream.linear.gather [hbm4b:s0+s2], $0x80, $0x38;
	[tilespmem:$0x19900] =	vst v63  }
0x5a: {  	s0 =	rddreg [dreg:$0xa];
	s10 =	simm.s32 $0x400  }
0x5b: {  	[tilespmem:s10], [sflag:$0x2] =	stream.linear.gather [hbm4b:s0+s2], $0x80, $0x38;
	[tilespmem:$0x19900] =	vst v63  }
0x5c: {  	s0 =	rddreg [dreg:$0xb];
	s10 =	simm.s32 $0x480  }
0x5d: {  	[tilespmem:s10], [sflag:$0x2] =	stream.linear.gather [hbm4b:s0+s2], $0x80, $0x38;
	[tilespmem:$0x19900] =	vst v63  }
0x5e: {  	s0 =	rddreg [dreg:$0xc];
	s10 =	simm.s32 $0x500  }
0x5f: {  	[tilespmem:s10], [sflag:$0x2] =	stream.linear.gather [hbm4b:s0+s2], $0x80, $0x38;
	[tilespmem:$0x19900] =	vst v63  }
0x60: {  	s0 =	rddreg [dreg:$0xd];
	s10 =	simm.s32 $0x580  }
0x61: {  	[tilespmem:s10], [sflag:$0x2] =	stream.linear.gather [hbm4b:s0+s2], $0x80, $0x38;
	[tilespmem:$0x19900] =	vst v63  }
0x62: {  	s0 =	rddreg [dreg:$0xe];
	s10 =	simm.s32 $0x600  }
0x63: {  	[tilespmem:s10], [sflag:$0x2] =	stream.linear.gather [hbm4b:s0+s2], $0x80, $0x38;
	[tilespmem:$0x19900] =	vst v63  }
0x64: {  	s0 =	rddreg [dreg:$0xf];
	s10 =	simm.s32 $0x680  }
0x65: {  	[tilespmem:s10], [sflag:$0x2] =	stream.linear.gather [hbm4b:s0+s2], $0x80, $0x38;
	[tilespmem:$0x19900] =	vst v63  }
0x66: {  	s0 =	rddreg [dreg:$0x10];
	s10 =	simm.s32 $0x700  }
0x67: {  	[tilespmem:s10], [sflag:$0x2] =	stream.linear.gather [hbm4b:s0+s2], $0x80, $0x38;
	[tilespmem:$0x19900] =	vst v63  }
0x68: {  	s0 =	rddreg [dreg:$0x11];
	s10 =	simm.s32 $0x780  }
0x69: {  	[tilespmem:s10], [sflag:$0x2] =	stream.linear.gather [hbm4b:s0+s2], $0x80, $0x38;
	[tilespmem:$0x19900] =	vst v63  }
0x6a: {  	s0 =	rddreg [dreg:$0x12];
	s10 =	simm.s32 $0x800  }
0x6b: {  	[tilespmem:s10], [sflag:$0x2] =	stream.linear.gather [hbm4b:s0+s2], $0x80, $0x38;
	[tilespmem:$0x19900] =	vst v63  }
0x6c: {  	s0 =	rddreg [dreg:$0x13];
	s10 =	simm.s32 $0x880  }
0x6d: {  	[tilespmem:s10], [sflag:$0x2] =	stream.linear.gather [hbm4b:s0+s2], $0x80, $0x38;
	[tilespmem:$0x19900] =	vst v63  }
0x6e: {  	s0 =	rddreg [dreg:$0x14];
	s10 =	simm.s32 $0x900  }
0x6f: {  	[tilespmem:s10], [sflag:$0x2] =	stream.linear.gather [hbm4b:s0+s2], $0x80, $0x38;
	[tilespmem:$0x19900] =	vst v63  }
0x70: {  	s0 =	rddreg [dreg:$0x15];
	s10 =	simm.s32 $0x980  }
0x71: {  	[tilespmem:s10], [sflag:$0x2] =	stream.linear.gather [hbm4b:s0+s2], $0x80, $0x38;
	[tilespmem:$0x19900] =	vst v63  }
0x72: {  	s0 =	rddreg [dreg:$0x16];
	s10 =	simm.s32 $0xA00  }
0x73: {  	[tilespmem:s10], [sflag:$0x2] =	stream.linear.gather [hbm4b:s0+s2], $0x80, $0x38;
	[tilespmem:$0x19900] =	vst v63  }
0x74: {  	s0 =	rddreg [dreg:$0x17];
	s10 =	simm.s32 $0xA80  }
0x75: {  	[tilespmem:s10], [sflag:$0x2] =	stream.linear.gather [hbm4b:s0+s2], $0x80, $0x38;
	[tilespmem:$0x19900] =	vst v63  }
0x76: {  	s0 =	rddreg [dreg:$0x18];
	s10 =	simm.s32 $0xB00  }
0x77: {  	[tilespmem:s10], [sflag:$0x2] =	stream.linear.gather [hbm4b:s0+s2], $0x80, $0x38;
	[tilespmem:$0x19900] =	vst v63  }
0x78: {  	s0 =	rddreg [dreg:$0x19];
	s10 =	simm.s32 $0xB80  }
0x79: {  	[tilespmem:s10], [sflag:$0x2] =	stream.linear.gather [hbm4b:s0+s2], $0x80, $0x38;
	[tilespmem:$0x19900] =	vst v63  }
0x7a: {  	s0 =	rddreg [dreg:$0x1a];
	s10 =	simm.s32 $0xC00  }
0x7b: {  	[tilespmem:s10], [sflag:$0x2] =	stream.linear.gather [hbm4b:s0+s2], $0x80, $0x38;
	[tilespmem:$0x19900] =	vst v63  }
0x7c: {  	s0 =	rddreg [dreg:$0x1b];
	s10 =	simm.s32 $0xC80  }
0x7d: {  	[tilespmem:s10], [sflag:$0x2] =	stream.linear.gather [hbm4b:s0+s2], $0x80, $0x38;
	[tilespmem:$0x19900] =	vst v63  }
0x7e: {  	s0 =	rddreg [dreg:$0x1c];
	s10 =	simm.s32 $0xD00  }
0x7f: {  	[tilespmem:s10], [sflag:$0x2] =	stream.linear.gather [hbm4b:s0+s2], $0x80, $0x38;
	[tilespmem:$0x19900] =	vst v63  }
0x80: {  	s0 =	rddreg [dreg:$0x1d];
	s10 =	simm.s32 $0xD80  }
0x81: {  	[tilespmem:s10], [sflag:$0x2] =	stream.linear.gather [hbm4b:s0+s2], $0x80, $0x38;
	[tilespmem:$0x19900] =	vst v63  }
0x82: {  	s0 =	rddreg [dreg:$0x1e];
	s10 =	simm.s32 $0xE00  }
0x83: {  	[tilespmem:s10], [sflag:$0x2] =	stream.linear.gather [hbm4b:s0+s2], $0x80, $0x38;
	[tilespmem:$0x19900] =	vst v63  }
0x84: {  	s0 =	rddreg [dreg:$0x1f];
	s10 =	simm.s32 $0xE80  }
0x85: {  	[tilespmem:s10], [sflag:$0x2] =	stream.linear.gather [hbm4b:s0+s2], $0x80, $0x38;
	[tilespmem:$0x19900] =	vst v63  }
0x86: {  	s0 =	sld [smem:$0x7EC];
	_ =	sdelay $0x1  }
0x87: {  	s10 =	simm.s32 $0xF00  }
0x88: {  	[tilespmem:s10], [sflag:$0x2] =	stream.linear.gather [hbm4b:s0+s2], $0x80, $0x38;
	[tilespmem:$0x19900] =	vst v63  }
0x89: {  	s0 =	sld [smem:$0x7ED];
	_ =	sdelay $0x1  }
0x8a: {  	s10 =	simm.s32 $0xF80  }
0x8b: {  	[tilespmem:s10], [sflag:$0x2] =	stream.linear.gather [hbm4b:s0+s2], $0x80, $0x38;
	[tilespmem:$0x19900] =	vst v63  }
0x8c: {  	s0 =	sld [smem:$0x7EE];
	_ =	sdelay $0x1  }
0x8d: {  	s10 =	simm.s32 $0x1000  }
0x8e: {  	[tilespmem:s10], [sflag:$0x2] =	stream.linear.gather [hbm4b:s0+s2], $0x80, $0x38;
	[tilespmem:$0x19900] =	vst v63  }
0x8f: {  	s0 =	sld [smem:$0x7EF];
	_ =	sdelay $0x1  }
0x90: {  	s10 =	simm.s32 $0x1080  }
0x91: {  	[tilespmem:s10], [sflag:$0x2] =	stream.linear.gather [hbm4b:s0+s2], $0x80, $0x38;
	[tilespmem:$0x19900] =	vst v63  }
0x92: {  	s0 =	sld [smem:$0x7F0];
	_ =	sdelay $0x1  }
0x93: {  	s10 =	simm.s32 $0x1100  }
0x94: {  	[tilespmem:s10], [sflag:$0x2] =	stream.linear.gather [hbm4b:s0+s2], $0x80, $0x38;
	[tilespmem:$0x19900] =	vst v63  }
0x95: {  	s0 =	sld [smem:$0x7F1];
	_ =	sdelay $0x1  }
0x96: {  	s10 =	simm.s32 $0x1180  }
0x97: {  	[tilespmem:s10], [sflag:$0x2] =	stream.linear.gather [hbm4b:s0+s2], $0x80, $0x38;
	[tilespmem:$0x19900] =	vst v63  }
0x98: {  	s0 =	sld [smem:$0x7F2];
	_ =	sdelay $0x1  }
0x99: {  	s10 =	simm.s32 $0x1200  }
0x9a: {  	[tilespmem:s10], [sflag:$0x2] =	stream.linear.gather [hbm4b:s0+s2], $0x80, $0x38;
	[tilespmem:$0x19900] =	vst v63  }
0x9b: {  	s0 =	sld [smem:$0x7F3];
	_ =	sdelay $0x1  }
0x9c: {  	s10 =	simm.s32 $0x1280  }
0x9d: {  	[tilespmem:s10], [sflag:$0x2] =	stream.linear.gather [hbm4b:s0+s2], $0x80, $0x38;
	[tilespmem:$0x19900] =	vst v63  }
0x9e: {  	s0 =	sld [smem:$0x7F4];
	_ =	sdelay $0x1  }
0x9f: {  	s10 =	simm.s32 $0x1300  }
0xa0: {  	[tilespmem:s10], [sflag:$0x2] =	stream.linear.gather [hbm4b:s0+s2], $0x80, $0x38;
	[tilespmem:$0x19900] =	vst v63  }
0xa1: {  	s0 =	sld [smem:$0x7F5];
	_ =	sdelay $0x1  }
0xa2: {  	s10 =	simm.s32 $0x1380  }
0xa3: {  	[tilespmem:s10], [sflag:$0x2] =	stream.linear.gather [hbm4b:s0+s2], $0x80, $0x38;
	[tilespmem:$0x19900] =	vst v63  }
0xa4: {  	s0 =	sld [smem:$0x7F6];
	_ =	sdelay $0x1  }
0xa5: {  	s10 =	simm.s32 $0x1400  }
0xa6: {  	[tilespmem:s10], [sflag:$0x2] =	stream.linear.gather [hbm4b:s0+s2], $0x80, $0x38;
	[tilespmem:$0x19900] =	vst v63  }
0xa7: {  	s0 =	sld [smem:$0x7F7];
	_ =	sdelay $0x1  }
0xa8: {  	s10 =	simm.s32 $0x1480  }
0xa9: {  	[tilespmem:s10], [sflag:$0x2] =	stream.linear.gather [hbm4b:s0+s2], $0x80, $0x38;
	[tilespmem:$0x19900] =	vst v63  }
0xaa: {  	s0 =	sld [smem:$0x7F8];
	_ =	sdelay $0x1  }
0xab: {  	s10 =	simm.s32 $0x1500  }
0xac: {  	[tilespmem:s10], [sflag:$0x2] =	stream.linear.gather [hbm4b:s0+s2], $0x80, $0x38;
	[tilespmem:$0x19900] =	vst v63  }
0xad: {  	s0 =	sld [smem:$0x7F9];
	_ =	sdelay $0x1  }
0xae: {  	s10 =	simm.s32 $0x1580  }
0xaf: {  	[tilespmem:s10], [sflag:$0x2] =	stream.linear.gather [hbm4b:s0+s2], $0x80, $0x38;
	[tilespmem:$0x19900] =	vst v63  }
0xb0: {  	s0 =	sld [smem:$0x7FA];
	_ =	sdelay $0x1  }
0xb1: {  	s10 =	simm.s32 $0x1600  }
0xb2: {  	[tilespmem:s10], [sflag:$0x2] =	stream.linear.gather [hbm4b:s0+s2], $0x80, $0x38;
	[tilespmem:$0x19900] =	vst v63  }
0xb3: {  	s0 =	sld [smem:$0x7FB];
	_ =	sdelay $0x1  }
0xb4: {  	s10 =	simm.s32 $0x1680  }
0xb5: {  	[tilespmem:s10], [sflag:$0x2] =	stream.linear.gather [hbm4b:s0+s2], $0x80, $0x38;
	[tilespmem:$0x19900] =	vst v63  }
0xb6: {  	s0 =	sld [smem:$0x7FC];
	_ =	sdelay $0x1  }
0xb7: {  	s10 =	simm.s32 $0x1700  }
0xb8: {  	[tilespmem:s10], [sflag:$0x2] =	stream.linear.gather [hbm4b:s0+s2], $0x80, $0x38;
	[tilespmem:$0x19900] =	vst v63  }
0xb9: {  	s0 =	sld [smem:$0x7FD];
	_ =	sdelay $0x1  }
0xba: {  	s10 =	simm.s32 $0x1780  }
0xbb: {  	[tilespmem:s10], [sflag:$0x2] =	stream.linear.gather [hbm4b:s0+s2], $0x80, $0x38;
	[tilespmem:$0x19900] =	vst v63  }
0xbc: {  	s10 =	simm.s32 $0x1800  }
0xbd: {  	[tilespmem:s10], [sflag:$0x2] =	stream.linear.gather [hbm4b:s4+s2], $0x80, $0x38;
	[tilespmem:$0x19900] =	vst v63  }
0xbe: {  	s10 =	simm.s32 $0x1880  }
0xbf: {  	[tilespmem:s10], [sflag:$0x2] =	stream.linear.gather [hbm4b:s5+s2], $0x80, $0x38;
	[tilespmem:$0x19900] =	vst v63  }
0xc0: {  	_ =	swait.ge [sflag:s14], $0x80  }
0xc1: {  	[sflag:s14] =	ssyncset.done $0x0  }
0xc2: {  	[sflag:s14] =	ssyncadd.s32 $0xFFFFFF80  }
0xc3: {  	_ =	swait.ge [sflag:s14], $0x80  }
0xc4: {  	[sflag:s14] =	ssyncset.done $0x0  }
0xc5: {  	[sflag:s14] =	ssyncadd.s32 $0xFFFFFF80  }
0xc6: {  	_ =	swait.ge [sflag:s14], $0x80  }
0xc7: {  	[sflag:s14] =	ssyncset.done $0x0  }
0xc8: {  	[sflag:s14] =	ssyncadd.s32 $0xFFFFFF80  }
0xc9: {  	_ =	swait.ge [sflag:s14], $0x80  }
0xca: {  	[sflag:s14] =	ssyncset.done $0x0  }
0xcb: {  	[sflag:s14] =	ssyncadd.s32 $0xFFFFFF80  }
0xcc: {  	_ =	swait.ge [sflag:s14], $0x80  }
0xcd: {  	[sflag:s14] =	ssyncset.done $0x0  }
0xce: {  	[sflag:s14] =	ssyncadd.s32 $0xFFFFFF80  }
0xcf: {  	_ =	swait.ge [sflag:s14], $0x80  }
0xd0: {  	[sflag:s14] =	ssyncset.done $0x0  }
0xd1: {  	[sflag:s14] =	ssyncadd.s32 $0xFFFFFF80  }
0xd2: {  	_ =	swait.ge [sflag:s14], $0x80  }
0xd3: {  	[sflag:s14] =	ssyncset.done $0x0  }
0xd4: {  	[sflag:s14] =	ssyncadd.s32 $0xFFFFFF80  }
0xd5: {  	_ =	swait.ge [sflag:s14], $0x80  }
0xd6: {  	[sflag:s14] =	ssyncset.done $0x0  }
0xd7: {  	[sflag:s14] =	ssyncadd.s32 $0xFFFFFF80  }
0xd8: {  	_ =	swait.ge [sflag:s14], $0x80  }
0xd9: {  	[sflag:s14] =	ssyncset.done $0x0  }
0xda: {  	[sflag:s14] =	ssyncadd.s32 $0xFFFFFF80  }
0xdb: {  	_ =	swait.ge [sflag:s14], $0x80  }
0xdc: {  	[sflag:s14] =	ssyncset.done $0x0  }
0xdd: {  	[sflag:s14] =	ssyncadd.s32 $0xFFFFFF80  }
0xde: {  	_ =	swait.ge [sflag:s14], $0x80  }
0xdf: {  	[sflag:s14] =	ssyncset.done $0x0  }
0xe0: {  	[sflag:s14] =	ssyncadd.s32 $0xFFFFFF80  }
0xe1: {  	_ =	swait.ge [sflag:s14], $0x80  }
0xe2: {  	[sflag:s14] =	ssyncset.done $0x0  }
0xe3: {  	[sflag:s14] =	ssyncadd.s32 $0xFFFFFF80  }
0xe4: {  	_ =	swait.ge [sflag:s14], $0x80  }
0xe5: {  	[sflag:s14] =	ssyncset.done $0x0  }
0xe6: {  	[sflag:s14] =	ssyncadd.s32 $0xFFFFFF80  }
0xe7: {  	_ =	swait.ge [sflag:s14], $0x80  }
0xe8: {  	[sflag:s14] =	ssyncset.done $0x0  }
0xe9: {  	[sflag:s14] =	ssyncadd.s32 $0xFFFFFF80  }
0xea: {  	_ =	swait.ge [sflag:s14], $0x80  }
0xeb: {  	[sflag:s14] =	ssyncset.done $0x0  }
0xec: {  	[sflag:s14] =	ssyncadd.s32 $0xFFFFFF80  }
0xed: {  	_ =	swait.ge [sflag:s14], $0x80  }
0xee: {  	[sflag:s14] =	ssyncset.done $0x0  }
0xef: {  	[sflag:s14] =	ssyncadd.s32 $0xFFFFFF80  }
0xf0: {  	_ =	swait.ge [sflag:s14], $0x80  }
0xf1: {  	[sflag:s14] =	ssyncset.done $0x0  }
0xf2: {  	[sflag:s14] =	ssyncadd.s32 $0xFFFFFF80  }
0xf3: {  	_ =	swait.ge [sflag:s14], $0x80  }
0xf4: {  	[sflag:s14] =	ssyncset.done $0x0  }
0xf5: {  	[sflag:s14] =	ssyncadd.s32 $0xFFFFFF80  }
0xf6: {  	_ =	swait.ge [sflag:s14], $0x80  }
0xf7: {  	[sflag:s14] =	ssyncset.done $0x0  }
0xf8: {  	[sflag:s14] =	ssyncadd.s32 $0xFFFFFF80  }
0xf9: {  	_ =	swait.ge [sflag:s14], $0x80  }
0xfa: {  	[sflag:s14] =	ssyncset.done $0x0  }
0xfb: {  	[sflag:s14] =	ssyncadd.s32 $0xFFFFFF80  }
0xfc: {  	_ =	swait.ge [sflag:s14], $0x80  }
0xfd: {  	[sflag:s14] =	ssyncset.done $0x0  }
0xfe: {  	[sflag:s14] =	ssyncadd.s32 $0xFFFFFF80  }
0xff: {  	_ =	swait.ge [sflag:s14], $0x80  }
0x100: {  	[sflag:s14] =	ssyncset.done $0x0  }
0x101: {  	[sflag:s14] =	ssyncadd.s32 $0xFFFFFF80  }
0x102: {  	_ =	swait.ge [sflag:s14], $0x80  }
0x103: {  	[sflag:s14] =	ssyncset.done $0x0  }
0x104: {  	[sflag:s14] =	ssyncadd.s32 $0xFFFFFF80  }
0x105: {  	_ =	swait.ge [sflag:s14], $0x80  }
0x106: {  	[sflag:s14] =	ssyncset.done $0x0  }
0x107: {  	[sflag:s14] =	ssyncadd.s32 $0xFFFFFF80  }
0x108: {  	_ =	swait.ge [sflag:s14], $0x80  }
0x109: {  	[sflag:s14] =	ssyncset.done $0x0  }
0x10a: {  	[sflag:s14] =	ssyncadd.s32 $0xFFFFFF80  }
0x10b: {  	_ =	swait.ge [sflag:s14], $0x80  }
0x10c: {  	[sflag:s14] =	ssyncset.done $0x0  }
0x10d: {  	[sflag:s14] =	ssyncadd.s32 $0xFFFFFF80  }
0x10e: {  	_ =	swait.ge [sflag:s14], $0x80  }
0x10f: {  	[sflag:s14] =	ssyncset.done $0x0  }
0x110: {  	[sflag:s14] =	ssyncadd.s32 $0xFFFFFF80  }
0x111: {  	_ =	swait.ge [sflag:s14], $0x80  }
0x112: {  	[sflag:s14] =	ssyncset.done $0x0  }
0x113: {  	[sflag:s14] =	ssyncadd.s32 $0xFFFFFF80  }
0x114: {  	_ =	swait.ge [sflag:s14], $0x80  }
0x115: {  	[sflag:s14] =	ssyncset.done $0x0  }
0x116: {  	[sflag:s14] =	ssyncadd.s32 $0xFFFFFF80  }
0x117: {  	_ =	swait.ge [sflag:s14], $0x80  }
0x118: {  	[sflag:s14] =	ssyncset.done $0x0  }
0x119: {  	[sflag:s14] =	ssyncadd.s32 $0xFFFFFF80  }
0x11a: {  	_ =	swait.ge [sflag:s14], $0x80  }
0x11b: {  	[sflag:s14] =	ssyncset.done $0x0  }
0x11c: {  	[sflag:s14] =	ssyncadd.s32 $0xFFFFFF80  }
0x11d: {  	_ =	swait.ge [sflag:s14], $0x80  }
0x11e: {  	[sflag:s14] =	ssyncset.done $0x0  }
0x11f: {  	[sflag:s14] =	ssyncadd.s32 $0xFFFFFF80  }
0x120: {  	_ =	swait.ge [sflag:s14], $0x80  }
0x121: {  	[sflag:s14] =	ssyncset.done $0x0  }
0x122: {  	[sflag:s14] =	ssyncadd.s32 $0xFFFFFF80  }
0x123: {  	_ =	swait.ge [sflag:s14], $0x80  }
0x124: {  	[sflag:s14] =	ssyncset.done $0x0  }
0x125: {  	[sflag:s14] =	ssyncadd.s32 $0xFFFFFF80  }
0x126: {  	_ =	swait.ge [sflag:s14], $0x80  }
0x127: {  	[sflag:s14] =	ssyncset.done $0x0  }
0x128: {  	[sflag:s14] =	ssyncadd.s32 $0xFFFFFF80  }
0x129: {  	_ =	swait.ge [sflag:s14], $0x80  }
0x12a: {  	[sflag:s14] =	ssyncset.done $0x0  }
0x12b: {  	[sflag:s14] =	ssyncadd.s32 $0xFFFFFF80  }
0x12c: {  	_ =	swait.ge [sflag:s14], $0x80  }
0x12d: {  	[sflag:s14] =	ssyncset.done $0x0  }
0x12e: {  	[sflag:s14] =	ssyncadd.s32 $0xFFFFFF80  }
0x12f: {  	_ =	swait.ge [sflag:s14], $0x80  }
0x130: {  	[sflag:s14] =	ssyncset.done $0x0  }
0x131: {  	[sflag:s14] =	ssyncadd.s32 $0xFFFFFF80  }
0x132: {  	_ =	swait.ge [sflag:s14], $0x80  }
0x133: {  	[sflag:s14] =	ssyncset.done $0x0  }
0x134: {  	[sflag:s14] =	ssyncadd.s32 $0xFFFFFF80  }
0x135: {  	_ =	swait.ge [sflag:s14], $0x80  }
0x136: {  	[sflag:s14] =	ssyncset.done $0x0  }
0x137: {  	[sflag:s14] =	ssyncadd.s32 $0xFFFFFF80  }
0x138: {  	_ =	swait.ge [sflag:s14], $0x80  }
0x139: {  	[sflag:s14] =	ssyncset.done $0x0  }
0x13a: {  	[sflag:s14] =	ssyncadd.s32 $0xFFFFFF80  }
0x13b: {  	_ =	swait.ge [sflag:s14], $0x80  }
0x13c: {  	[sflag:s14] =	ssyncset.done $0x0  }
0x13d: {  	[sflag:s14] =	ssyncadd.s32 $0xFFFFFF80  }
0x13e: {  	_ =	swait.ge [sflag:s14], $0x80  }
0x13f: {  	[sflag:s14] =	ssyncset.done $0x0  }
0x140: {  	[sflag:s14] =	ssyncadd.s32 $0xFFFFFF80  }
0x141: {  	_ =	swait.ge [sflag:s14], $0x80  }
0x142: {  	[sflag:s14] =	ssyncset.done $0x0  }
0x143: {  	[sflag:s14] =	ssyncadd.s32 $0xFFFFFF80  }
0x144: {  	_ =	swait.ge [sflag:s14], $0x80  }
0x145: {  	[sflag:s14] =	ssyncset.done $0x0  }
0x146: {  	[sflag:s14] =	ssyncadd.s32 $0xFFFFFF80  }
0x147: {  	_ =	swait.ge [sflag:s14], $0x80  }
0x148: {  	[sflag:s14] =	ssyncset.done $0x0  }
0x149: {  	[sflag:s14] =	ssyncadd.s32 $0xFFFFFF80  }
0x14a: {  	_ =	swait.ge [sflag:s14], $0x80  }
0x14b: {  	[sflag:s14] =	ssyncset.done $0x0  }
0x14c: {  	[sflag:s14] =	ssyncadd.s32 $0xFFFFFF80  }
0x14d: {  	_ =	swait.ge [sflag:s14], $0x80  }
0x14e: {  	[sflag:s14] =	ssyncset.done $0x0  }
0x14f: {  	[sflag:s14] =	ssyncadd.s32 $0xFFFFFF80  }
0x150: {  	_ =	swait.ge [sflag:s14], $0x80  }
0x151: {  	[sflag:s14] =	ssyncset.done $0x0  }
0x152: {  	[sflag:s14] =	ssyncadd.s32 $0xFFFFFF80  }
0x153: {  	_ =	swait.ge [sflag:s14], $0x80  }
0x154: {  	[sflag:s14] =	ssyncset.done $0x0  }
0x155: {  	s30 =	simm.s32 $0x0;
	[sflag:s14] =	ssyncadd.s32 $0xFFFFFF80  }
0x156: {  	v2 =	vld [tilespmem:s30+$0x0]  }
0x157: {  	v5 =	vld [tilespmem:s30+$0x10]  }
0x158: {  	v4 =	vld [tilespmem:s30+$0x20]  }
0x159: {  	v3 =	vld [tilespmem:s30+$0x30]  }
0x15a: {  	v0 =	vld [tilespmem:s30+$0x40]  }
0x15b: {  	v1 =	vld [tilespmem:s30+$0x50];
	vm0 =	vlt.u32 v2, $0x186A0  }
0x15c: {  	s31 =	simm.s32 $0x200;
	v6 =	vnsel vm0, $0x0, v2;
	vm0 =	vlt.u32 v5, $0x186A0;
	v2 =	vld [tilespmem:s30+$0x60]  }
.LBB2_2:
0x15d: {  	s0 =	sshra.s32 s31, $0x2;
	p0 =	sne.s32 s31, $0x6200;
	[tilespmem:s30+$0x0] =	vst v6;
	v5 =	vnsel vm0, $0x0, v5;
	vm0 =	vlt.u32 v4, $0x186A0;
	v6 =	vld [tilespmem:s30+$0x70]  }
0x15e: {  	v7 =	vld [tilespmem:s0+$0x0];
	[tilespmem:s30+$0x10] =	vst v5;
	v4 =	vnsel vm0, $0x0, v4;
	vm0 =	vlt.u32 v3, $0x186A0  }
0x15f: {  	v5 =	vld [tilespmem:s0+$0x10];
	[tilespmem:s30+$0x20] =	vst v4;
	v3 =	vnsel vm0, $0x0, v3;
	vm0 =	vlt.u32 v0, $0x186A0  }
.Ltmp2:
0x160: {  	v4 =	vld [tilespmem:s0+$0x20];
	[tilespmem:s30+$0x30] =	vst v3;
	v0 =	vnsel vm0, $0x0, v0;
	vm0 =	vlt.u32 v1, $0x186A0;
	(pc) =	sbr.rel @p0 .LBB2_2-.Ltmp2, $4  }
0x161: {  	v3 =	vld [tilespmem:s0+$0x30];
	[tilespmem:s30+$0x40] =	vst v0;
	v1 =	vnsel vm0, $0x0, v1;
	vm0 =	vlt.u32 v2, $0x186A0  }
0x162: {  	v0 =	vld [tilespmem:s0+$0x40];
	[tilespmem:s30+$0x50] =	vst v1;
	v2 =	vnsel vm0, $0x0, v2;
	vm0 =	vlt.u32 v6, $0x186A0  }
0x163: {  	vm1 =	vlt.u32 v7, $0x186A0;
	v1 =	vld [tilespmem:s0+$0x50];
	[tilespmem:s30+$0x60] =	vst v2;
	v8 =	vnsel vm0, $0x0, v6  }
0x164: {  	s31 =	sadd.s32 $0x200, s31;
	v6 =	vnsel vm1, $0x0, v7;
	vm0 =	vlt.u32 v5, $0x186A0;
	v2 =	vld [tilespmem:s0+$0x60];
	[tilespmem:s30+$0x70] =	vst v8;
	s30 =	smov.u32 s0  }
0x165: {  	[tilespmem:s30+$0x0] =	vst v6;
	v5 =	vnsel vm0, $0x0, v5;
	vm10 =	vlt.u32 v4, $0x186A0;
	v60 =	vld [tilespmem:s30+$0x70]  }
0x166: {  	[tilespmem:s30+$0x10] =	vst v5;
	v4 =	vnsel vm10, $0x0, v4;
	vm11 =	vlt.u32 v3, $0x186A0  }
0x167: {  	[tilespmem:s30+$0x20] =	vst v4;
	v3 =	vnsel vm11, $0x0, v3;
	vm12 =	vlt.u32 v0, $0x186A0  }
0x168: {  	[tilespmem:s30+$0x30] =	vst v3;
	v0 =	vnsel vm12, $0x0, v0;
	vm13 =	vlt.u32 v1, $0x186A0  }
0x169: {  	[tilespmem:s30+$0x40] =	vst v0;
	v61 =	vnsel vm13, $0x0, v1;
	vm14 =	vlt.u32 v2, $0x186A0  }
0x16a: {  	[tilespmem:s30+$0x50] =	vst v61;
	v62 =	vnsel vm14, $0x0, v2;
	vm15 =	vlt.u32 v60, $0x186A0  }
0x16b: {  	[tilespmem:s30+$0x60] =	vst v62;
	v63 =	vnsel vm15, $0x0, v60  }
0x16c: {  	[tilespmem:s30+$0x70] =	vst v63;
	s30 =	simm.s32 $0x0  }
0x16d: {  	[tilespmem:s15], [sflag:$0x1] =	stream.indirect.gather [hbm4b:s3+s9], $0x80, s30, s9, $0xb8;
	[tilespmem:$0x19900] =	vst v63  }
0x16e: {  	_ = 	snop  }
0x16f: {  	[tilespmem:s16], [sflag:$0x1] =	stream.indirect.gather [hbm4b:s3+s9], $0x80, s9, s9, $0xb8;
	[tilespmem:$0x19900] =	vst v63  }
0x170: {  	_ = 	snop  }
0x171: {  	[tilespmem:s22], [sflag:$0x1] =	stream.indirect.gather [hbm4b:s3+s9], $0x80, s1, s9, $0xb8;
	[tilespmem:$0x19900] =	vst v63  }
0x172: {  	_ = 	snop  }
0x173: {  	[tilespmem:s23], [sflag:$0x1] =	stream.indirect.gather [hbm4b:s3+s9], $0x80, s11, s9, $0xb8;
	[tilespmem:$0x19900] =	vst v63  }
0x174: {  	_ = 	snop  }
0x175: {  	[tilespmem:s24], [sflag:$0x1] =	stream.indirect.gather [hbm4b:s3+s9], $0x80, s12, s9, $0xb8;
	[tilespmem:$0x19900] =	vst v63  }
0x176: {  	s31 =	simm.s32 $0x580  }
0x177: {  	[tilespmem:s25], [sflag:$0x1] =	stream.indirect.gather [hbm4b:s3+s9], $0x80, s13, s9, $0xb8;
	[tilespmem:$0x19900] =	vst v63  }
.LBB2_4:
0x178: {  	_ =	swait.ge [sflag:s26], $0x4000  }
0x179: {  	[sflag:s26] =	ssyncset.done $0x0  }
0x17a: {  	s0 =	sadd.s32 s30, s21;
	[sflag:s26] =	ssyncadd.s32 $0xFFFFC000  }
0x17b: {  	[hbm4b:s0+s2] =	stream.linear.scatter [tilespmem:s15], [sflag:$0x3], $0x4000, $0x38;
	[tilespmem:$0x19900] =	vst v63  }
0x17c: {  	_ =	swait.ge [sflag:s28], $0x4000  }
0x17d: {  	[sflag:s28] =	ssyncset.done $0x0  }
0x17e: {  	s10 =	sadd.s32 $0xFFFFFD80, s31;
	[sflag:s28] =	ssyncadd.s32 $0xFFFFC000  }
0x17f: {  	[tilespmem:s15], [sflag:$0x1] =	stream.indirect.gather [hbm4b:s3+s9], $0x80, s10, s9, $0xb8;
	[tilespmem:$0x19900] =	vst v63  }
0x180: {  	_ =	swait.ge [sflag:s26], $0x4000  }
0x181: {  	[sflag:s26] =	ssyncset.done $0x0  }
0x182: {  	s0 =	sadd.s32 $0x10000, s0;
	[sflag:s26] =	ssyncadd.s32 $0xFFFFC000  }
0x183: {  	[hbm4b:s0+s2] =	stream.linear.scatter [tilespmem:s16], [sflag:$0x3], $0x4000, $0x38;
	[tilespmem:$0x19900] =	vst v63  }
0x184: {  	_ =	swait.ge [sflag:s28], $0x4000  }
0x185: {  	[sflag:s28] =	ssyncset.done $0x0  }
0x186: {  	s1 =	sadd.s32 $0xFFFFFE00, s31;
	[sflag:s28] =	ssyncadd.s32 $0xFFFFC000  }
0x187: {  	[tilespmem:s16], [sflag:$0x1] =	stream.indirect.gather [hbm4b:s3+s9], $0x80, s1, s9, $0xb8;
	[tilespmem:$0x19900] =	vst v63  }
0x188: {  	_ =	swait.ge [sflag:s26], $0x4000  }
0x189: {  	[sflag:s26] =	ssyncset.done $0x0  }
0x18a: {  	s10 =	sadd.s32 s30, s20;
	[sflag:s26] =	ssyncadd.s32 $0xFFFFC000  }
0x18b: {  	[hbm4b:s10+s2] =	stream.linear.scatter [tilespmem:s22], [sflag:$0x3], $0x4000, $0x38;
	[tilespmem:$0x19900] =	vst v63  }
0x18c: {  	p0 =	seq.s32 s30, $0x2A0000;
	_ =	swait.ge [sflag:s28], $0x4000  }
0x18d: {  	s0 =	sadd.s32 @!p0 $0xFFFFFE80, s31;
	[sflag:s28] =	ssyncset.done $0x0  }
0x18e: {  	s1 =	simm.s32 @!p0 $0x9900;
	s10 =	simm.s32 @!p0 $0x80;
	[sflag:s28] =	ssyncadd.s32 $0xFFFFC000  }
0x18f: {  	[tilespmem:s1], [sflag:$0x1] =	stream.indirect.gather @!p0 [hbm4b:s3+s10], $0x80, s0, s10, $0xb8;
	[tilespmem:$0x19900] =	vst v63  }
0x190: {  	_ =	swait.ge [sflag:s26], $0x4000  }
0x191: {  	[sflag:s26] =	ssyncset.done $0x0  }
0x192: {  	s1 =	sadd.s32 s30, s19;
	[sflag:s26] =	ssyncadd.s32 $0xFFFFC000  }
0x193: {  	[hbm4b:s1+s2] =	stream.linear.scatter [tilespmem:s23], [sflag:$0x3], $0x4000, $0x38;
	[tilespmem:$0x19900] =	vst v63  }
0x194: {  	_ =	swait.ge [sflag:s28], $0x4000  }
0x195: {  	[sflag:s28] =	ssyncset.done $0x0  }
0x196: {  	s0 =	sadd.s32 @!p0 $0xFFFFFF00, s31;
	s1 =	simm.s32 @!p0 $0xD900;
	[sflag:s28] =	ssyncadd.s32 $0xFFFFC000  }
0x197: {  	[tilespmem:s1], [sflag:$0x1] =	stream.indirect.gather @!p0 [hbm4b:s3+s10], $0x80, s0, s10, $0xb8;
	[tilespmem:$0x19900] =	vst v63  }
0x198: {  	_ =	swait.ge [sflag:s26], $0x4000  }
0x199: {  	[sflag:s26] =	ssyncset.done $0x0  }
0x19a: {  	s1 =	sadd.s32 s30, s18;
	[sflag:s26] =	ssyncadd.s32 $0xFFFFC000  }
0x19b: {  	[hbm4b:s1+s2] =	stream.linear.scatter [tilespmem:s24], [sflag:$0x3], $0x4000, $0x38;
	[tilespmem:$0x19900] =	vst v63  }
0x19c: {  	_ =	swait.ge [sflag:s28], $0x4000  }
0x19d: {  	[sflag:s28] =	ssyncset.done $0x0  }
0x19e: {  	s0 =	sadd.s32 @!p0 $0xFFFFFF80, s31;
	s1 =	simm.s32 @!p0 $0x11900;
	[sflag:s28] =	ssyncadd.s32 $0xFFFFC000  }
0x19f: {  	[tilespmem:s1], [sflag:$0x1] =	stream.indirect.gather @!p0 [hbm4b:s3+s10], $0x80, s0, s10, $0xb8;
	[tilespmem:$0x19900] =	vst v63  }
0x1a0: {  	_ =	swait.ge [sflag:s26], $0x4000  }
0x1a1: {  	[sflag:s26] =	ssyncset.done $0x0  }
.Ltmp3:
0x1a2: {  	s10 =	sadd.s32 s30, s17;
	[sflag:s26] =	ssyncadd.s32 $0xFFFFC000;
	(pc) =	sbr.rel @p0 .LBB2_6-.Ltmp3, $4  }
0x1a3: {  	[hbm4b:s10+s2] =	stream.linear.scatter [tilespmem:s25], [sflag:$0x3], $0x4000, $0x38;
	[tilespmem:$0x19900] =	vst v63  }
0x1a4: {  	_ =	swait.ge [sflag:s28], $0x4000  }
0x1a5: {  	[sflag:s28] =	ssyncset.done $0x0  }
0x1a6: {  	[sflag:s28] =	ssyncadd.s32 $0xFFFFC000  }
.Ltmp4:
0x1a7: {  	(pc) =	sbr.rel .LBB2_4-.Ltmp4, $3  }
0x1a8: {  	_ =	sdelay $0x1  }
0x1a9: {  	[tilespmem:s25], [sflag:$0x1] =	stream.indirect.gather [hbm4b:s3+s9], $0x80, s31, s9, $0xb8;
	[tilespmem:$0x19900] =	vst v63  }
0x1aa: {  	s30 =	sadd.s32 $0x60000, s30;
	s31 =	sadd.s32 $0x300, s31  }
.LBB2_7:
0x1ab: {  	_ =	sfence.sel $0x180000  }
0x1ac: {  	[bflag:$0x0] =	sbarrier.arrive $0xFFFF  }
0x1ad: {  	_ =	strace $0x90000047  }
0x1ae: {  	s0 =	stileid.u32;
	[bflag:$0x2] =	sbarrier.arrive $0xFFFF  }
0x1af: {  	p0 =	sne.s32 s0, $0x0;
	s0 =	rddreg [dreg:$0x1]  }
0x1b0: {  	s0 =	sadd.s32 @!p0 $0x100000, s0  }
0x1b1: {  	[sflag:s0] =	ssyncadd.tile.s32 @!p0 $0x1;
	_ =	shalt  }
.Lfunc_end2:
_tile_overlayer_lowered:
.L_overlay_start_2:
0x1b2: {  	(tag) =	ssettag $0x2  }
0x1b3: {  	s0 =	rddreg [dreg:$0x0];
	s2 =	stileid.u32  }
0x1b4: {  	s1 =	rddreg [dreg:$0x1];
	p0 =	sne.s32 s2, $0x0  }
0x1b5: {  	s3 =	rddreg [dreg:$0x2];
	[bflag:$0x3] =	sbarrier.arrive $0xFFFF;
	s2 =	simm.s32 @!p0 $0x1C03  }
0x1b6: {  	[timem:s3], [sflag:s2] =	dma.local @!p0 [hbm:s0], s1  }
0x1b7: {  	s0 =	simm.s32 @!p0 $0x3  }
0x1b8: {  	_ =	swait.ge @!p0 [sflag:s0], s1  }
0x1b9: {  	s1 =	ssub.s32 @!p0 $0x0, s1;
	[sflag:s0] =	ssyncset.done @!p0 $0x0  }
0x1ba: {  	[sflag:s0] =	ssyncadd.s32 @!p0 s1  }
0x1bb: {  	[bflag:$0x3] =	sbarrier.arrive $0xFFFF  }
0x1bc: {  	_ =	shalt  }

</sc_bundles>
